<compile_context>
chip_gen: v7x
topology: tpu7x:2x2x1
jax: 0.10.2.dev20260603
libtpu: 0.0.44.dev20260713+nightly
codegen_flags: <defaults>
</compile_context>

<pallas_src>
import functools

import numpy as np
import jax
import jax.numpy as jnp
from jax import lax
from jax.experimental import pallas as pl
from jax.experimental.pallas import tpu as pltpu, tpu_sc as plsc

_N = 100000
_E = 1600000
_K = 6
_NW = 32
_EW = _E // _NW
_C = 2560
_NCHT = _E // _C
_GF = 128
_NJF = _C // _GF
_NG = _C // 16

_F32 = jnp.float32
_I32 = jnp.int32
_SINPI = float(np.sin(np.float32(np.pi)))


def _full(v, dtype=_I32):
    return jnp.full((16,), v, dtype)


def _rsqrt(x):
    i = lax.bitcast_convert_type(x, _I32)
    i = jnp.int32(0x5F3759DF) - (i >> 1)
    y = lax.bitcast_convert_type(i, _F32)
    for _ in range(3):
        y = y * (1.5 - 0.5 * x * y * y)
    return y


def _cos_poly(t):
    t2 = t * t
    c = jnp.float32(-1.0 / 3628800.0)
    c = c * t2 + jnp.float32(1.0 / 40320.0)
    c = c * t2 + jnp.float32(-1.0 / 720.0)
    c = c * t2 + jnp.float32(1.0 / 24.0)
    c = c * t2 + jnp.float32(-0.5)
    c = c * t2 + jnp.float32(1.0)
    return c


def _sc_body(pos4, b0, b1, a0, a1, a2, d0, d1, d2, d3,
             bk, beq, ak, aeq, ks6, out,
             idx0, idx1, idx2, idx3, rows0, rows1, rows2, rows3,
             pk, pq, ks_0, ks_1, ks_2, ks_3, ks_4, ks_5,
             accv, isem, psem, gsem):
    idxb = [idx0, idx1, idx2, idx3]
    rows = [rows0, rows1, rows2, rows3]
    ksb = [ks_0, ks_1, ks_2, ks_3, ks_4, ks_5]
    wid = lax.axis_index("s") * 2 + lax.axis_index("c")
    accv[...] = jnp.zeros((16,), _F32)

    def gat(s, comp, gi):
        return plsc.load_gather(rows[s], [gi, _full(comp)])

    def bond_grp(gi, g16):
        axc, ayc, azc = gat(0, 0, gi), gat(0, 1, gi), gat(0, 2, gi)
        bxc, byc, bzc = gat(1, 0, gi), gat(1, 1, gi), gat(1, 2, gi)
        dx, dy, dz = axc - bxc, ayc - byc, azc - bzc
        d2 = dx * dx + dy * dy + dz * dz + 1e-12
        d = d2 * _rsqrt(d2)
        k = pk[pl.ds(g16, 16)]
        eq = pq[pl.ds(g16, 16)]
        t = d - eq
        accv[...] = accv[...] + 0.5 * k * t * t

    def ang_grp(gi, g16):
        ix, iy, iz = gat(0, 0, gi), gat(0, 1, gi), gat(0, 2, gi)
        jx, jy, jz = gat(1, 0, gi), gat(1, 1, gi), gat(1, 2, gi)
        kx, ky, kz = gat(2, 0, gi), gat(2, 1, gi), gat(2, 2, gi)
        jix, jiy, jiz = ix - jx, iy - jy, iz - jz
        jkx, jky, jkz = kx - jx, ky - jy, kz - jz
        dot = jix * jkx + jiy * jky + jiz * jkz
        a = jix * jix + jiy * jiy + jiz * jiz + 1e-12
        b = jkx * jkx + jky * jky + jkz * jkz + 1e-12
        ab = a * b
        denom = ab * _rsqrt(ab) + 1e-9
        cosang = dot / denom
        k = pk[pl.ds(g16, 16)]
        eq = pq[pl.ds(g16, 16)]
        t = cosang - _cos_poly(eq)
        accv[...] = accv[...] + 0.5 * k * t * t

    def dih_grp(gi, g16):
        ix, iy, iz = gat(0, 0, gi), gat(0, 1, gi), gat(0, 2, gi)
        jx, jy, jz = gat(1, 0, gi), gat(1, 1, gi), gat(1, 2, gi)
        kx, ky, kz = gat(2, 0, gi), gat(2, 1, gi), gat(2, 2, gi)
        lx, ly, lz = gat(3, 0, gi), gat(3, 1, gi), gat(3, 2, gi)
        b1x, b1y, b1z = jx - ix, jy - iy, jz - iz
        b2x, b2y, b2z = kx - jx, ky - jy, kz - jz
        b3x, b3y, b3z = lx - kx, ly - ky, lz - kz
        n1x = b1y * b2z - b1z * b2y
        n1y = b1z * b2x - b1x * b2z
        n1z = b1x * b2y - b1y * b2x
        n2x = b2y * b3z - b2z * b3y
        n2y = b2z * b3x - b2x * b3z
        n2z = b2x * b3y - b2y * b3x
        b2sq = b2x * b2x + b2y * b2y + b2z * b2z + 1e-12
        rb2 = _rsqrt(b2sq)
        ux, uy, uz = b2x * rb2, b2y * rb2, b2z * rb2
        m1x = n1y * uz - n1z * uy
        m1y = n1z * ux - n1x * uz
        m1z = n1x * uy - n1y * ux
        x = n1x * n2x + n1y * n2y + n1z * n2z + 1e-9
        y = m1x * n2x + m1y * n2y + m1z * n2z
        r2 = jnp.maximum(x * x + y * y, jnp.float32(1e-30))
        ri = _rsqrt(r2)
        c1, s1 = x * ri, y * ri
        e = jnp.zeros((16,), _F32)
        cp, sp = jnp.ones((16,), _F32), jnp.zeros((16,), _F32)
        cc, sc = c1, s1
        two_c1 = c1 + c1
        for h in range(_K):
            ksh = ksb[h][pl.ds(g16, 16)]
            e = e + jnp.abs(ksh) + ksh * cc + \
                jnp.float32(_SINPI) * jnp.maximum(-ksh, 0.0) * sc
            cn = two_c1 * cc - cp
            sn = two_c1 * sc - sp
            cp, sp, cc, sc = cc, sc, cn, sn
        accv[...] = accv[...] + e

    nch_w = (jnp.int32(_NCHT) - wid + jnp.int32(_NW - 1)) // jnp.int32(_NW)

    def run_phase(nslots, idx_srcs, par_pairs, grp_fn):
        def chunk_body(ci, _):
            base = (wid + ci * _NW) * _C
            idescs = [
                pltpu.async_copy(src.at[pl.ds(base, _C)], idxb[s], isem)
                for s, src in enumerate(idx_srcs)
            ]
            pdescs = [
                pltpu.async_copy(src.at[pl.ds(base, _C)], dst, psem)
                for src, dst in par_pairs
            ]
            for dsc in idescs:
                dsc.wait()
            def fire(j, _):
                off = pl.multiple_of(j * _GF, _GF)
                for s in range(nslots):
                    pltpu.async_copy(
                        pos4.at[idxb[s].at[pl.ds(off, _GF)]],
                        rows[s].at[pl.ds(off, _GF)], gsem)
                return 0
            lax.fori_loop(0, _NJF, fire, 0)
            for dsc in pdescs:
                dsc.wait()
            def drain(j, _):
                off = pl.multiple_of(j * _GF, _GF)
                for s in range(nslots):
                    pltpu.make_async_copy(
                        pos4.at[idxb[s].at[pl.ds(off, _GF)]],
                        rows[s].at[pl.ds(off, _GF)], gsem).wait()
                return 0
            lax.fori_loop(0, _NJF, drain, 0)
            def grp(g, _):
                g16 = pl.multiple_of(g * 16, 16)
                gi = g16 + lax.iota(_I32, 16)
                grp_fn(gi, g16)
                return 0
            lax.fori_loop(0, _NG, grp, 0)
            return 0
        lax.fori_loop(0, nch_w, chunk_body, 0)

    run_phase(2, [b0, b1], [(bk, pk), (beq, pq)], bond_grp)
    run_phase(3, [a0, a1, a2], [(ak, pk), (aeq, pq)], ang_grp)
    run_phase(4, [d0, d1, d2, d3],
              [(ks6.at[h], ksb[h]) for h in range(_K)], dih_grp)

    pltpu.sync_copy(accv, out.at[wid])


@functools.lru_cache(maxsize=1)
def _build():
    mesh = plsc.VectorSubcoreMesh(core_axis_name="c", subcore_axis_name="s")
    return pl.kernel(
        _sc_body,
        out_type=jax.ShapeDtypeStruct((_NW, 16), _F32),
        mesh=mesh,
        compiler_params=pltpu.CompilerParams(needs_layout_passes=False, use_tc_tiling_on_sc=False),
        scratch_types=[
            pltpu.VMEM((_C,), _I32),
            pltpu.VMEM((_C,), _I32),
            pltpu.VMEM((_C,), _I32),
            pltpu.VMEM((_C,), _I32),
            pltpu.VMEM((_C, 4), _F32),
            pltpu.VMEM((_C, 4), _F32),
            pltpu.VMEM((_C, 4), _F32),
            pltpu.VMEM((_C, 4), _F32),
            pltpu.VMEM((_C,), _F32),
            pltpu.VMEM((_C,), _F32),
            pltpu.VMEM((_C,), _F32),
            pltpu.VMEM((_C,), _F32),
            pltpu.VMEM((_C,), _F32),
            pltpu.VMEM((_C,), _F32),
            pltpu.VMEM((_C,), _F32),
            pltpu.VMEM((_C,), _F32),
            pltpu.VMEM((16,), _F32),
            pltpu.SemaphoreType.DMA,
            pltpu.SemaphoreType.DMA,
            pltpu.SemaphoreType.DMA,
        ],
    )


def kernel(pos, bonds, angles, dihedrals, bond_k, bond_eq,
           angle_k, angle_eq, proper_ks):
    pos = pos.astype(_F32)
    pos4 = jnp.concatenate([pos, jnp.zeros((_N, 1), _F32)], axis=1)
    b = bonds.astype(_I32)
    a = angles.astype(_I32)
    dh = dihedrals.astype(_I32)
    parts = _build()(
        pos4, b[0], b[1], a[0], a[1], a[2], dh[0], dh[1], dh[2], dh[3],
        bond_k.astype(_F32), bond_eq.astype(_F32),
        angle_k.astype(_F32), angle_eq.astype(_F32),
        proper_ks.astype(_F32).T)
    return jnp.sum(parts)

# --- scband reference (transcript-rebuilt; emitter-appended) ---
"""Pipeline reference for scband-standard-grappa-28080496181632 (READ-ONLY COPY).

The authoritative reference and input builder live on the scoring server;
editing this copy changes nothing except your own understanding.
"""

import jax, jax.numpy as jnp
import numpy as np

N = 100000
E = 1600000
K = 6

def _safe_norm(v, eps=1e-12):
    return jnp.sqrt(jnp.sum(v * v, axis=1) + eps)

def _dihedral_angles(pos, dihedrals, eps=1e-9):
    pi_ = pos[dihedrals[0]]
    pj = pos[dihedrals[1]]
    pk = pos[dihedrals[2]]
    pl = pos[dihedrals[3]]
    b1 = pj - pi_
    b2 = pk - pj
    b3 = pl - pk
    n1 = jnp.cross(b1, b2)
    n2 = jnp.cross(b2, b3)
    b2n = b2 / _safe_norm(b2)[:, None]
    m1 = jnp.cross(n1, b2n)
    x = jnp.sum(n1 * n2, axis=1)
    y = jnp.sum(m1 * n2, axis=1)
    return jnp.arctan2(y, x + eps)

def setup_inputs(seed: int = 0):
    key = jax.random.key(seed)
    ks = jax.random.split(key, 9)
    pos = jax.random.normal(ks[0], (N, 3), dtype=jnp.float32)
    bonds = jax.random.randint(ks[1], (2, E), 0, N, dtype=jnp.int64)
    angles = jax.random.randint(ks[2], (3, E), 0, N, dtype=jnp.int64)
    dihedrals = jax.random.randint(ks[3], (4, E), 0, N, dtype=jnp.int64)
    bond_k = jax.random.uniform(ks[4], (E,), dtype=jnp.float32)
    bond_eq = jax.random.uniform(ks[5], (E,), dtype=jnp.float32)
    angle_k = jax.random.uniform(ks[6], (E,), dtype=jnp.float32)
    angle_eq = jax.random.uniform(ks[7], (E,), dtype=jnp.float32)
    proper_ks = jax.random.normal(ks[8], (E, K), dtype=jnp.float32) * 0.1
    return {"pos": pos, "bonds": bonds, "angles": angles, "dihedrals": dihedrals, "bond_k": bond_k, "bond_eq": bond_eq, "angle_k": angle_k, "angle_eq": angle_eq, "proper_ks": proper_ks}

def reference(pos, bonds, angles, dihedrals, bond_k, bond_eq, angle_k, angle_eq, proper_ks):
    eps = 1e-9
    # Bond energies: 0.5 * Harmonic(k, eq) on pairwise distances
    d = _safe_norm(pos[bonds[0]] - pos[bonds[1]])
    bond_energies = 0.5 * (bond_k * (d - bond_eq) ** 2)
    total_bond_energy = bond_energies.sum()
    # Angle energies: 0.5 * HarmonicAnglesRaw on cos(angle)
    vec_ji = pos[angles[0]] - pos[angles[1]]
    vec_jk = pos[angles[2]] - pos[angles[1]]
    cos_angles = jnp.sum(vec_ji * vec_jk, axis=1) / (_safe_norm(vec_ji) * _safe_norm(vec_jk) + eps)
    cos_angle_eq = jnp.cos(angle_eq)
    angle_energies = 0.5 * (angle_k * (cos_angles - cos_angle_eq) ** 2)
    total_angle_energy = angle_energies.sum()
    # Dihedral energies: FourierSeries over torsion angles
    torsions = _dihedral_angles(pos, dihedrals)
    raw_proper_phases = jnp.where(proper_ks >= 0.0, jnp.zeros_like(proper_ks), jnp.full_like(proper_ks, np.pi))
    raw_proper_ks = jnp.abs(proper_ks)
    raw_k1s = raw_proper_ks * jnp.sin(raw_proper_phases)
    raw_k2s = raw_proper_ks * jnp.cos(raw_proper_phases)
    raw_v_0 = raw_proper_ks.sum(axis=1)
    n = jnp.arange(1, K + 1, dtype=torsions.dtype)
    ang = torsions[:, None] * n[None, :]
    dihedral_energies = raw_v_0 + jnp.sum(raw_k1s * jnp.sin(ang) + raw_k2s * jnp.cos(ang), axis=1)
    total_dihedral_energy = dihedral_energies.sum()
    total_energy = total_bond_energy + total_angle_energy + total_dihedral_energy
    return total_energy

if __name__ == "__main__":
    import jax
    _d = setup_inputs()
    print(jax.jit(kernel)(*tuple(_d.values())))

</pallas_src>

<mosaic_0001>
#map = affine_map<(d0, d1) -> (0, 0)>
#map1 = affine_map<(d0, d1) -> (0)>
module attributes {stable_mosaic.version = 14 : i64} {
  func.func @_sc_body(%arg0: i32, %arg1: i32, %arg2: memref<100000x4xf32, #tpu.memory_space<hbm>>, %arg3: memref<1600000xi32, #tpu.memory_space<hbm>>, %arg4: memref<1600000xi32, #tpu.memory_space<hbm>>, %arg5: memref<1600000xi32, #tpu.memory_space<hbm>>, %arg6: memref<1600000xi32, #tpu.memory_space<hbm>>, %arg7: memref<1600000xi32, #tpu.memory_space<hbm>>, %arg8: memref<1600000xi32, #tpu.memory_space<hbm>>, %arg9: memref<1600000xi32, #tpu.memory_space<hbm>>, %arg10: memref<1600000xi32, #tpu.memory_space<hbm>>, %arg11: memref<1600000xi32, #tpu.memory_space<hbm>>, %arg12: memref<1600000xf32, #tpu.memory_space<hbm>>, %arg13: memref<1600000xf32, #tpu.memory_space<hbm>>, %arg14: memref<1600000xf32, #tpu.memory_space<hbm>>, %arg15: memref<1600000xf32, #tpu.memory_space<hbm>>, %arg16: memref<6x1600000xf32, #tpu.memory_space<hbm>>, %arg17: memref<32x16xf32, #tpu.memory_space<hbm>>, %arg18: memref<2560xi32, #tpu.memory_space<vmem>>, %arg19: memref<2560xi32, #tpu.memory_space<vmem>>, %arg20: memref<2560xi32, #tpu.memory_space<vmem>>, %arg21: memref<2560xi32, #tpu.memory_space<vmem>>, %arg22: memref<2560x4xf32, #tpu.memory_space<vmem>>, %arg23: memref<2560x4xf32, #tpu.memory_space<vmem>>, %arg24: memref<2560x4xf32, #tpu.memory_space<vmem>>, %arg25: memref<2560x4xf32, #tpu.memory_space<vmem>>, %arg26: memref<2560xf32, #tpu.memory_space<vmem>>, %arg27: memref<2560xf32, #tpu.memory_space<vmem>>, %arg28: memref<2560xf32, #tpu.memory_space<vmem>>, %arg29: memref<2560xf32, #tpu.memory_space<vmem>>, %arg30: memref<2560xf32, #tpu.memory_space<vmem>>, %arg31: memref<2560xf32, #tpu.memory_space<vmem>>, %arg32: memref<2560xf32, #tpu.memory_space<vmem>>, %arg33: memref<2560xf32, #tpu.memory_space<vmem>>, %arg34: memref<16xf32, #tpu.memory_space<vmem>>, %arg35: memref<!tpu.dma_semaphore, #tpu.memory_space<semaphore_mem>>, %arg36: memref<!tpu.dma_semaphore, #tpu.memory_space<semaphore_mem>>, %arg37: memref<!tpu.dma_semaphore, #tpu.memory_space<semaphore_mem>>) attributes {dimension_semantics = [#tpu.dimension_semantics<core_parallel>, #tpu.dimension_semantics<subcore_parallel>], iteration_bounds = array<i64: 2, 16>, scalar_prefetch = 0 : i64, scratch_operands = 20 : i64, tpu.core_type = #tpu.core_type<sc_vector_subcore>, window_params = [{transform_indices = #map}, {transform_indices = #map1}, {transform_indices = #map1}, {transform_indices = #map1}, {transform_indices = #map1}, {transform_indices = #map1}, {transform_indices = #map1}, {transform_indices = #map1}, {transform_indices = #map1}, {transform_indices = #map1}, {transform_indices = #map1}, {transform_indices = #map1}, {transform_indices = #map1}, {transform_indices = #map1}, {transform_indices = #map}, {transform_indices = #map}]} {
    %mul3A = arith.constant 2 : i32
    %mul3A_0 = arith.muli %arg1, %mul3A : i32
    %add3A = arith.addi %mul3A_0, %arg0 : i32
    %broadcast_in_dim3A = arith.constant 0.000000e+00 : f32
    %broadcast_in_dim3A_1 = vector.broadcast %broadcast_in_dim3A : f32 to vector<16xf32>
    %swap3A = arith.constant 0 : index
    %swap3A_2 = tpu.vector_load %arg34[%swap3A] {strides = array<i32>} : memref<16xf32, #tpu.memory_space<vmem>>, vector<16xf32>,
    tpu.vector_store %arg34[%swap3A], %broadcast_in_dim3A_1 {strides = array<i32>} : memref<16xf32, #tpu.memory_space<vmem>>, vector<16xf32>,
    %sub3A = arith.constant 625 : i32
    %sub3A_3 = arith.subi %sub3A, %add3A : i32
    %add3A_4 = arith.constant 31 : i32
    %add3A_5 = arith.addi %sub3A_3, %add3A_4 : i32
    %jit3A = arith.constant 32 : i32
    %div3A = arith.divsi %add3A_5, %jit3A : i32
    %sign3A = arith.constant 0 : i32
    %sign3A_6 = arith.cmpi sgt, %add3A_5, %sign3A : i32
    %sign3A_7 = arith.extui %sign3A_6 : i1 to i32
    %sign3A_8 = arith.constant 0 : i32
    %sign3A_9 = arith.cmpi slt, %add3A_5, %sign3A_8 : i32
    %sign3A_10 = arith.extui %sign3A_9 : i1 to i32
    %sign3A_11 = arith.subi %sign3A_7, %sign3A_10 : i32
    %sign3A_12 = arith.constant 0 : i32
    %sign3A_13 = arith.cmpi sgt, %jit3A, %sign3A_12 : i32
    %sign3A_14 = arith.extui %sign3A_13 : i1 to i32
    %sign3A_15 = arith.constant 0 : i32
    %sign3A_16 = arith.cmpi slt, %jit3A, %sign3A_15 : i32
    %sign3A_17 = arith.extui %sign3A_16 : i1 to i32
    %sign3A_18 = arith.subi %sign3A_14, %sign3A_17 : i32
    %ne3A = arith.cmpi ne, %sign3A_11, %sign3A_18 : i32
    %rem3A = arith.remsi %add3A_5, %jit3A : i32
    %ne3A_19 = arith.constant 0 : i32
    %ne3A_20 = arith.cmpi ne, %rem3A, %ne3A_19 : i32
    %and3A = arith.andi %ne3A, %ne3A_20 : i1
    %sub3A_21 = arith.constant 1 : i32
    %sub3A_22 = arith.subi %div3A, %sub3A_21 : i32
    %select_n3A = arith.select %and3A, %sub3A_22, %div3A : i32
    %while3A = arith.constant 0 : i32
    %while3A_23 = arith.constant 0 : i32
    %while3A_24 = arith.subi %select_n3A, %while3A : i32
    %while3A_25 = arith.addi %while3A, %while3A_24 : i32
    %while3A_26 = arith.constant 1 : i32
    %while3A_27 = arith.divsi %while3A_24, %while3A_26 : i32
    %while3A_28 = arith.muli %while3A_27, %while3A_26 : i32
    %while3A_29 = arith.addi %while3A, %while3A_28 : i32
    %while3A_30 = arith.constant 1 : i32
    %while3A_31 = scf.for %while3A_64 = %while3A to %while3A_29 step %while3A_30 iter_args(%while3A_65 = %while3A_23) -> (i32)  : i32 {
      %mul3A_66 = arith.constant 32 : i32
      %mul3A_67 = arith.muli %while3A_64, %mul3A_66 : i32
      %add3A_68 = arith.addi %add3A, %mul3A_67 : i32
      %mul3A_69 = arith.constant 2560 : i32
      %mul3A_70 = arith.muli %add3A_68, %mul3A_69 : i32
      %dma_start3A = tpu.memref_slice %arg3[%mul3A_70] : memref<1600000xi32, #tpu.memory_space<hbm>> -> memref<2560xi32, #tpu.memory_space<hbm>>
      %dma_start3A_71 = tpu.memref_slice %arg3[%mul3A_70] : memref<1600000xi32, #tpu.memory_space<hbm>> -> memref<2560xi32, #tpu.memory_space<hbm>>
      tpu.enqueue_dma source(%dma_start3A_71 : memref<2560xi32, #tpu.memory_space<hbm>>) target(%arg18 : memref<2560xi32, #tpu.memory_space<vmem>>) target_semaphore(%arg35 : memref<!tpu.dma_semaphore, #tpu.memory_space<semaphore_mem>>)
      %dma_start3A_72 = tpu.memref_slice %arg4[%mul3A_70] : memref<1600000xi32, #tpu.memory_space<hbm>> -> memref<2560xi32, #tpu.memory_space<hbm>>
      %dma_start3A_73 = tpu.memref_slice %arg4[%mul3A_70] : memref<1600000xi32, #tpu.memory_space<hbm>> -> memref<2560xi32, #tpu.memory_space<hbm>>
      tpu.enqueue_dma source(%dma_start3A_73 : memref<2560xi32, #tpu.memory_space<hbm>>) target(%arg19 : memref<2560xi32, #tpu.memory_space<vmem>>) target_semaphore(%arg35 : memref<!tpu.dma_semaphore, #tpu.memory_space<semaphore_mem>>)
      %dma_start3A_74 = tpu.memref_slice %arg12[%mul3A_70] : memref<1600000xf32, #tpu.memory_space<hbm>> -> memref<2560xf32, #tpu.memory_space<hbm>>
      %dma_start3A_75 = tpu.memref_slice %arg12[%mul3A_70] : memref<1600000xf32, #tpu.memory_space<hbm>> -> memref<2560xf32, #tpu.memory_space<hbm>>
      tpu.enqueue_dma source(%dma_start3A_75 : memref<2560xf32, #tpu.memory_space<hbm>>) target(%arg26 : memref<2560xf32, #tpu.memory_space<vmem>>) target_semaphore(%arg36 : memref<!tpu.dma_semaphore, #tpu.memory_space<semaphore_mem>>)
      %dma_start3A_76 = tpu.memref_slice %arg13[%mul3A_70] : memref<1600000xf32, #tpu.memory_space<hbm>> -> memref<2560xf32, #tpu.memory_space<hbm>>
      %dma_start3A_77 = tpu.memref_slice %arg13[%mul3A_70] : memref<1600000xf32, #tpu.memory_space<hbm>> -> memref<2560xf32, #tpu.memory_space<hbm>>
      tpu.enqueue_dma source(%dma_start3A_77 : memref<2560xf32, #tpu.memory_space<hbm>>) target(%arg27 : memref<2560xf32, #tpu.memory_space<vmem>>) target_semaphore(%arg36 : memref<!tpu.dma_semaphore, #tpu.memory_space<semaphore_mem>>)
      %dma_wait3A = tpu.memref_slice %arg3[%mul3A_70] : memref<1600000xi32, #tpu.memory_space<hbm>> -> memref<2560xi32, #tpu.memory_space<hbm>>
      %dma_wait3A_78 = tpu.memref_slice %arg3[%mul3A_70] : memref<1600000xi32, #tpu.memory_space<hbm>> -> memref<2560xi32, #tpu.memory_space<hbm>>
      tpu.wait_dma2 semaphore(%arg35 : memref<!tpu.dma_semaphore, #tpu.memory_space<semaphore_mem>>) src(%dma_wait3A_78 : memref<2560xi32, #tpu.memory_space<hbm>>) dst(%arg18 : memref<2560xi32, #tpu.memory_space<vmem>>)
      %dma_wait3A_79 = tpu.memref_slice %arg4[%mul3A_70] : memref<1600000xi32, #tpu.memory_space<hbm>> -> memref<2560xi32, #tpu.memory_space<hbm>>
      %dma_wait3A_80 = tpu.memref_slice %arg4[%mul3A_70] : memref<1600000xi32, #tpu.memory_space<hbm>> -> memref<2560xi32, #tpu.memory_space<hbm>>
      tpu.wait_dma2 semaphore(%arg35 : memref<!tpu.dma_semaphore, #tpu.memory_space<semaphore_mem>>) src(%dma_wait3A_80 : memref<2560xi32, #tpu.memory_space<hbm>>) dst(%arg19 : memref<2560xi32, #tpu.memory_space<vmem>>)
      %scan3A = arith.constant 0 : i32
      %scan3A_81 = arith.constant 0 : i32
      %scan3A_82 = arith.constant 20 : i32
      %scan3A_83 = arith.addi %scan3A_81, %scan3A_82 : i32
      %scan3A_84 = arith.constant 1 : i32
      %scan3A_85 = scf.for %scan3A_106 = %scan3A_81 to %scan3A_83 step %scan3A_84 iter_args(%scan3A_107 = %scan3A) -> (i32)  : i32 {
        %mul3A_108 = arith.constant 128 : i32
        %mul3A_109 = arith.muli %scan3A_106, %mul3A_108 : i32
        %multiple_of3A = tpu.assume_multiple %mul3A_109, 128 : i32
        %dma_start3A_110 = arith.constant 0 : i32
        %dma_start3A_111 = tpu.memref_slice %arg22[%multiple_of3A, %dma_start3A_110] : memref<2560x4xf32, #tpu.memory_space<vmem>> -> memref<128x4xf32, #tpu.memory_space<vmem>>
        %dma_start3A_112 = tpu.memref_slice %arg18[%multiple_of3A] : memref<2560xi32, #tpu.memory_space<vmem>> -> memref<128xi32, #tpu.memory_space<vmem>>
        %dma_start3A_113 = arith.constant 0 : i32
        %dma_start3A_114 = arith.constant 0 : i32
        %dma_start3A_115 = tpu.memref_slice %arg2[%dma_start3A_113, %dma_start3A_114] : memref<100000x4xf32, #tpu.memory_space<hbm>> -> memref<100000x4xf32, #tpu.memory_space<hbm>>
        tpu.enqueue_indirect_dma source(%dma_start3A_115 : memref<100000x4xf32, #tpu.memory_space<hbm>>) target(%dma_start3A_111 : memref<128x4xf32, #tpu.memory_space<vmem>>) offsets(%dma_start3A_112 : memref<128xi32, #tpu.memory_space<vmem>>) semaphore(%arg37 : memref<!tpu.dma_semaphore, #tpu.memory_space<semaphore_mem>>)
        %dma_start3A_116 = arith.constant 0 : i32
        %dma_start3A_117 = tpu.memref_slice %arg23[%multiple_of3A, %dma_start3A_116] : memref<2560x4xf32, #tpu.memory_space<vmem>> -> memref<128x4xf32, #tpu.memory_space<vmem>>
        %dma_start3A_118 = tpu.memref_slice %arg19[%multiple_of3A] : memref<2560xi32, #tpu.memory_space<vmem>> -> memref<128xi32, #tpu.memory_space<vmem>>
        %dma_start3A_119 = arith.constant 0 : i32
        %dma_start3A_120 = arith.constant 0 : i32
        %dma_start3A_121 = tpu.memref_slice %arg2[%dma_start3A_119, %dma_start3A_120] : memref<100000x4xf32, #tpu.memory_space<hbm>> -> memref<100000x4xf32, #tpu.memory_space<hbm>>
        tpu.enqueue_indirect_dma source(%dma_start3A_121 : memref<100000x4xf32, #tpu.memory_space<hbm>>) target(%dma_start3A_117 : memref<128x4xf32, #tpu.memory_space<vmem>>) offsets(%dma_start3A_118 : memref<128xi32, #tpu.memory_space<vmem>>) semaphore(%arg37 : memref<!tpu.dma_semaphore, #tpu.memory_space<semaphore_mem>>)
        %scan3A_122 = arith.constant 0 : i32
        scf.yield %scan3A_122 : i32
      }
      %scan3A_86 = arith.constant 20 : i32
      %dma_wait3A_87 = tpu.memref_slice %arg12[%mul3A_70] : memref<1600000xf32, #tpu.memory_space<hbm>> -> memref<2560xf32, #tpu.memory_space<hbm>>
      %dma_wait3A_88 = tpu.memref_slice %arg12[%mul3A_70] : memref<1600000xf32, #tpu.memory_space<hbm>> -> memref<2560xf32, #tpu.memory_space<hbm>>
      tpu.wait_dma2 semaphore(%arg36 : memref<!tpu.dma_semaphore, #tpu.memory_space<semaphore_mem>>) src(%dma_wait3A_88 : memref<2560xf32, #tpu.memory_space<hbm>>) dst(%arg26 : memref<2560xf32, #tpu.memory_space<vmem>>)
      %dma_wait3A_89 = tpu.memref_slice %arg13[%mul3A_70] : memref<1600000xf32, #tpu.memory_space<hbm>> -> memref<2560xf32, #tpu.memory_space<hbm>>
      %dma_wait3A_90 = tpu.memref_slice %arg13[%mul3A_70] : memref<1600000xf32, #tpu.memory_space<hbm>> -> memref<2560xf32, #tpu.memory_space<hbm>>
      tpu.wait_dma2 semaphore(%arg36 : memref<!tpu.dma_semaphore, #tpu.memory_space<semaphore_mem>>) src(%dma_wait3A_90 : memref<2560xf32, #tpu.memory_space<hbm>>) dst(%arg27 : memref<2560xf32, #tpu.memory_space<vmem>>)
      %scan3A_91 = arith.constant 0 : i32
      %scan3A_92 = arith.constant 0 : i32
      %scan3A_93 = arith.constant 20 : i32
      %scan3A_94 = arith.addi %scan3A_92, %scan3A_93 : i32
      %scan3A_95 = arith.constant 1 : i32
      %scan3A_96 = scf.for %scan3A_106 = %scan3A_92 to %scan3A_94 step %scan3A_95 iter_args(%scan3A_107 = %scan3A_91) -> (i32)  : i32 {
        %mul3A_108 = arith.constant 128 : i32
        %mul3A_109 = arith.muli %scan3A_106, %mul3A_108 : i32
        %multiple_of3A = tpu.assume_multiple %mul3A_109, 128 : i32
        %dma_wait3A_110 = arith.constant 0 : i32
        %dma_wait3A_111 = tpu.memref_slice %arg22[%multiple_of3A, %dma_wait3A_110] : memref<2560x4xf32, #tpu.memory_space<vmem>> -> memref<128x4xf32, #tpu.memory_space<vmem>>
        %dma_wait3A_112 = tpu.memref_slice %arg18[%multiple_of3A] : memref<2560xi32, #tpu.memory_space<vmem>> -> memref<128xi32, #tpu.memory_space<vmem>>
        %dma_wait3A_113 = arith.constant 0 : i32
        %dma_wait3A_114 = arith.constant 0 : i32
        %dma_wait3A_115 = tpu.memref_slice %arg2[%dma_wait3A_113, %dma_wait3A_114] : memref<100000x4xf32, #tpu.memory_space<hbm>> -> memref<100000x4xf32, #tpu.memory_space<hbm>>
        tpu.wait_indirect_dma semaphore(%arg37 : memref<!tpu.dma_semaphore, #tpu.memory_space<semaphore_mem>>) src(%dma_wait3A_115 : memref<100000x4xf32, #tpu.memory_space<hbm>>) dst(%dma_wait3A_111 : memref<128x4xf32, #tpu.memory_space<vmem>>)
        %dma_wait3A_116 = arith.constant 0 : i32
        %dma_wait3A_117 = tpu.memref_slice %arg23[%multiple_of3A, %dma_wait3A_116] : memref<2560x4xf32, #tpu.memory_space<vmem>> -> memref<128x4xf32, #tpu.memory_space<vmem>>
        %dma_wait3A_118 = tpu.memref_slice %arg19[%multiple_of3A] : memref<2560xi32, #tpu.memory_space<vmem>> -> memref<128xi32, #tpu.memory_space<vmem>>
        %dma_wait3A_119 = arith.constant 0 : i32
        %dma_wait3A_120 = arith.constant 0 : i32
        %dma_wait3A_121 = tpu.memref_slice %arg2[%dma_wait3A_119, %dma_wait3A_120] : memref<100000x4xf32, #tpu.memory_space<hbm>> -> memref<100000x4xf32, #tpu.memory_space<hbm>>
        tpu.wait_indirect_dma semaphore(%arg37 : memref<!tpu.dma_semaphore, #tpu.memory_space<semaphore_mem>>) src(%dma_wait3A_121 : memref<100000x4xf32, #tpu.memory_space<hbm>>) dst(%dma_wait3A_117 : memref<128x4xf32, #tpu.memory_space<vmem>>)
        %scan3A_122 = arith.constant 0 : i32
        scf.yield %scan3A_122 : i32
      }
      %scan3A_97 = arith.constant 20 : i32
      %scan3A_98 = arith.constant 0 : i32
      %scan3A_99 = arith.constant 0 : i32
      %scan3A_100 = arith.constant 160 : i32
      %scan3A_101 = arith.addi %scan3A_99, %scan3A_100 : i32
      %scan3A_102 = arith.constant 1 : i32
      %scan3A_103 = scf.for %scan3A_106 = %scan3A_99 to %scan3A_101 step %scan3A_102 iter_args(%scan3A_107 = %scan3A_98) -> (i32)  : i32 {
        %mul3A_108 = arith.constant 16 : i32
        %mul3A_109 = arith.muli %scan3A_106, %mul3A_108 : i32
        %multiple_of3A = tpu.assume_multiple %mul3A_109, 16 : i32
        %iota3A = tpu.iota {dimensions = array<i32: 0>} : vector<16xi32>
        %add3A_110 = vector.broadcast %multiple_of3A : i32 to vector<16xi32>
        %add3A_111 = arith.addi %add3A_110, %iota3A : vector<16xi32>
        %broadcast_in_dim3A_112 = arith.constant 0 : i32
        %broadcast_in_dim3A_113 = vector.broadcast %broadcast_in_dim3A_112 : i32 to vector<16xi32>
        %gather3A = tpu.vector_load_idx %arg22[%add3A_111, %broadcast_in_dim3A_113] : memref<2560x4xf32, #tpu.memory_space<vmem>>[vector<16xi32>, vector<16xi32>], vector<16xf32>,
        %broadcast_in_dim3A_114 = arith.constant 1 : i32
        %broadcast_in_dim3A_115 = vector.broadcast %broadcast_in_dim3A_114 : i32 to vector<16xi32>
        %gather3A_116 = tpu.vector_load_idx %arg22[%add3A_111, %broadcast_in_dim3A_115] : memref<2560x4xf32, #tpu.memory_space<vmem>>[vector<16xi32>, vector<16xi32>], vector<16xf32>,
        %broadcast_in_dim3A_117 = arith.constant 2 : i32
        %broadcast_in_dim3A_118 = vector.broadcast %broadcast_in_dim3A_117 : i32 to vector<16xi32>
        %gather3A_119 = tpu.vector_load_idx %arg22[%add3A_111, %broadcast_in_dim3A_118] : memref<2560x4xf32, #tpu.memory_space<vmem>>[vector<16xi32>, vector<16xi32>], vector<16xf32>,
        %broadcast_in_dim3A_120 = arith.constant 0 : i32
        %broadcast_in_dim3A_121 = vector.broadcast %broadcast_in_dim3A_120 : i32 to vector<16xi32>
        %gather3A_122 = tpu.vector_load_idx %arg23[%add3A_111, %broadcast_in_dim3A_121] : memref<2560x4xf32, #tpu.memory_space<vmem>>[vector<16xi32>, vector<16xi32>], vector<16xf32>,
        %broadcast_in_dim3A_123 = arith.constant 1 : i32
        %broadcast_in_dim3A_124 = vector.broadcast %broadcast_in_dim3A_123 : i32 to vector<16xi32>
        %gather3A_125 = tpu.vector_load_idx %arg23[%add3A_111, %broadcast_in_dim3A_124] : memref<2560x4xf32, #tpu.memory_space<vmem>>[vector<16xi32>, vector<16xi32>], vector<16xf32>,
        %broadcast_in_dim3A_126 = arith.constant 2 : i32
        %broadcast_in_dim3A_127 = vector.broadcast %broadcast_in_dim3A_126 : i32 to vector<16xi32>
        %gather3A_128 = tpu.vector_load_idx %arg23[%add3A_111, %broadcast_in_dim3A_127] : memref<2560x4xf32, #tpu.memory_space<vmem>>[vector<16xi32>, vector<16xi32>], vector<16xf32>,
        %sub3A_129 = arith.subf %gather3A, %gather3A_122 : vector<16xf32>
        %sub3A_130 = arith.subf %gather3A_116, %gather3A_125 : vector<16xf32>
        %sub3A_131 = arith.subf %gather3A_119, %gather3A_128 : vector<16xf32>
        %mul3A_132 = arith.mulf %sub3A_129, %sub3A_129 : vector<16xf32>
        %mul3A_133 = arith.mulf %sub3A_130, %sub3A_130 : vector<16xf32>
        %add3A_134 = arith.addf %mul3A_132, %mul3A_133 : vector<16xf32>
        %mul3A_135 = arith.mulf %sub3A_131, %sub3A_131 : vector<16xf32>
        %add3A_136 = arith.addf %add3A_134, %mul3A_135 : vector<16xf32>
        %add3A_137 = arith.constant 9.99999996E-13 : f32
        %add3A_138 = vector.broadcast %add3A_137 : f32 to vector<16xf32>
        %add3A_139 = arith.addf %add3A_136, %add3A_138 : vector<16xf32>
        %bitcast_convert_type3A = tpu.bitcast %add3A_139 : vector<16xf32> -> vector<16xi32>
        %shift_right_arithmetic3A = arith.constant 1 : i32
        %shift_right_arithmetic3A_140 = vector.broadcast %shift_right_arithmetic3A : i32 to vector<16xi32>
        %shift_right_arithmetic3A_141 = arith.shrsi %bitcast_convert_type3A, %shift_right_arithmetic3A_140 : vector<16xi32>
        %sub3A_142 = arith.constant 1597463007 : i32
        %sub3A_143 = vector.broadcast %sub3A_142 : i32 to vector<16xi32>
        %sub3A_144 = arith.subi %sub3A_143, %shift_right_arithmetic3A_141 : vector<16xi32>
        %bitcast_convert_type3A_145 = tpu.bitcast %sub3A_144 : vector<16xi32> -> vector<16xf32>
        %mul3A_146 = arith.constant 5.000000e-01 : f32
        %mul3A_147 = vector.broadcast %mul3A_146 : f32 to vector<16xf32>
        %mul3A_148 = arith.mulf %mul3A_147, %add3A_139 : vector<16xf32>
        %mul3A_149 = arith.mulf %mul3A_148, %bitcast_convert_type3A_145 : vector<16xf32>
        %mul3A_150 = arith.mulf %mul3A_149, %bitcast_convert_type3A_145 : vector<16xf32>
        %sub3A_151 = arith.constant 1.500000e+00 : f32
        %sub3A_152 = vector.broadcast %sub3A_151 : f32 to vector<16xf32>
        %sub3A_153 = arith.subf %sub3A_152, %mul3A_150 : vector<16xf32>
        %mul3A_154 = arith.mulf %bitcast_convert_type3A_145, %sub3A_153 : vector<16xf32>
        %mul3A_155 = arith.constant 5.000000e-01 : f32
        %mul3A_156 = vector.broadcast %mul3A_155 : f32 to vector<16xf32>
        %mul3A_157 = arith.mulf %mul3A_156, %add3A_139 : vector<16xf32>
        %mul3A_158 = arith.mulf %mul3A_157, %mul3A_154 : vector<16xf32>
        %mul3A_159 = arith.mulf %mul3A_158, %mul3A_154 : vector<16xf32>
        %sub3A_160 = arith.constant 1.500000e+00 : f32
        %sub3A_161 = vector.broadcast %sub3A_160 : f32 to vector<16xf32>
        %sub3A_162 = arith.subf %sub3A_161, %mul3A_159 : vector<16xf32>
        %mul3A_163 = arith.mulf %mul3A_154, %sub3A_162 : vector<16xf32>
        %mul3A_164 = arith.constant 5.000000e-01 : f32
        %mul3A_165 = vector.broadcast %mul3A_164 : f32 to vector<16xf32>
        %mul3A_166 = arith.mulf %mul3A_165, %add3A_139 : vector<16xf32>
        %mul3A_167 = arith.mulf %mul3A_166, %mul3A_163 : vector<16xf32>
        %mul3A_168 = arith.mulf %mul3A_167, %mul3A_163 : vector<16xf32>
        %sub3A_169 = arith.constant 1.500000e+00 : f32
        %sub3A_170 = vector.broadcast %sub3A_169 : f32 to vector<16xf32>
        %sub3A_171 = arith.subf %sub3A_170, %mul3A_168 : vector<16xf32>
        %mul3A_172 = arith.mulf %mul3A_163, %sub3A_171 : vector<16xf32>
        %mul3A_173 = arith.mulf %add3A_139, %mul3A_172 : vector<16xf32>
        %get3A = arith.index_cast %multiple_of3A : i32 to index
        %get3A_174 = tpu.vector_load %arg26[%get3A] {strides = array<i32>} : memref<2560xf32, #tpu.memory_space<vmem>>, vector<16xf32>,
        %get3A_175 = arith.index_cast %multiple_of3A : i32 to index
        %get3A_176 = tpu.vector_load %arg27[%get3A_175] {strides = array<i32>} : memref<2560xf32, #tpu.memory_space<vmem>>, vector<16xf32>,
        %sub3A_177 = arith.subf %mul3A_173, %get3A_176 : vector<16xf32>
        %get3A_178 = arith.constant 0 : index
        %get3A_179 = tpu.vector_load %arg34[%get3A_178] {strides = array<i32>} : memref<16xf32, #tpu.memory_space<vmem>>, vector<16xf32>,
        %mul3A_180 = arith.constant 5.000000e-01 : f32
        %mul3A_181 = vector.broadcast %mul3A_180 : f32 to vector<16xf32>
        %mul3A_182 = arith.mulf %mul3A_181, %get3A_174 : vector<16xf32>
        %mul3A_183 = arith.mulf %mul3A_182, %sub3A_177 : vector<16xf32>
        %mul3A_184 = arith.mulf %mul3A_183, %sub3A_177 : vector<16xf32>
        %add3A_185 = arith.addf %get3A_179, %mul3A_184 : vector<16xf32>
        %swap3A_186 = arith.constant 0 : index
        %swap3A_187 = tpu.vector_load %arg34[%swap3A_186] {strides = array<i32>} : memref<16xf32, #tpu.memory_space<vmem>>, vector<16xf32>,
        tpu.vector_store %arg34[%swap3A_186], %add3A_185 {strides = array<i32>} : memref<16xf32, #tpu.memory_space<vmem>>, vector<16xf32>,
        %scan3A_188 = arith.constant 0 : i32
        scf.yield %scan3A_188 : i32
      }
      %scan3A_104 = arith.constant 160 : i32
      %while3A_105 = arith.constant 0 : i32
      scf.yield %while3A_105 : i32
    }
    %while3A_32 = arith.constant 1 : i32
    %while3A_33 = scf.for %while3A_64 = %while3A_29 to %while3A_25 step %while3A_32 iter_args(%while3A_65 = %while3A_31) -> (i32)  : i32 {
      %mul3A_66 = arith.constant 32 : i32
      %mul3A_67 = arith.muli %while3A_64, %mul3A_66 : i32
      %add3A_68 = arith.addi %add3A, %mul3A_67 : i32
      %mul3A_69 = arith.constant 2560 : i32
      %mul3A_70 = arith.muli %add3A_68, %mul3A_69 : i32
      %dma_start3A = tpu.memref_slice %arg3[%mul3A_70] : memref<1600000xi32, #tpu.memory_space<hbm>> -> memref<2560xi32, #tpu.memory_space<hbm>>
      %dma_start3A_71 = tpu.memref_slice %arg3[%mul3A_70] : memref<1600000xi32, #tpu.memory_space<hbm>> -> memref<2560xi32, #tpu.memory_space<hbm>>
      tpu.enqueue_dma source(%dma_start3A_71 : memref<2560xi32, #tpu.memory_space<hbm>>) target(%arg18 : memref<2560xi32, #tpu.memory_space<vmem>>) target_semaphore(%arg35 : memref<!tpu.dma_semaphore, #tpu.memory_space<semaphore_mem>>)
      %dma_start3A_72 = tpu.memref_slice %arg4[%mul3A_70] : memref<1600000xi32, #tpu.memory_space<hbm>> -> memref<2560xi32, #tpu.memory_space<hbm>>
      %dma_start3A_73 = tpu.memref_slice %arg4[%mul3A_70] : memref<1600000xi32, #tpu.memory_space<hbm>> -> memref<2560xi32, #tpu.memory_space<hbm>>
      tpu.enqueue_dma source(%dma_start3A_73 : memref<2560xi32, #tpu.memory_space<hbm>>) target(%arg19 : memref<2560xi32, #tpu.memory_space<vmem>>) target_semaphore(%arg35 : memref<!tpu.dma_semaphore, #tpu.memory_space<semaphore_mem>>)
      %dma_start3A_74 = tpu.memref_slice %arg12[%mul3A_70] : memref<1600000xf32, #tpu.memory_space<hbm>> -> memref<2560xf32, #tpu.memory_space<hbm>>
      %dma_start3A_75 = tpu.memref_slice %arg12[%mul3A_70] : memref<1600000xf32, #tpu.memory_space<hbm>> -> memref<2560xf32, #tpu.memory_space<hbm>>
      tpu.enqueue_dma source(%dma_start3A_75 : memref<2560xf32, #tpu.memory_space<hbm>>) target(%arg26 : memref<2560xf32, #tpu.memory_space<vmem>>) target_semaphore(%arg36 : memref<!tpu.dma_semaphore, #tpu.memory_space<semaphore_mem>>)
      %dma_start3A_76 = tpu.memref_slice %arg13[%mul3A_70] : memref<1600000xf32, #tpu.memory_space<hbm>> -> memref<2560xf32, #tpu.memory_space<hbm>>
      %dma_start3A_77 = tpu.memref_slice %arg13[%mul3A_70] : memref<1600000xf32, #tpu.memory_space<hbm>> -> memref<2560xf32, #tpu.memory_space<hbm>>
      tpu.enqueue_dma source(%dma_start3A_77 : memref<2560xf32, #tpu.memory_space<hbm>>) target(%arg27 : memref<2560xf32, #tpu.memory_space<vmem>>) target_semaphore(%arg36 : memref<!tpu.dma_semaphore, #tpu.memory_space<semaphore_mem>>)
      %dma_wait3A = tpu.memref_slice %arg3[%mul3A_70] : memref<1600000xi32, #tpu.memory_space<hbm>> -> memref<2560xi32, #tpu.memory_space<hbm>>
      %dma_wait3A_78 = tpu.memref_slice %arg3[%mul3A_70] : memref<1600000xi32, #tpu.memory_space<hbm>> -> memref<2560xi32, #tpu.memory_space<hbm>>
      tpu.wait_dma2 semaphore(%arg35 : memref<!tpu.dma_semaphore, #tpu.memory_space<semaphore_mem>>) src(%dma_wait3A_78 : memref<2560xi32, #tpu.memory_space<hbm>>) dst(%arg18 : memref<2560xi32, #tpu.memory_space<vmem>>)
      %dma_wait3A_79 = tpu.memref_slice %arg4[%mul3A_70] : memref<1600000xi32, #tpu.memory_space<hbm>> -> memref<2560xi32, #tpu.memory_space<hbm>>
      %dma_wait3A_80 = tpu.memref_slice %arg4[%mul3A_70] : memref<1600000xi32, #tpu.memory_space<hbm>> -> memref<2560xi32, #tpu.memory_space<hbm>>
      tpu.wait_dma2 semaphore(%arg35 : memref<!tpu.dma_semaphore, #tpu.memory_space<semaphore_mem>>) src(%dma_wait3A_80 : memref<2560xi32, #tpu.memory_space<hbm>>) dst(%arg19 : memref<2560xi32, #tpu.memory_space<vmem>>)
      %scan3A = arith.constant 0 : i32
      %scan3A_81 = arith.constant 0 : i32
      %scan3A_82 = arith.constant 20 : i32
      %scan3A_83 = arith.addi %scan3A_81, %scan3A_82 : i32
      %scan3A_84 = arith.constant 1 : i32
      %scan3A_85 = scf.for %scan3A_106 = %scan3A_81 to %scan3A_83 step %scan3A_84 iter_args(%scan3A_107 = %scan3A) -> (i32)  : i32 {
        %mul3A_108 = arith.constant 128 : i32
        %mul3A_109 = arith.muli %scan3A_106, %mul3A_108 : i32
        %multiple_of3A = tpu.assume_multiple %mul3A_109, 128 : i32
        %dma_start3A_110 = arith.constant 0 : i32
        %dma_start3A_111 = tpu.memref_slice %arg22[%multiple_of3A, %dma_start3A_110] : memref<2560x4xf32, #tpu.memory_space<vmem>> -> memref<128x4xf32, #tpu.memory_space<vmem>>
        %dma_start3A_112 = tpu.memref_slice %arg18[%multiple_of3A] : memref<2560xi32, #tpu.memory_space<vmem>> -> memref<128xi32, #tpu.memory_space<vmem>>
        %dma_start3A_113 = arith.constant 0 : i32
        %dma_start3A_114 = arith.constant 0 : i32
        %dma_start3A_115 = tpu.memref_slice %arg2[%dma_start3A_113, %dma_start3A_114] : memref<100000x4xf32, #tpu.memory_space<hbm>> -> memref<100000x4xf32, #tpu.memory_space<hbm>>
        tpu.enqueue_indirect_dma source(%dma_start3A_115 : memref<100000x4xf32, #tpu.memory_space<hbm>>) target(%dma_start3A_111 : memref<128x4xf32, #tpu.memory_space<vmem>>) offsets(%dma_start3A_112 : memref<128xi32, #tpu.memory_space<vmem>>) semaphore(%arg37 : memref<!tpu.dma_semaphore, #tpu.memory_space<semaphore_mem>>)
        %dma_start3A_116 = arith.constant 0 : i32
        %dma_start3A_117 = tpu.memref_slice %arg23[%multiple_of3A, %dma_start3A_116] : memref<2560x4xf32, #tpu.memory_space<vmem>> -> memref<128x4xf32, #tpu.memory_space<vmem>>
        %dma_start3A_118 = tpu.memref_slice %arg19[%multiple_of3A] : memref<2560xi32, #tpu.memory_space<vmem>> -> memref<128xi32, #tpu.memory_space<vmem>>
        %dma_start3A_119 = arith.constant 0 : i32
        %dma_start3A_120 = arith.constant 0 : i32
        %dma_start3A_121 = tpu.memref_slice %arg2[%dma_start3A_119, %dma_start3A_120] : memref<100000x4xf32, #tpu.memory_space<hbm>> -> memref<100000x4xf32, #tpu.memory_space<hbm>>
        tpu.enqueue_indirect_dma source(%dma_start3A_121 : memref<100000x4xf32, #tpu.memory_space<hbm>>) target(%dma_start3A_117 : memref<128x4xf32, #tpu.memory_space<vmem>>) offsets(%dma_start3A_118 : memref<128xi32, #tpu.memory_space<vmem>>) semaphore(%arg37 : memref<!tpu.dma_semaphore, #tpu.memory_space<semaphore_mem>>)
        %scan3A_122 = arith.constant 0 : i32
        scf.yield %scan3A_122 : i32
      }
      %scan3A_86 = arith.constant 20 : i32
      %dma_wait3A_87 = tpu.memref_slice %arg12[%mul3A_70] : memref<1600000xf32, #tpu.memory_space<hbm>> -> memref<2560xf32, #tpu.memory_space<hbm>>
      %dma_wait3A_88 = tpu.memref_slice %arg12[%mul3A_70] : memref<1600000xf32, #tpu.memory_space<hbm>> -> memref<2560xf32, #tpu.memory_space<hbm>>
      tpu.wait_dma2 semaphore(%arg36 : memref<!tpu.dma_semaphore, #tpu.memory_space<semaphore_mem>>) src(%dma_wait3A_88 : memref<2560xf32, #tpu.memory_space<hbm>>) dst(%arg26 : memref<2560xf32, #tpu.memory_space<vmem>>)
      %dma_wait3A_89 = tpu.memref_slice %arg13[%mul3A_70] : memref<1600000xf32, #tpu.memory_space<hbm>> -> memref<2560xf32, #tpu.memory_space<hbm>>
      %dma_wait3A_90 = tpu.memref_slice %arg13[%mul3A_70] : memref<1600000xf32, #tpu.memory_space<hbm>> -> memref<2560xf32, #tpu.memory_space<hbm>>
      tpu.wait_dma2 semaphore(%arg36 : memref<!tpu.dma_semaphore, #tpu.memory_space<semaphore_mem>>) src(%dma_wait3A_90 : memref<2560xf32, #tpu.memory_space<hbm>>) dst(%arg27 : memref<2560xf32, #tpu.memory_space<vmem>>)
      %scan3A_91 = arith.constant 0 : i32
      %scan3A_92 = arith.constant 0 : i32
      %scan3A_93 = arith.constant 20 : i32
      %scan3A_94 = arith.addi %scan3A_92, %scan3A_93 : i32
      %scan3A_95 = arith.constant 1 : i32
      %scan3A_96 = scf.for %scan3A_106 = %scan3A_92 to %scan3A_94 step %scan3A_95 iter_args(%scan3A_107 = %scan3A_91) -> (i32)  : i32 {
        %mul3A_108 = arith.constant 128 : i32
        %mul3A_109 = arith.muli %scan3A_106, %mul3A_108 : i32
        %multiple_of3A = tpu.assume_multiple %mul3A_109, 128 : i32
        %dma_wait3A_110 = arith.constant 0 : i32
        %dma_wait3A_111 = tpu.memref_slice %arg22[%multiple_of3A, %dma_wait3A_110] : memref<2560x4xf32, #tpu.memory_space<vmem>> -> memref<128x4xf32, #tpu.memory_space<vmem>>
        %dma_wait3A_112 = tpu.memref_slice %arg18[%multiple_of3A] : memref<2560xi32, #tpu.memory_space<vmem>> -> memref<128xi32, #tpu.memory_space<vmem>>
        %dma_wait3A_113 = arith.constant 0 : i32
        %dma_wait3A_114 = arith.constant 0 : i32
        %dma_wait3A_115 = tpu.memref_slice %arg2[%dma_wait3A_113, %dma_wait3A_114] : memref<100000x4xf32, #tpu.memory_space<hbm>> -> memref<100000x4xf32, #tpu.memory_space<hbm>>
        tpu.wait_indirect_dma semaphore(%arg37 : memref<!tpu.dma_semaphore, #tpu.memory_space<semaphore_mem>>) src(%dma_wait3A_115 : memref<100000x4xf32, #tpu.memory_space<hbm>>) dst(%dma_wait3A_111 : memref<128x4xf32, #tpu.memory_space<vmem>>)
        %dma_wait3A_116 = arith.constant 0 : i32
        %dma_wait3A_117 = tpu.memref_slice %arg23[%multiple_of3A, %dma_wait3A_116] : memref<2560x4xf32, #tpu.memory_space<vmem>> -> memref<128x4xf32, #tpu.memory_space<vmem>>
        %dma_wait3A_118 = tpu.memref_slice %arg19[%multiple_of3A] : memref<2560xi32, #tpu.memory_space<vmem>> -> memref<128xi32, #tpu.memory_space<vmem>>
        %dma_wait3A_119 = arith.constant 0 : i32
        %dma_wait3A_120 = arith.constant 0 : i32
        %dma_wait3A_121 = tpu.memref_slice %arg2[%dma_wait3A_119, %dma_wait3A_120] : memref<100000x4xf32, #tpu.memory_space<hbm>> -> memref<100000x4xf32, #tpu.memory_space<hbm>>
        tpu.wait_indirect_dma semaphore(%arg37 : memref<!tpu.dma_semaphore, #tpu.memory_space<semaphore_mem>>) src(%dma_wait3A_121 : memref<100000x4xf32, #tpu.memory_space<hbm>>) dst(%dma_wait3A_117 : memref<128x4xf32, #tpu.memory_space<vmem>>)
        %scan3A_122 = arith.constant 0 : i32
        scf.yield %scan3A_122 : i32
      }
      %scan3A_97 = arith.constant 20 : i32
      %scan3A_98 = arith.constant 0 : i32
      %scan3A_99 = arith.constant 0 : i32
      %scan3A_100 = arith.constant 160 : i32
      %scan3A_101 = arith.addi %scan3A_99, %scan3A_100 : i32
      %scan3A_102 = arith.constant 1 : i32
      %scan3A_103 = scf.for %scan3A_106 = %scan3A_99 to %scan3A_101 step %scan3A_102 iter_args(%scan3A_107 = %scan3A_98) -> (i32)  : i32 {
        %mul3A_108 = arith.constant 16 : i32
        %mul3A_109 = arith.muli %scan3A_106, %mul3A_108 : i32
        %multiple_of3A = tpu.assume_multiple %mul3A_109, 16 : i32
        %iota3A = tpu.iota {dimensions = array<i32: 0>} : vector<16xi32>
        %add3A_110 = vector.broadcast %multiple_of3A : i32 to vector<16xi32>
        %add3A_111 = arith.addi %add3A_110, %iota3A : vector<16xi32>
        %broadcast_in_dim3A_112 = arith.constant 0 : i32
        %broadcast_in_dim3A_113 = vector.broadcast %broadcast_in_dim3A_112 : i32 to vector<16xi32>
        %gather3A = tpu.vector_load_idx %arg22[%add3A_111, %broadcast_in_dim3A_113] : memref<2560x4xf32, #tpu.memory_space<vmem>>[vector<16xi32>, vector<16xi32>], vector<16xf32>,
        %broadcast_in_dim3A_114 = arith.constant 1 : i32
        %broadcast_in_dim3A_115 = vector.broadcast %broadcast_in_dim3A_114 : i32 to vector<16xi32>
        %gather3A_116 = tpu.vector_load_idx %arg22[%add3A_111, %broadcast_in_dim3A_115] : memref<2560x4xf32, #tpu.memory_space<vmem>>[vector<16xi32>, vector<16xi32>], vector<16xf32>,
        %broadcast_in_dim3A_117 = arith.constant 2 : i32
        %broadcast_in_dim3A_118 = vector.broadcast %broadcast_in_dim3A_117 : i32 to vector<16xi32>
        %gather3A_119 = tpu.vector_load_idx %arg22[%add3A_111, %broadcast_in_dim3A_118] : memref<2560x4xf32, #tpu.memory_space<vmem>>[vector<16xi32>, vector<16xi32>], vector<16xf32>,
        %broadcast_in_dim3A_120 = arith.constant 0 : i32
        %broadcast_in_dim3A_121 = vector.broadcast %broadcast_in_dim3A_120 : i32 to vector<16xi32>
        %gather3A_122 = tpu.vector_load_idx %arg23[%add3A_111, %broadcast_in_dim3A_121] : memref<2560x4xf32, #tpu.memory_space<vmem>>[vector<16xi32>, vector<16xi32>], vector<16xf32>,
        %broadcast_in_dim3A_123 = arith.constant 1 : i32
        %broadcast_in_dim3A_124 = vector.broadcast %broadcast_in_dim3A_123 : i32 to vector<16xi32>
        %gather3A_125 = tpu.vector_load_idx %arg23[%add3A_111, %broadcast_in_dim3A_124] : memref<2560x4xf32, #tpu.memory_space<vmem>>[vector<16xi32>, vector<16xi32>], vector<16xf32>,
        %broadcast_in_dim3A_126 = arith.constant 2 : i32
        %broadcast_in_dim3A_127 = vector.broadcast %broadcast_in_dim3A_126 : i32 to vector<16xi32>
        %gather3A_128 = tpu.vector_load_idx %arg23[%add3A_111, %broadcast_in_dim3A_127] : memref<2560x4xf32, #tpu.memory_space<vmem>>[vector<16xi32>, vector<16xi32>], vector<16xf32>,
        %sub3A_129 = arith.subf %gather3A, %gather3A_122 : vector<16xf32>
        %sub3A_130 = arith.subf %gather3A_116, %gather3A_125 : vector<16xf32>
        %sub3A_131 = arith.subf %gather3A_119, %gather3A_128 : vector<16xf32>
        %mul3A_132 = arith.mulf %sub3A_129, %sub3A_129 : vector<16xf32>
        %mul3A_133 = arith.mulf %sub3A_130, %sub3A_130 : vector<16xf32>
        %add3A_134 = arith.addf %mul3A_132, %mul3A_133 : vector<16xf32>
        %mul3A_135 = arith.mulf %sub3A_131, %sub3A_131 : vector<16xf32>
        %add3A_136 = arith.addf %add3A_134, %mul3A_135 : vector<16xf32>
        %add3A_137 = arith.constant 9.99999996E-13 : f32
        %add3A_138 = vector.broadcast %add3A_137 : f32 to vector<16xf32>
        %add3A_139 = arith.addf %add3A_136, %add3A_138 : vector<16xf32>
        %bitcast_convert_type3A = tpu.bitcast %add3A_139 : vector<16xf32> -> vector<16xi32>
        %shift_right_arithmetic3A = arith.constant 1 : i32
        %shift_right_arithmetic3A_140 = vector.broadcast %shift_right_arithmetic3A : i32 to vector<16xi32>
        %shift_right_arithmetic3A_141 = arith.shrsi %bitcast_convert_type3A, %shift_right_arithmetic3A_140 : vector<16xi32>
        %sub3A_142 = arith.constant 1597463007 : i32
        %sub3A_143 = vector.broadcast %sub3A_142 : i32 to vector<16xi32>
        %sub3A_144 = arith.subi %sub3A_143, %shift_right_arithmetic3A_141 : vector<16xi32>
        %bitcast_convert_type3A_145 = tpu.bitcast %sub3A_144 : vector<16xi32> -> vector<16xf32>
        %mul3A_146 = arith.constant 5.000000e-01 : f32
        %mul3A_147 = vector.broadcast %mul3A_146 : f32 to vector<16xf32>
        %mul3A_148 = arith.mulf %mul3A_147, %add3A_139 : vector<16xf32>
        %mul3A_149 = arith.mulf %mul3A_148, %bitcast_convert_type3A_145 : vector<16xf32>
        %mul3A_150 = arith.mulf %mul3A_149, %bitcast_convert_type3A_145 : vector<16xf32>
        %sub3A_151 = arith.constant 1.500000e+00 : f32
        %sub3A_152 = vector.broadcast %sub3A_151 : f32 to vector<16xf32>
        %sub3A_153 = arith.subf %sub3A_152, %mul3A_150 : vector<16xf32>
        %mul3A_154 = arith.mulf %bitcast_convert_type3A_145, %sub3A_153 : vector<16xf32>
        %mul3A_155 = arith.constant 5.000000e-01 : f32
        %mul3A_156 = vector.broadcast %mul3A_155 : f32 to vector<16xf32>
        %mul3A_157 = arith.mulf %mul3A_156, %add3A_139 : vector<16xf32>
        %mul3A_158 = arith.mulf %mul3A_157, %mul3A_154 : vector<16xf32>
        %mul3A_159 = arith.mulf %mul3A_158, %mul3A_154 : vector<16xf32>
        %sub3A_160 = arith.constant 1.500000e+00 : f32
        %sub3A_161 = vector.broadcast %sub3A_160 : f32 to vector<16xf32>
        %sub3A_162 = arith.subf %sub3A_161, %mul3A_159 : vector<16xf32>
        %mul3A_163 = arith.mulf %mul3A_154, %sub3A_162 : vector<16xf32>
        %mul3A_164 = arith.constant 5.000000e-01 : f32
        %mul3A_165 = vector.broadcast %mul3A_164 : f32 to vector<16xf32>
        %mul3A_166 = arith.mulf %mul3A_165, %add3A_139 : vector<16xf32>
        %mul3A_167 = arith.mulf %mul3A_166, %mul3A_163 : vector<16xf32>
        %mul3A_168 = arith.mulf %mul3A_167, %mul3A_163 : vector<16xf32>
        %sub3A_169 = arith.constant 1.500000e+00 : f32
        %sub3A_170 = vector.broadcast %sub3A_169 : f32 to vector<16xf32>
        %sub3A_171 = arith.subf %sub3A_170, %mul3A_168 : vector<16xf32>
        %mul3A_172 = arith.mulf %mul3A_163, %sub3A_171 : vector<16xf32>
        %mul3A_173 = arith.mulf %add3A_139, %mul3A_172 : vector<16xf32>
        %get3A = arith.index_cast %multiple_of3A : i32 to index
        %get3A_174 = tpu.vector_load %arg26[%get3A] {strides = array<i32>} : memref<2560xf32, #tpu.memory_space<vmem>>, vector<16xf32>,
        %get3A_175 = arith.index_cast %multiple_of3A : i32 to index
        %get3A_176 = tpu.vector_load %arg27[%get3A_175] {strides = array<i32>} : memref<2560xf32, #tpu.memory_space<vmem>>, vector<16xf32>,
        %sub3A_177 = arith.subf %mul3A_173, %get3A_176 : vector<16xf32>
        %get3A_178 = arith.constant 0 : index
        %get3A_179 = tpu.vector_load %arg34[%get3A_178] {strides = array<i32>} : memref<16xf32, #tpu.memory_space<vmem>>, vector<16xf32>,
        %mul3A_180 = arith.constant 5.000000e-01 : f32
        %mul3A_181 = vector.broadcast %mul3A_180 : f32 to vector<16xf32>
        %mul3A_182 = arith.mulf %mul3A_181, %get3A_174 : vector<16xf32>
        %mul3A_183 = arith.mulf %mul3A_182, %sub3A_177 : vector<16xf32>
        %mul3A_184 = arith.mulf %mul3A_183, %sub3A_177 : vector<16xf32>
        %add3A_185 = arith.addf %get3A_179, %mul3A_184 : vector<16xf32>
        %swap3A_186 = arith.constant 0 : index
        %swap3A_187 = tpu.vector_load %arg34[%swap3A_186] {strides = array<i32>} : memref<16xf32, #tpu.memory_space<vmem>>, vector<16xf32>,
        tpu.vector_store %arg34[%swap3A_186], %add3A_185 {strides = array<i32>} : memref<16xf32, #tpu.memory_space<vmem>>, vector<16xf32>,
        %scan3A_188 = arith.constant 0 : i32
        scf.yield %scan3A_188 : i32
      }
      %scan3A_104 = arith.constant 160 : i32
      %while3A_105 = arith.constant 0 : i32
      scf.yield %while3A_105 : i32
    }
    %while3A_34 = arith.constant 0 : i32
    %while3A_35 = arith.constant 0 : i32
    %while3A_36 = arith.subi %select_n3A, %while3A_34 : i32
    %while3A_37 = arith.addi %while3A_34, %while3A_36 : i32
    %while3A_38 = arith.constant 1 : i32
    %while3A_39 = arith.divsi %while3A_36, %while3A_38 : i32
    %while3A_40 = arith.muli %while3A_39, %while3A_38 : i32
    %while3A_41 = arith.addi %while3A_34, %while3A_40 : i32
    %while3A_42 = arith.constant 1 : i32
    %while3A_43 = scf.for %while3A_64 = %while3A_34 to %while3A_41 step %while3A_42 iter_args(%while3A_65 = %while3A_35) -> (i32)  : i32 {
      %mul3A_66 = arith.constant 32 : i32
      %mul3A_67 = arith.muli %while3A_64, %mul3A_66 : i32
      %add3A_68 = arith.addi %add3A, %mul3A_67 : i32
      %mul3A_69 = arith.constant 2560 : i32
      %mul3A_70 = arith.muli %add3A_68, %mul3A_69 : i32
      %dma_start3A = tpu.memref_slice %arg5[%mul3A_70] : memref<1600000xi32, #tpu.memory_space<hbm>> -> memref<2560xi32, #tpu.memory_space<hbm>>
      %dma_start3A_71 = tpu.memref_slice %arg5[%mul3A_70] : memref<1600000xi32, #tpu.memory_space<hbm>> -> memref<2560xi32, #tpu.memory_space<hbm>>
      tpu.enqueue_dma source(%dma_start3A_71 : memref<2560xi32, #tpu.memory_space<hbm>>) target(%arg18 : memref<2560xi32, #tpu.memory_space<vmem>>) target_semaphore(%arg35 : memref<!tpu.dma_semaphore, #tpu.memory_space<semaphore_mem>>)
      %dma_start3A_72 = tpu.memref_slice %arg6[%mul3A_70] : memref<1600000xi32, #tpu.memory_space<hbm>> -> memref<2560xi32, #tpu.memory_space<hbm>>
      %dma_start3A_73 = tpu.memref_slice %arg6[%mul3A_70] : memref<1600000xi32, #tpu.memory_space<hbm>> -> memref<2560xi32, #tpu.memory_space<hbm>>
      tpu.enqueue_dma source(%dma_start3A_73 : memref<2560xi32, #tpu.memory_space<hbm>>) target(%arg19 : memref<2560xi32, #tpu.memory_space<vmem>>) target_semaphore(%arg35 : memref<!tpu.dma_semaphore, #tpu.memory_space<semaphore_mem>>)
      %dma_start3A_74 = tpu.memref_slice %arg7[%mul3A_70] : memref<1600000xi32, #tpu.memory_space<hbm>> -> memref<2560xi32, #tpu.memory_space<hbm>>
      %dma_start3A_75 = tpu.memref_slice %arg7[%mul3A_70] : memref<1600000xi32, #tpu.memory_space<hbm>> -> memref<2560xi32, #tpu.memory_space<hbm>>
      tpu.enqueue_dma source(%dma_start3A_75 : memref<2560xi32, #tpu.memory_space<hbm>>) target(%arg20 : memref<2560xi32, #tpu.memory_space<vmem>>) target_semaphore(%arg35 : memref<!tpu.dma_semaphore, #tpu.memory_space<semaphore_mem>>)
      %dma_start3A_76 = tpu.memref_slice %arg14[%mul3A_70] : memref<1600000xf32, #tpu.memory_space<hbm>> -> memref<2560xf32, #tpu.memory_space<hbm>>
      %dma_start3A_77 = tpu.memref_slice %arg14[%mul3A_70] : memref<1600000xf32, #tpu.memory_space<hbm>> -> memref<2560xf32, #tpu.memory_space<hbm>>
      tpu.enqueue_dma source(%dma_start3A_77 : memref<2560xf32, #tpu.memory_space<hbm>>) target(%arg26 : memref<2560xf32, #tpu.memory_space<vmem>>) target_semaphore(%arg36 : memref<!tpu.dma_semaphore, #tpu.memory_space<semaphore_mem>>)
      %dma_start3A_78 = tpu.memref_slice %arg15[%mul3A_70] : memref<1600000xf32, #tpu.memory_space<hbm>> -> memref<2560xf32, #tpu.memory_space<hbm>>
      %dma_start3A_79 = tpu.memref_slice %arg15[%mul3A_70] : memref<1600000xf32, #tpu.memory_space<hbm>> -> memref<2560xf32, #tpu.memory_space<hbm>>
      tpu.enqueue_dma source(%dma_start3A_79 : memref<2560xf32, #tpu.memory_space<hbm>>) target(%arg27 : memref<2560xf32, #tpu.memory_space<vmem>>) target_semaphore(%arg36 : memref<!tpu.dma_semaphore, #tpu.memory_space<semaphore_mem>>)
      %dma_wait3A = tpu.memref_slice %arg5[%mul3A_70] : memref<1600000xi32, #tpu.memory_space<hbm>> -> memref<2560xi32, #tpu.memory_space<hbm>>
      %dma_wait3A_80 = tpu.memref_slice %arg5[%mul3A_70] : memref<1600000xi32, #tpu.memory_space<hbm>> -> memref<2560xi32, #tpu.memory_space<hbm>>
      tpu.wait_dma2 semaphore(%arg35 : memref<!tpu.dma_semaphore, #tpu.memory_space<semaphore_mem>>) src(%dma_wait3A_80 : memref<2560xi32, #tpu.memory_space<hbm>>) dst(%arg18 : memref<2560xi32, #tpu.memory_space<vmem>>)
      %dma_wait3A_81 = tpu.memref_slice %arg6[%mul3A_70] : memref<1600000xi32, #tpu.memory_space<hbm>> -> memref<2560xi32, #tpu.memory_space<hbm>>
      %dma_wait3A_82 = tpu.memref_slice %arg6[%mul3A_70] : memref<1600000xi32, #tpu.memory_space<hbm>> -> memref<2560xi32, #tpu.memory_space<hbm>>
      tpu.wait_dma2 semaphore(%arg35 : memref<!tpu.dma_semaphore, #tpu.memory_space<semaphore_mem>>) src(%dma_wait3A_82 : memref<2560xi32, #tpu.memory_space<hbm>>) dst(%arg19 : memref<2560xi32, #tpu.memory_space<vmem>>)
      %dma_wait3A_83 = tpu.memref_slice %arg7[%mul3A_70] : memref<1600000xi32, #tpu.memory_space<hbm>> -> memref<2560xi32, #tpu.memory_space<hbm>>
      %dma_wait3A_84 = tpu.memref_slice %arg7[%mul3A_70] : memref<1600000xi32, #tpu.memory_space<hbm>> -> memref<2560xi32, #tpu.memory_space<hbm>>
      tpu.wait_dma2 semaphore(%arg35 : memref<!tpu.dma_semaphore, #tpu.memory_space<semaphore_mem>>) src(%dma_wait3A_84 : memref<2560xi32, #tpu.memory_space<hbm>>) dst(%arg20 : memref<2560xi32, #tpu.memory_space<vmem>>)
      %scan3A = arith.constant 0 : i32
      %scan3A_85 = arith.constant 0 : i32
      %scan3A_86 = arith.constant 20 : i32
      %scan3A_87 = arith.addi %scan3A_85, %scan3A_86 : i32
      %scan3A_88 = arith.constant 1 : i32
      %scan3A_89 = scf.for %scan3A_110 = %scan3A_85 to %scan3A_87 step %scan3A_88 iter_args(%scan3A_111 = %scan3A) -> (i32)  : i32 {
        %mul3A_112 = arith.constant 128 : i32
        %mul3A_113 = arith.muli %scan3A_110, %mul3A_112 : i32
        %multiple_of3A = tpu.assume_multiple %mul3A_113, 128 : i32
        %dma_start3A_114 = arith.constant 0 : i32
        %dma_start3A_115 = tpu.memref_slice %arg22[%multiple_of3A, %dma_start3A_114] : memref<2560x4xf32, #tpu.memory_space<vmem>> -> memref<128x4xf32, #tpu.memory_space<vmem>>
        %dma_start3A_116 = tpu.memref_slice %arg18[%multiple_of3A] : memref<2560xi32, #tpu.memory_space<vmem>> -> memref<128xi32, #tpu.memory_space<vmem>>
        %dma_start3A_117 = arith.constant 0 : i32
        %dma_start3A_118 = arith.constant 0 : i32
        %dma_start3A_119 = tpu.memref_slice %arg2[%dma_start3A_117, %dma_start3A_118] : memref<100000x4xf32, #tpu.memory_space<hbm>> -> memref<100000x4xf32, #tpu.memory_space<hbm>>
        tpu.enqueue_indirect_dma source(%dma_start3A_119 : memref<100000x4xf32, #tpu.memory_space<hbm>>) target(%dma_start3A_115 : memref<128x4xf32, #tpu.memory_space<vmem>>) offsets(%dma_start3A_116 : memref<128xi32, #tpu.memory_space<vmem>>) semaphore(%arg37 : memref<!tpu.dma_semaphore, #tpu.memory_space<semaphore_mem>>)
        %dma_start3A_120 = arith.constant 0 : i32
        %dma_start3A_121 = tpu.memref_slice %arg23[%multiple_of3A, %dma_start3A_120] : memref<2560x4xf32, #tpu.memory_space<vmem>> -> memref<128x4xf32, #tpu.memory_space<vmem>>
        %dma_start3A_122 = tpu.memref_slice %arg19[%multiple_of3A] : memref<2560xi32, #tpu.memory_space<vmem>> -> memref<128xi32, #tpu.memory_space<vmem>>
        %dma_start3A_123 = arith.constant 0 : i32
        %dma_start3A_124 = arith.constant 0 : i32
        %dma_start3A_125 = tpu.memref_slice %arg2[%dma_start3A_123, %dma_start3A_124] : memref<100000x4xf32, #tpu.memory_space<hbm>> -> memref<100000x4xf32, #tpu.memory_space<hbm>>
        tpu.enqueue_indirect_dma source(%dma_start3A_125 : memref<100000x4xf32, #tpu.memory_space<hbm>>) target(%dma_start3A_121 : memref<128x4xf32, #tpu.memory_space<vmem>>) offsets(%dma_start3A_122 : memref<128xi32, #tpu.memory_space<vmem>>) semaphore(%arg37 : memref<!tpu.dma_semaphore, #tpu.memory_space<semaphore_mem>>)
        %dma_start3A_126 = arith.constant 0 : i32
        %dma_start3A_127 = tpu.memref_slice %arg24[%multiple_of3A, %dma_start3A_126] : memref<2560x4xf32, #tpu.memory_space<vmem>> -> memref<128x4xf32, #tpu.memory_space<vmem>>
        %dma_start3A_128 = tpu.memref_slice %arg20[%multiple_of3A] : memref<2560xi32, #tpu.memory_space<vmem>> -> memref<128xi32, #tpu.memory_space<vmem>>
        %dma_start3A_129 = arith.constant 0 : i32
        %dma_start3A_130 = arith.constant 0 : i32
        %dma_start3A_131 = tpu.memref_slice %arg2[%dma_start3A_129, %dma_start3A_130] : memref<100000x4xf32, #tpu.memory_space<hbm>> -> memref<100000x4xf32, #tpu.memory_space<hbm>>
        tpu.enqueue_indirect_dma source(%dma_start3A_131 : memref<100000x4xf32, #tpu.memory_space<hbm>>) target(%dma_start3A_127 : memref<128x4xf32, #tpu.memory_space<vmem>>) offsets(%dma_start3A_128 : memref<128xi32, #tpu.memory_space<vmem>>) semaphore(%arg37 : memref<!tpu.dma_semaphore, #tpu.memory_space<semaphore_mem>>)
        %scan3A_132 = arith.constant 0 : i32
        scf.yield %scan3A_132 : i32
      }
      %scan3A_90 = arith.constant 20 : i32
      %dma_wait3A_91 = tpu.memref_slice %arg14[%mul3A_70] : memref<1600000xf32, #tpu.memory_space<hbm>> -> memref<2560xf32, #tpu.memory_space<hbm>>
      %dma_wait3A_92 = tpu.memref_slice %arg14[%mul3A_70] : memref<1600000xf32, #tpu.memory_space<hbm>> -> memref<2560xf32, #tpu.memory_space<hbm>>
      tpu.wait_dma2 semaphore(%arg36 : memref<!tpu.dma_semaphore, #tpu.memory_space<semaphore_mem>>) src(%dma_wait3A_92 : memref<2560xf32, #tpu.memory_space<hbm>>) dst(%arg26 : memref<2560xf32, #tpu.memory_space<vmem>>)
      %dma_wait3A_93 = tpu.memref_slice %arg15[%mul3A_70] : memref<1600000xf32, #tpu.memory_space<hbm>> -> memref<2560xf32, #tpu.memory_space<hbm>>
      %dma_wait3A_94 = tpu.memref_slice %arg15[%mul3A_70] : memref<1600000xf32, #tpu.memory_space<hbm>> -> memref<2560xf32, #tpu.memory_space<hbm>>
      tpu.wait_dma2 semaphore(%arg36 : memref<!tpu.dma_semaphore, #tpu.memory_space<semaphore_mem>>) src(%dma_wait3A_94 : memref<2560xf32, #tpu.memory_space<hbm>>) dst(%arg27 : memref<2560xf32, #tpu.memory_space<vmem>>)
      %scan3A_95 = arith.constant 0 : i32
      %scan3A_96 = arith.constant 0 : i32
      %scan3A_97 = arith.constant 20 : i32
      %scan3A_98 = arith.addi %scan3A_96, %scan3A_97 : i32
      %scan3A_99 = arith.constant 1 : i32
      %scan3A_100 = scf.for %scan3A_110 = %scan3A_96 to %scan3A_98 step %scan3A_99 iter_args(%scan3A_111 = %scan3A_95) -> (i32)  : i32 {
        %mul3A_112 = arith.constant 128 : i32
        %mul3A_113 = arith.muli %scan3A_110, %mul3A_112 : i32
        %multiple_of3A = tpu.assume_multiple %mul3A_113, 128 : i32
        %dma_wait3A_114 = arith.constant 0 : i32
        %dma_wait3A_115 = tpu.memref_slice %arg22[%multiple_of3A, %dma_wait3A_114] : memref<2560x4xf32, #tpu.memory_space<vmem>> -> memref<128x4xf32, #tpu.memory_space<vmem>>
        %dma_wait3A_116 = tpu.memref_slice %arg18[%multiple_of3A] : memref<2560xi32, #tpu.memory_space<vmem>> -> memref<128xi32, #tpu.memory_space<vmem>>
        %dma_wait3A_117 = arith.constant 0 : i32
        %dma_wait3A_118 = arith.constant 0 : i32
        %dma_wait3A_119 = tpu.memref_slice %arg2[%dma_wait3A_117, %dma_wait3A_118] : memref<100000x4xf32, #tpu.memory_space<hbm>> -> memref<100000x4xf32, #tpu.memory_space<hbm>>
        tpu.wait_indirect_dma semaphore(%arg37 : memref<!tpu.dma_semaphore, #tpu.memory_space<semaphore_mem>>) src(%dma_wait3A_119 : memref<100000x4xf32, #tpu.memory_space<hbm>>) dst(%dma_wait3A_115 : memref<128x4xf32, #tpu.memory_space<vmem>>)
        %dma_wait3A_120 = arith.constant 0 : i32
        %dma_wait3A_121 = tpu.memref_slice %arg23[%multiple_of3A, %dma_wait3A_120] : memref<2560x4xf32, #tpu.memory_space<vmem>> -> memref<128x4xf32, #tpu.memory_space<vmem>>
        %dma_wait3A_122 = tpu.memref_slice %arg19[%multiple_of3A] : memref<2560xi32, #tpu.memory_space<vmem>> -> memref<128xi32, #tpu.memory_space<vmem>>
        %dma_wait3A_123 = arith.constant 0 : i32
        %dma_wait3A_124 = arith.constant 0 : i32
        %dma_wait3A_125 = tpu.memref_slice %arg2[%dma_wait3A_123, %dma_wait3A_124] : memref<100000x4xf32, #tpu.memory_space<hbm>> -> memref<100000x4xf32, #tpu.memory_space<hbm>>
        tpu.wait_indirect_dma semaphore(%arg37 : memref<!tpu.dma_semaphore, #tpu.memory_space<semaphore_mem>>) src(%dma_wait3A_125 : memref<100000x4xf32, #tpu.memory_space<hbm>>) dst(%dma_wait3A_121 : memref<128x4xf32, #tpu.memory_space<vmem>>)
        %dma_wait3A_126 = arith.constant 0 : i32
        %dma_wait3A_127 = tpu.memref_slice %arg24[%multiple_of3A, %dma_wait3A_126] : memref<2560x4xf32, #tpu.memory_space<vmem>> -> memref<128x4xf32, #tpu.memory_space<vmem>>
        %dma_wait3A_128 = tpu.memref_slice %arg20[%multiple_of3A] : memref<2560xi32, #tpu.memory_space<vmem>> -> memref<128xi32, #tpu.memory_space<vmem>>
        %dma_wait3A_129 = arith.constant 0 : i32
        %dma_wait3A_130 = arith.constant 0 : i32
        %dma_wait3A_131 = tpu.memref_slice %arg2[%dma_wait3A_129, %dma_wait3A_130] : memref<100000x4xf32, #tpu.memory_space<hbm>> -> memref<100000x4xf32, #tpu.memory_space<hbm>>
        tpu.wait_indirect_dma semaphore(%arg37 : memref<!tpu.dma_semaphore, #tpu.memory_space<semaphore_mem>>) src(%dma_wait3A_131 : memref<100000x4xf32, #tpu.memory_space<hbm>>) dst(%dma_wait3A_127 : memref<128x4xf32, #tpu.memory_space<vmem>>)
        %scan3A_132 = arith.constant 0 : i32
        scf.yield %scan3A_132 : i32
      }
      %scan3A_101 = arith.constant 20 : i32
      %scan3A_102 = arith.constant 0 : i32
      %scan3A_103 = arith.constant 0 : i32
      %scan3A_104 = arith.constant 160 : i32
      %scan3A_105 = arith.addi %scan3A_103, %scan3A_104 : i32
      %scan3A_106 = arith.constant 1 : i32
      %scan3A_107 = scf.for %scan3A_110 = %scan3A_103 to %scan3A_105 step %scan3A_106 iter_args(%scan3A_111 = %scan3A_102) -> (i32)  : i32 {
        %mul3A_112 = arith.constant 16 : i32
        %mul3A_113 = arith.muli %scan3A_110, %mul3A_112 : i32
        %multiple_of3A = tpu.assume_multiple %mul3A_113, 16 : i32
        %iota3A = tpu.iota {dimensions = array<i32: 0>} : vector<16xi32>
        %add3A_114 = vector.broadcast %multiple_of3A : i32 to vector<16xi32>
        %add3A_115 = arith.addi %add3A_114, %iota3A : vector<16xi32>
        %broadcast_in_dim3A_116 = arith.constant 0 : i32
        %broadcast_in_dim3A_117 = vector.broadcast %broadcast_in_dim3A_116 : i32 to vector<16xi32>
        %gather3A = tpu.vector_load_idx %arg22[%add3A_115, %broadcast_in_dim3A_117] : memref<2560x4xf32, #tpu.memory_space<vmem>>[vector<16xi32>, vector<16xi32>], vector<16xf32>,
        %broadcast_in_dim3A_118 = arith.constant 1 : i32
        %broadcast_in_dim3A_119 = vector.broadcast %broadcast_in_dim3A_118 : i32 to vector<16xi32>
        %gather3A_120 = tpu.vector_load_idx %arg22[%add3A_115, %broadcast_in_dim3A_119] : memref<2560x4xf32, #tpu.memory_space<vmem>>[vector<16xi32>, vector<16xi32>], vector<16xf32>,
        %broadcast_in_dim3A_121 = arith.constant 2 : i32
        %broadcast_in_dim3A_122 = vector.broadcast %broadcast_in_dim3A_121 : i32 to vector<16xi32>
        %gather3A_123 = tpu.vector_load_idx %arg22[%add3A_115, %broadcast_in_dim3A_122] : memref<2560x4xf32, #tpu.memory_space<vmem>>[vector<16xi32>, vector<16xi32>], vector<16xf32>,
        %broadcast_in_dim3A_124 = arith.constant 0 : i32
        %broadcast_in_dim3A_125 = vector.broadcast %broadcast_in_dim3A_124 : i32 to vector<16xi32>
        %gather3A_126 = tpu.vector_load_idx %arg23[%add3A_115, %broadcast_in_dim3A_125] : memref<2560x4xf32, #tpu.memory_space<vmem>>[vector<16xi32>, vector<16xi32>], vector<16xf32>,
        %broadcast_in_dim3A_127 = arith.constant 1 : i32
        %broadcast_in_dim3A_128 = vector.broadcast %broadcast_in_dim3A_127 : i32 to vector<16xi32>
        %gather3A_129 = tpu.vector_load_idx %arg23[%add3A_115, %broadcast_in_dim3A_128] : memref<2560x4xf32, #tpu.memory_space<vmem>>[vector<16xi32>, vector<16xi32>], vector<16xf32>,
        %broadcast_in_dim3A_130 = arith.constant 2 : i32
        %broadcast_in_dim3A_131 = vector.broadcast %broadcast_in_dim3A_130 : i32 to vector<16xi32>
        %gather3A_132 = tpu.vector_load_idx %arg23[%add3A_115, %broadcast_in_dim3A_131] : memref<2560x4xf32, #tpu.memory_space<vmem>>[vector<16xi32>, vector<16xi32>], vector<16xf32>,
        %broadcast_in_dim3A_133 = arith.constant 0 : i32
        %broadcast_in_dim3A_134 = vector.broadcast %broadcast_in_dim3A_133 : i32 to vector<16xi32>
        %gather3A_135 = tpu.vector_load_idx %arg24[%add3A_115, %broadcast_in_dim3A_134] : memref<2560x4xf32, #tpu.memory_space<vmem>>[vector<16xi32>, vector<16xi32>], vector<16xf32>,
        %broadcast_in_dim3A_136 = arith.constant 1 : i32
        %broadcast_in_dim3A_137 = vector.broadcast %broadcast_in_dim3A_136 : i32 to vector<16xi32>
        %gather3A_138 = tpu.vector_load_idx %arg24[%add3A_115, %broadcast_in_dim3A_137] : memref<2560x4xf32, #tpu.memory_space<vmem>>[vector<16xi32>, vector<16xi32>], vector<16xf32>,
        %broadcast_in_dim3A_139 = arith.constant 2 : i32
        %broadcast_in_dim3A_140 = vector.broadcast %broadcast_in_dim3A_139 : i32 to vector<16xi32>
        %gather3A_141 = tpu.vector_load_idx %arg24[%add3A_115, %broadcast_in_dim3A_140] : memref<2560x4xf32, #tpu.memory_space<vmem>>[vector<16xi32>, vector<16xi32>], vector<16xf32>,
        %sub3A_142 = arith.subf %gather3A, %gather3A_126 : vector<16xf32>
        %sub3A_143 = arith.subf %gather3A_120, %gather3A_129 : vector<16xf32>
        %sub3A_144 = arith.subf %gather3A_123, %gather3A_132 : vector<16xf32>
        %sub3A_145 = arith.subf %gather3A_135, %gather3A_126 : vector<16xf32>
        %sub3A_146 = arith.subf %gather3A_138, %gather3A_129 : vector<16xf32>
        %sub3A_147 = arith.subf %gather3A_141, %gather3A_132 : vector<16xf32>
        %mul3A_148 = arith.mulf %sub3A_142, %sub3A_145 : vector<16xf32>
        %mul3A_149 = arith.mulf %sub3A_143, %sub3A_146 : vector<16xf32>
        %add3A_150 = arith.addf %mul3A_148, %mul3A_149 : vector<16xf32>
        %mul3A_151 = arith.mulf %sub3A_144, %sub3A_147 : vector<16xf32>
        %add3A_152 = arith.addf %add3A_150, %mul3A_151 : vector<16xf32>
        %mul3A_153 = arith.mulf %sub3A_142, %sub3A_142 : vector<16xf32>
        %mul3A_154 = arith.mulf %sub3A_143, %sub3A_143 : vector<16xf32>
        %add3A_155 = arith.addf %mul3A_153, %mul3A_154 : vector<16xf32>
        %mul3A_156 = arith.mulf %sub3A_144, %sub3A_144 : vector<16xf32>
        %add3A_157 = arith.addf %add3A_155, %mul3A_156 : vector<16xf32>
        %add3A_158 = arith.constant 9.99999996E-13 : f32
        %add3A_159 = vector.broadcast %add3A_158 : f32 to vector<16xf32>
        %add3A_160 = arith.addf %add3A_157, %add3A_159 : vector<16xf32>
        %mul3A_161 = arith.mulf %sub3A_145, %sub3A_145 : vector<16xf32>
        %mul3A_162 = arith.mulf %sub3A_146, %sub3A_146 : vector<16xf32>
        %add3A_163 = arith.addf %mul3A_161, %mul3A_162 : vector<16xf32>
        %mul3A_164 = arith.mulf %sub3A_147, %sub3A_147 : vector<16xf32>
        %add3A_165 = arith.addf %add3A_163, %mul3A_164 : vector<16xf32>
        %add3A_166 = arith.constant 9.99999996E-13 : f32
        %add3A_167 = vector.broadcast %add3A_166 : f32 to vector<16xf32>
        %add3A_168 = arith.addf %add3A_165, %add3A_167 : vector<16xf32>
        %mul3A_169 = arith.mulf %add3A_160, %add3A_168 : vector<16xf32>
        %bitcast_convert_type3A = tpu.bitcast %mul3A_169 : vector<16xf32> -> vector<16xi32>
        %shift_right_arithmetic3A = arith.constant 1 : i32
        %shift_right_arithmetic3A_170 = vector.broadcast %shift_right_arithmetic3A : i32 to vector<16xi32>
        %shift_right_arithmetic3A_171 = arith.shrsi %bitcast_convert_type3A, %shift_right_arithmetic3A_170 : vector<16xi32>
        %sub3A_172 = arith.constant 1597463007 : i32
        %sub3A_173 = vector.broadcast %sub3A_172 : i32 to vector<16xi32>
        %sub3A_174 = arith.subi %sub3A_173, %shift_right_arithmetic3A_171 : vector<16xi32>
        %bitcast_convert_type3A_175 = tpu.bitcast %sub3A_174 : vector<16xi32> -> vector<16xf32>
        %mul3A_176 = arith.constant 5.000000e-01 : f32
        %mul3A_177 = vector.broadcast %mul3A_176 : f32 to vector<16xf32>
        %mul3A_178 = arith.mulf %mul3A_177, %mul3A_169 : vector<16xf32>
        %mul3A_179 = arith.mulf %mul3A_178, %bitcast_convert_type3A_175 : vector<16xf32>
        %mul3A_180 = arith.mulf %mul3A_179, %bitcast_convert_type3A_175 : vector<16xf32>
        %sub3A_181 = arith.constant 1.500000e+00 : f32
        %sub3A_182 = vector.broadcast %sub3A_181 : f32 to vector<16xf32>
        %sub3A_183 = arith.subf %sub3A_182, %mul3A_180 : vector<16xf32>
        %mul3A_184 = arith.mulf %bitcast_convert_type3A_175, %sub3A_183 : vector<16xf32>
        %mul3A_185 = arith.constant 5.000000e-01 : f32
        %mul3A_186 = vector.broadcast %mul3A_185 : f32 to vector<16xf32>
        %mul3A_187 = arith.mulf %mul3A_186, %mul3A_169 : vector<16xf32>
        %mul3A_188 = arith.mulf %mul3A_187, %mul3A_184 : vector<16xf32>
        %mul3A_189 = arith.mulf %mul3A_188, %mul3A_184 : vector<16xf32>
        %sub3A_190 = arith.constant 1.500000e+00 : f32
        %sub3A_191 = vector.broadcast %sub3A_190 : f32 to vector<16xf32>
        %sub3A_192 = arith.subf %sub3A_191, %mul3A_189 : vector<16xf32>
        %mul3A_193 = arith.mulf %mul3A_184, %sub3A_192 : vector<16xf32>
        %mul3A_194 = arith.constant 5.000000e-01 : f32
        %mul3A_195 = vector.broadcast %mul3A_194 : f32 to vector<16xf32>
        %mul3A_196 = arith.mulf %mul3A_195, %mul3A_169 : vector<16xf32>
        %mul3A_197 = arith.mulf %mul3A_196, %mul3A_193 : vector<16xf32>
        %mul3A_198 = arith.mulf %mul3A_197, %mul3A_193 : vector<16xf32>
        %sub3A_199 = arith.constant 1.500000e+00 : f32
        %sub3A_200 = vector.broadcast %sub3A_199 : f32 to vector<16xf32>
        %sub3A_201 = arith.subf %sub3A_200, %mul3A_198 : vector<16xf32>
        %mul3A_202 = arith.mulf %mul3A_193, %sub3A_201 : vector<16xf32>
        %mul3A_203 = arith.mulf %mul3A_169, %mul3A_202 : vector<16xf32>
        %add3A_204 = arith.constant 9.99999971E-10 : f32
        %add3A_205 = vector.broadcast %add3A_204 : f32 to vector<16xf32>
        %add3A_206 = arith.addf %mul3A_203, %add3A_205 : vector<16xf32>
        %div3A_207 = arith.divf %add3A_152, %add3A_206 : vector<16xf32>
        %get3A = arith.index_cast %multiple_of3A : i32 to index
        %get3A_208 = tpu.vector_load %arg26[%get3A] {strides = array<i32>} : memref<2560xf32, #tpu.memory_space<vmem>>, vector<16xf32>,
        %get3A_209 = arith.index_cast %multiple_of3A : i32 to index
        %get3A_210 = tpu.vector_load %arg27[%get3A_209] {strides = array<i32>} : memref<2560xf32, #tpu.memory_space<vmem>>, vector<16xf32>,
        %mul3A_211 = arith.mulf %get3A_210, %get3A_210 : vector<16xf32>
        %mul3A_212 = arith.constant -2.755732E-7 : f32
        %mul3A_213 = vector.broadcast %mul3A_212 : f32 to vector<16xf32>
        %mul3A_214 = arith.mulf %mul3A_213, %mul3A_211 : vector<16xf32>
        %add3A_215 = arith.constant 2.48015876E-5 : f32
        %add3A_216 = vector.broadcast %add3A_215 : f32 to vector<16xf32>
        %add3A_217 = arith.addf %mul3A_214, %add3A_216 : vector<16xf32>
        %mul3A_218 = arith.mulf %add3A_217, %mul3A_211 : vector<16xf32>
        %add3A_219 = arith.constant -0.00138888892 : f32
        %add3A_220 = vector.broadcast %add3A_219 : f32 to vector<16xf32>
        %add3A_221 = arith.addf %mul3A_218, %add3A_220 : vector<16xf32>
        %mul3A_222 = arith.mulf %add3A_221, %mul3A_211 : vector<16xf32>
        %add3A_223 = arith.constant 0.0416666679 : f32
        %add3A_224 = vector.broadcast %add3A_223 : f32 to vector<16xf32>
        %add3A_225 = arith.addf %mul3A_222, %add3A_224 : vector<16xf32>
        %mul3A_226 = arith.mulf %add3A_225, %mul3A_211 : vector<16xf32>
        %add3A_227 = arith.constant -5.000000e-01 : f32
        %add3A_228 = vector.broadcast %add3A_227 : f32 to vector<16xf32>
        %add3A_229 = arith.addf %mul3A_226, %add3A_228 : vector<16xf32>
        %mul3A_230 = arith.mulf %add3A_229, %mul3A_211 : vector<16xf32>
        %add3A_231 = arith.constant 1.000000e+00 : f32
        %add3A_232 = vector.broadcast %add3A_231 : f32 to vector<16xf32>
        %add3A_233 = arith.addf %mul3A_230, %add3A_232 : vector<16xf32>
        %sub3A_234 = arith.subf %div3A_207, %add3A_233 : vector<16xf32>
        %get3A_235 = arith.constant 0 : index
        %get3A_236 = tpu.vector_load %arg34[%get3A_235] {strides = array<i32>} : memref<16xf32, #tpu.memory_space<vmem>>, vector<16xf32>,
        %mul3A_237 = arith.constant 5.000000e-01 : f32
        %mul3A_238 = vector.broadcast %mul3A_237 : f32 to vector<16xf32>
        %mul3A_239 = arith.mulf %mul3A_238, %get3A_208 : vector<16xf32>
        %mul3A_240 = arith.mulf %mul3A_239, %sub3A_234 : vector<16xf32>
        %mul3A_241 = arith.mulf %mul3A_240, %sub3A_234 : vector<16xf32>
        %add3A_242 = arith.addf %get3A_236, %mul3A_241 : vector<16xf32>
        %swap3A_243 = arith.constant 0 : index
        %swap3A_244 = tpu.vector_load %arg34[%swap3A_243] {strides = array<i32>} : memref<16xf32, #tpu.memory_space<vmem>>, vector<16xf32>,
        tpu.vector_store %arg34[%swap3A_243], %add3A_242 {strides = array<i32>} : memref<16xf32, #tpu.memory_space<vmem>>, vector<16xf32>,
        %scan3A_245 = arith.constant 0 : i32
        scf.yield %scan3A_245 : i32
      }
      %scan3A_108 = arith.constant 160 : i32
      %while3A_109 = arith.constant 0 : i32
      scf.yield %while3A_109 : i32
    }
    %while3A_44 = arith.constant 1 : i32
    %while3A_45 = scf.for %while3A_64 = %while3A_41 to %while3A_37 step %while3A_44 iter_args(%while3A_65 = %while3A_43) -> (i32)  : i32 {
      %mul3A_66 = arith.constant 32 : i32
      %mul3A_67 = arith.muli %while3A_64, %mul3A_66 : i32
      %add3A_68 = arith.addi %add3A, %mul3A_67 : i32
      %mul3A_69 = arith.constant 2560 : i32
      %mul3A_70 = arith.muli %add3A_68, %mul3A_69 : i32
      %dma_start3A = tpu.memref_slice %arg5[%mul3A_70] : memref<1600000xi32, #tpu.memory_space<hbm>> -> memref<2560xi32, #tpu.memory_space<hbm>>
      %dma_start3A_71 = tpu.memref_slice %arg5[%mul3A_70] : memref<1600000xi32, #tpu.memory_space<hbm>> -> memref<2560xi32, #tpu.memory_space<hbm>>
      tpu.enqueue_dma source(%dma_start3A_71 : memref<2560xi32, #tpu.memory_space<hbm>>) target(%arg18 : memref<2560xi32, #tpu.memory_space<vmem>>) target_semaphore(%arg35 : memref<!tpu.dma_semaphore, #tpu.memory_space<semaphore_mem>>)
      %dma_start3A_72 = tpu.memref_slice %arg6[%mul3A_70] : memref<1600000xi32, #tpu.memory_space<hbm>> -> memref<2560xi32, #tpu.memory_space<hbm>>
      %dma_start3A_73 = tpu.memref_slice %arg6[%mul3A_70] : memref<1600000xi32, #tpu.memory_space<hbm>> -> memref<2560xi32, #tpu.memory_space<hbm>>
      tpu.enqueue_dma source(%dma_start3A_73 : memref<2560xi32, #tpu.memory_space<hbm>>) target(%arg19 : memref<2560xi32, #tpu.memory_space<vmem>>) target_semaphore(%arg35 : memref<!tpu.dma_semaphore, #tpu.memory_space<semaphore_mem>>)
      %dma_start3A_74 = tpu.memref_slice %arg7[%mul3A_70] : memref<1600000xi32, #tpu.memory_space<hbm>> -> memref<2560xi32, #tpu.memory_space<hbm>>
      %dma_start3A_75 = tpu.memref_slice %arg7[%mul3A_70] : memref<1600000xi32, #tpu.memory_space<hbm>> -> memref<2560xi32, #tpu.memory_space<hbm>>
      tpu.enqueue_dma source(%dma_start3A_75 : memref<2560xi32, #tpu.memory_space<hbm>>) target(%arg20 : memref<2560xi32, #tpu.memory_space<vmem>>) target_semaphore(%arg35 : memref<!tpu.dma_semaphore, #tpu.memory_space<semaphore_mem>>)
      %dma_start3A_76 = tpu.memref_slice %arg14[%mul3A_70] : memref<1600000xf32, #tpu.memory_space<hbm>> -> memref<2560xf32, #tpu.memory_space<hbm>>
      %dma_start3A_77 = tpu.memref_slice %arg14[%mul3A_70] : memref<1600000xf32, #tpu.memory_space<hbm>> -> memref<2560xf32, #tpu.memory_space<hbm>>
      tpu.enqueue_dma source(%dma_start3A_77 : memref<2560xf32, #tpu.memory_space<hbm>>) target(%arg26 : memref<2560xf32, #tpu.memory_space<vmem>>) target_semaphore(%arg36 : memref<!tpu.dma_semaphore, #tpu.memory_space<semaphore_mem>>)
      %dma_start3A_78 = tpu.memref_slice %arg15[%mul3A_70] : memref<1600000xf32, #tpu.memory_space<hbm>> -> memref<2560xf32, #tpu.memory_space<hbm>>
      %dma_start3A_79 = tpu.memref_slice %arg15[%mul3A_70] : memref<1600000xf32, #tpu.memory_space<hbm>> -> memref<2560xf32, #tpu.memory_space<hbm>>
      tpu.enqueue_dma source(%dma_start3A_79 : memref<2560xf32, #tpu.memory_space<hbm>>) target(%arg27 : memref<2560xf32, #tpu.memory_space<vmem>>) target_semaphore(%arg36 : memref<!tpu.dma_semaphore, #tpu.memory_space<semaphore_mem>>)
      %dma_wait3A = tpu.memref_slice %arg5[%mul3A_70] : memref<1600000xi32, #tpu.memory_space<hbm>> -> memref<2560xi32, #tpu.memory_space<hbm>>
      %dma_wait3A_80 = tpu.memref_slice %arg5[%mul3A_70] : memref<1600000xi32, #tpu.memory_space<hbm>> -> memref<2560xi32, #tpu.memory_space<hbm>>
      tpu.wait_dma2 semaphore(%arg35 : memref<!tpu.dma_semaphore, #tpu.memory_space<semaphore_mem>>) src(%dma_wait3A_80 : memref<2560xi32, #tpu.memory_space<hbm>>) dst(%arg18 : memref<2560xi32, #tpu.memory_space<vmem>>)
      %dma_wait3A_81 = tpu.memref_slice %arg6[%mul3A_70] : memref<1600000xi32, #tpu.memory_space<hbm>> -> memref<2560xi32, #tpu.memory_space<hbm>>
      %dma_wait3A_82 = tpu.memref_slice %arg6[%mul3A_70] : memref<1600000xi32, #tpu.memory_space<hbm>> -> memref<2560xi32, #tpu.memory_space<hbm>>
      tpu.wait_dma2 semaphore(%arg35 : memref<!tpu.dma_semaphore, #tpu.memory_space<semaphore_mem>>) src(%dma_wait3A_82 : memref<2560xi32, #tpu.memory_space<hbm>>) dst(%arg19 : memref<2560xi32, #tpu.memory_space<vmem>>)
      %dma_wait3A_83 = tpu.memref_slice %arg7[%mul3A_70] : memref<1600000xi32, #tpu.memory_space<hbm>> -> memref<2560xi32, #tpu.memory_space<hbm>>
      %dma_wait3A_84 = tpu.memref_slice %arg7[%mul3A_70] : memref<1600000xi32, #tpu.memory_space<hbm>> -> memref<2560xi32, #tpu.memory_space<hbm>>
      tpu.wait_dma2 semaphore(%arg35 : memref<!tpu.dma_semaphore, #tpu.memory_space<semaphore_mem>>) src(%dma_wait3A_84 : memref<2560xi32, #tpu.memory_space<hbm>>) dst(%arg20 : memref<2560xi32, #tpu.memory_space<vmem>>)
      %scan3A = arith.constant 0 : i32
      %scan3A_85 = arith.constant 0 : i32
      %scan3A_86 = arith.constant 20 : i32
      %scan3A_87 = arith.addi %scan3A_85, %scan3A_86 : i32
      %scan3A_88 = arith.constant 1 : i32
      %scan3A_89 = scf.for %scan3A_110 = %scan3A_85 to %scan3A_87 step %scan3A_88 iter_args(%scan3A_111 = %scan3A) -> (i32)  : i32 {
        %mul3A_112 = arith.constant 128 : i32
        %mul3A_113 = arith.muli %scan3A_110, %mul3A_112 : i32
        %multiple_of3A = tpu.assume_multiple %mul3A_113, 128 : i32
        %dma_start3A_114 = arith.constant 0 : i32
        %dma_start3A_115 = tpu.memref_slice %arg22[%multiple_of3A, %dma_start3A_114] : memref<2560x4xf32, #tpu.memory_space<vmem>> -> memref<128x4xf32, #tpu.memory_space<vmem>>
        %dma_start3A_116 = tpu.memref_slice %arg18[%multiple_of3A] : memref<2560xi32, #tpu.memory_space<vmem>> -> memref<128xi32, #tpu.memory_space<vmem>>
        %dma_start3A_117 = arith.constant 0 : i32
        %dma_start3A_118 = arith.constant 0 : i32
        %dma_start3A_119 = tpu.memref_slice %arg2[%dma_start3A_117, %dma_start3A_118] : memref<100000x4xf32, #tpu.memory_space<hbm>> -> memref<100000x4xf32, #tpu.memory_space<hbm>>
        tpu.enqueue_indirect_dma source(%dma_start3A_119 : memref<100000x4xf32, #tpu.memory_space<hbm>>) target(%dma_start3A_115 : memref<128x4xf32, #tpu.memory_space<vmem>>) offsets(%dma_start3A_116 : memref<128xi32, #tpu.memory_space<vmem>>) semaphore(%arg37 : memref<!tpu.dma_semaphore, #tpu.memory_space<semaphore_mem>>)
        %dma_start3A_120 = arith.constant 0 : i32
        %dma_start3A_121 = tpu.memref_slice %arg23[%multiple_of3A, %dma_start3A_120] : memref<2560x4xf32, #tpu.memory_space<vmem>> -> memref<128x4xf32, #tpu.memory_space<vmem>>
        %dma_start3A_122 = tpu.memref_slice %arg19[%multiple_of3A] : memref<2560xi32, #tpu.memory_space<vmem>> -> memref<128xi32, #tpu.memory_space<vmem>>
        %dma_start3A_123 = arith.constant 0 : i32
        %dma_start3A_124 = arith.constant 0 : i32
        %dma_start3A_125 = tpu.memref_slice %arg2[%dma_start3A_123, %dma_start3A_124] : memref<100000x4xf32, #tpu.memory_space<hbm>> -> memref<100000x4xf32, #tpu.memory_space<hbm>>
        tpu.enqueue_indirect_dma source(%dma_start3A_125 : memref<100000x4xf32, #tpu.memory_space<hbm>>) target(%dma_start3A_121 : memref<128x4xf32, #tpu.memory_space<vmem>>) offsets(%dma_start3A_122 : memref<128xi32, #tpu.memory_space<vmem>>) semaphore(%arg37 : memref<!tpu.dma_semaphore, #tpu.memory_space<semaphore_mem>>)
        %dma_start3A_126 = arith.constant 0 : i32
        %dma_start3A_127 = tpu.memref_slice %arg24[%multiple_of3A, %dma_start3A_126] : memref<2560x4xf32, #tpu.memory_space<vmem>> -> memref<128x4xf32, #tpu.memory_space<vmem>>
        %dma_start3A_128 = tpu.memref_slice %arg20[%multiple_of3A] : memref<2560xi32, #tpu.memory_space<vmem>> -> memref<128xi32, #tpu.memory_space<vmem>>
        %dma_start3A_129 = arith.constant 0 : i32
        %dma_start3A_130 = arith.constant 0 : i32
        %dma_start3A_131 = tpu.memref_slice %arg2[%dma_start3A_129, %dma_start3A_130] : memref<100000x4xf32, #tpu.memory_space<hbm>> -> memref<100000x4xf32, #tpu.memory_space<hbm>>
        tpu.enqueue_indirect_dma source(%dma_start3A_131 : memref<100000x4xf32, #tpu.memory_space<hbm>>) target(%dma_start3A_127 : memref<128x4xf32, #tpu.memory_space<vmem>>) offsets(%dma_start3A_128 : memref<128xi32, #tpu.memory_space<vmem>>) semaphore(%arg37 : memref<!tpu.dma_semaphore, #tpu.memory_space<semaphore_mem>>)
        %scan3A_132 = arith.constant 0 : i32
        scf.yield %scan3A_132 : i32
      }
      %scan3A_90 = arith.constant 20 : i32
      %dma_wait3A_91 = tpu.memref_slice %arg14[%mul3A_70] : memref<1600000xf32, #tpu.memory_space<hbm>> -> memref<2560xf32, #tpu.memory_space<hbm>>
      %dma_wait3A_92 = tpu.memref_slice %arg14[%mul3A_70] : memref<1600000xf32, #tpu.memory_space<hbm>> -> memref<2560xf32, #tpu.memory_space<hbm>>
      tpu.wait_dma2 semaphore(%arg36 : memref<!tpu.dma_semaphore, #tpu.memory_space<semaphore_mem>>) src(%dma_wait3A_92 : memref<2560xf32, #tpu.memory_space<hbm>>) dst(%arg26 : memref<2560xf32, #tpu.memory_space<vmem>>)
      %dma_wait3A_93 = tpu.memref_slice %arg15[%mul3A_70] : memref<1600000xf32, #tpu.memory_space<hbm>> -> memref<2560xf32, #tpu.memory_space<hbm>>
      %dma_wait3A_94 = tpu.memref_slice %arg15[%mul3A_70] : memref<1600000xf32, #tpu.memory_space<hbm>> -> memref<2560xf32, #tpu.memory_space<hbm>>
      tpu.wait_dma2 semaphore(%arg36 : memref<!tpu.dma_semaphore, #tpu.memory_space<semaphore_mem>>) src(%dma_wait3A_94 : memref<2560xf32, #tpu.memory_space<hbm>>) dst(%arg27 : memref<2560xf32, #tpu.memory_space<vmem>>)
      %scan3A_95 = arith.constant 0 : i32
      %scan3A_96 = arith.constant 0 : i32
      %scan3A_97 = arith.constant 20 : i32
      %scan3A_98 = arith.addi %scan3A_96, %scan3A_97 : i32
      %scan3A_99 = arith.constant 1 : i32
      %scan3A_100 = scf.for %scan3A_110 = %scan3A_96 to %scan3A_98 step %scan3A_99 iter_args(%scan3A_111 = %scan3A_95) -> (i32)  : i32 {
        %mul3A_112 = arith.constant 128 : i32
        %mul3A_113 = arith.muli %scan3A_110, %mul3A_112 : i32
        %multiple_of3A = tpu.assume_multiple %mul3A_113, 128 : i32
        %dma_wait3A_114 = arith.constant 0 : i32
        %dma_wait3A_115 = tpu.memref_slice %arg22[%multiple_of3A, %dma_wait3A_114] : memref<2560x4xf32, #tpu.memory_space<vmem>> -> memref<128x4xf32, #tpu.memory_space<vmem>>
        %dma_wait3A_116 = tpu.memref_slice %arg18[%multiple_of3A] : memref<2560xi32, #tpu.memory_space<vmem>> -> memref<128xi32, #tpu.memory_space<vmem>>
        %dma_wait3A_117 = arith.constant 0 : i32
        %dma_wait3A_118 = arith.constant 0 : i32
        %dma_wait3A_119 = tpu.memref_slice %arg2[%dma_wait3A_117, %dma_wait3A_118] : memref<100000x4xf32, #tpu.memory_space<hbm>> -> memref<100000x4xf32, #tpu.memory_space<hbm>>
        tpu.wait_indirect_dma semaphore(%arg37 : memref<!tpu.dma_semaphore, #tpu.memory_space<semaphore_mem>>) src(%dma_wait3A_119 : memref<100000x4xf32, #tpu.memory_space<hbm>>) dst(%dma_wait3A_115 : memref<128x4xf32, #tpu.memory_space<vmem>>)
        %dma_wait3A_120 = arith.constant 0 : i32
        %dma_wait3A_121 = tpu.memref_slice %arg23[%multiple_of3A, %dma_wait3A_120] : memref<2560x4xf32, #tpu.memory_space<vmem>> -> memref<128x4xf32, #tpu.memory_space<vmem>>
        %dma_wait3A_122 = tpu.memref_slice %arg19[%multiple_of3A] : memref<2560xi32, #tpu.memory_space<vmem>> -> memref<128xi32, #tpu.memory_space<vmem>>
        %dma_wait3A_123 = arith.constant 0 : i32
        %dma_wait3A_124 = arith.constant 0 : i32
        %dma_wait3A_125 = tpu.memref_slice %arg2[%dma_wait3A_123, %dma_wait3A_124] : memref<100000x4xf32, #tpu.memory_space<hbm>> -> memref<100000x4xf32, #tpu.memory_space<hbm>>
        tpu.wait_indirect_dma semaphore(%arg37 : memref<!tpu.dma_semaphore, #tpu.memory_space<semaphore_mem>>) src(%dma_wait3A_125 : memref<100000x4xf32, #tpu.memory_space<hbm>>) dst(%dma_wait3A_121 : memref<128x4xf32, #tpu.memory_space<vmem>>)
        %dma_wait3A_126 = arith.constant 0 : i32
        %dma_wait3A_127 = tpu.memref_slice %arg24[%multiple_of3A, %dma_wait3A_126] : memref<2560x4xf32, #tpu.memory_space<vmem>> -> memref<128x4xf32, #tpu.memory_space<vmem>>
        %dma_wait3A_128 = tpu.memref_slice %arg20[%multiple_of3A] : memref<2560xi32, #tpu.memory_space<vmem>> -> memref<128xi32, #tpu.memory_space<vmem>>
        %dma_wait3A_129 = arith.constant 0 : i32
        %dma_wait3A_130 = arith.constant 0 : i32
        %dma_wait3A_131 = tpu.memref_slice %arg2[%dma_wait3A_129, %dma_wait3A_130] : memref<100000x4xf32, #tpu.memory_space<hbm>> -> memref<100000x4xf32, #tpu.memory_space<hbm>>
        tpu.wait_indirect_dma semaphore(%arg37 : memref<!tpu.dma_semaphore, #tpu.memory_space<semaphore_mem>>) src(%dma_wait3A_131 : memref<100000x4xf32, #tpu.memory_space<hbm>>) dst(%dma_wait3A_127 : memref<128x4xf32, #tpu.memory_space<vmem>>)
        %scan3A_132 = arith.constant 0 : i32
        scf.yield %scan3A_132 : i32
      }
      %scan3A_101 = arith.constant 20 : i32
      %scan3A_102 = arith.constant 0 : i32
      %scan3A_103 = arith.constant 0 : i32
      %scan3A_104 = arith.constant 160 : i32
      %scan3A_105 = arith.addi %scan3A_103, %scan3A_104 : i32
      %scan3A_106 = arith.constant 1 : i32
      %scan3A_107 = scf.for %scan3A_110 = %scan3A_103 to %scan3A_105 step %scan3A_106 iter_args(%scan3A_111 = %scan3A_102) -> (i32)  : i32 {
        %mul3A_112 = arith.constant 16 : i32
        %mul3A_113 = arith.muli %scan3A_110, %mul3A_112 : i32
        %multiple_of3A = tpu.assume_multiple %mul3A_113, 16 : i32
        %iota3A = tpu.iota {dimensions = array<i32: 0>} : vector<16xi32>
        %add3A_114 = vector.broadcast %multiple_of3A : i32 to vector<16xi32>
        %add3A_115 = arith.addi %add3A_114, %iota3A : vector<16xi32>
        %broadcast_in_dim3A_116 = arith.constant 0 : i32
        %broadcast_in_dim3A_117 = vector.broadcast %broadcast_in_dim3A_116 : i32 to vector<16xi32>
        %gather3A = tpu.vector_load_idx %arg22[%add3A_115, %broadcast_in_dim3A_117] : memref<2560x4xf32, #tpu.memory_space<vmem>>[vector<16xi32>, vector<16xi32>], vector<16xf32>,
        %broadcast_in_dim3A_118 = arith.constant 1 : i32
        %broadcast_in_dim3A_119 = vector.broadcast %broadcast_in_dim3A_118 : i32 to vector<16xi32>
        %gather3A_120 = tpu.vector_load_idx %arg22[%add3A_115, %broadcast_in_dim3A_119] : memref<2560x4xf32, #tpu.memory_space<vmem>>[vector<16xi32>, vector<16xi32>], vector<16xf32>,
        %broadcast_in_dim3A_121 = arith.constant 2 : i32
        %broadcast_in_dim3A_122 = vector.broadcast %broadcast_in_dim3A_121 : i32 to vector<16xi32>
        %gather3A_123 = tpu.vector_load_idx %arg22[%add3A_115, %broadcast_in_dim3A_122] : memref<2560x4xf32, #tpu.memory_space<vmem>>[vector<16xi32>, vector<16xi32>], vector<16xf32>,
        %broadcast_in_dim3A_124 = arith.constant 0 : i32
        %broadcast_in_dim3A_125 = vector.broadcast %broadcast_in_dim3A_124 : i32 to vector<16xi32>
        %gather3A_126 = tpu.vector_load_idx %arg23[%add3A_115, %broadcast_in_dim3A_125] : memref<2560x4xf32, #tpu.memory_space<vmem>>[vector<16xi32>, vector<16xi32>], vector<16xf32>,
        %broadcast_in_dim3A_127 = arith.constant 1 : i32
        %broadcast_in_dim3A_128 = vector.broadcast %broadcast_in_dim3A_127 : i32 to vector<16xi32>
        %gather3A_129 = tpu.vector_load_idx %arg23[%add3A_115, %broadcast_in_dim3A_128] : memref<2560x4xf32, #tpu.memory_space<vmem>>[vector<16xi32>, vector<16xi32>], vector<16xf32>,
        %broadcast_in_dim3A_130 = arith.constant 2 : i32
        %broadcast_in_dim3A_131 = vector.broadcast %broadcast_in_dim3A_130 : i32 to vector<16xi32>
        %gather3A_132 = tpu.vector_load_idx %arg23[%add3A_115, %broadcast_in_dim3A_131] : memref<2560x4xf32, #tpu.memory_space<vmem>>[vector<16xi32>, vector<16xi32>], vector<16xf32>,
        %broadcast_in_dim3A_133 = arith.constant 0 : i32
        %broadcast_in_dim3A_134 = vector.broadcast %broadcast_in_dim3A_133 : i32 to vector<16xi32>
        %gather3A_135 = tpu.vector_load_idx %arg24[%add3A_115, %broadcast_in_dim3A_134] : memref<2560x4xf32, #tpu.memory_space<vmem>>[vector<16xi32>, vector<16xi32>], vector<16xf32>,
        %broadcast_in_dim3A_136 = arith.constant 1 : i32
        %broadcast_in_dim3A_137 = vector.broadcast %broadcast_in_dim3A_136 : i32 to vector<16xi32>
        %gather3A_138 = tpu.vector_load_idx %arg24[%add3A_115, %broadcast_in_dim3A_137] : memref<2560x4xf32, #tpu.memory_space<vmem>>[vector<16xi32>, vector<16xi32>], vector<16xf32>,
        %broadcast_in_dim3A_139 = arith.constant 2 : i32
        %broadcast_in_dim3A_140 = vector.broadcast %broadcast_in_dim3A_139 : i32 to vector<16xi32>
        %gather3A_141 = tpu.vector_load_idx %arg24[%add3A_115, %broadcast_in_dim3A_140] : memref<2560x4xf32, #tpu.memory_space<vmem>>[vector<16xi32>, vector<16xi32>], vector<16xf32>,
        %sub3A_142 = arith.subf %gather3A, %gather3A_126 : vector<16xf32>
        %sub3A_143 = arith.subf %gather3A_120, %gather3A_129 : vector<16xf32>
        %sub3A_144 = arith.subf %gather3A_123, %gather3A_132 : vector<16xf32>
        %sub3A_145 = arith.subf %gather3A_135, %gather3A_126 : vector<16xf32>
        %sub3A_146 = arith.subf %gather3A_138, %gather3A_129 : vector<16xf32>
        %sub3A_147 = arith.subf %gather3A_141, %gather3A_132 : vector<16xf32>
        %mul3A_148 = arith.mulf %sub3A_142, %sub3A_145 : vector<16xf32>
        %mul3A_149 = arith.mulf %sub3A_143, %sub3A_146 : vector<16xf32>
        %add3A_150 = arith.addf %mul3A_148, %mul3A_149 : vector<16xf32>
        %mul3A_151 = arith.mulf %sub3A_144, %sub3A_147 : vector<16xf32>
        %add3A_152 = arith.addf %add3A_150, %mul3A_151 : vector<16xf32>
        %mul3A_153 = arith.mulf %sub3A_142, %sub3A_142 : vector<16xf32>
        %mul3A_154 = arith.mulf %sub3A_143, %sub3A_143 : vector<16xf32>
        %add3A_155 = arith.addf %mul3A_153, %mul3A_154 : vector<16xf32>
        %mul3A_156 = arith.mulf %sub3A_144, %sub3A_144 : vector<16xf32>
        %add3A_157 = arith.addf %add3A_155, %mul3A_156 : vector<16xf32>
        %add3A_158 = arith.constant 9.99999996E-13 : f32
        %add3A_159 = vector.broadcast %add3A_158 : f32 to vector<16xf32>
        %add3A_160 = arith.addf %add3A_157, %add3A_159 : vector<16xf32>
        %mul3A_161 = arith.mulf %sub3A_145, %sub3A_145 : vector<16xf32>
        %mul3A_162 = arith.mulf %sub3A_146, %sub3A_146 : vector<16xf32>
        %add3A_163 = arith.addf %mul3A_161, %mul3A_162 : vector<16xf32>
        %mul3A_164 = arith.mulf %sub3A_147, %sub3A_147 : vector<16xf32>
        %add3A_165 = arith.addf %add3A_163, %mul3A_164 : vector<16xf32>
        %add3A_166 = arith.constant 9.99999996E-13 : f32
        %add3A_167 = vector.broadcast %add3A_166 : f32 to vector<16xf32>
        %add3A_168 = arith.addf %add3A_165, %add3A_167 : vector<16xf32>
        %mul3A_169 = arith.mulf %add3A_160, %add3A_168 : vector<16xf32>
        %bitcast_convert_type3A = tpu.bitcast %mul3A_169 : vector<16xf32> -> vector<16xi32>
        %shift_right_arithmetic3A = arith.constant 1 : i32
        %shift_right_arithmetic3A_170 = vector.broadcast %shift_right_arithmetic3A : i32 to vector<16xi32>
        %shift_right_arithmetic3A_171 = arith.shrsi %bitcast_convert_type3A, %shift_right_arithmetic3A_170 : vector<16xi32>
        %sub3A_172 = arith.constant 1597463007 : i32
        %sub3A_173 = vector.broadcast %sub3A_172 : i32 to vector<16xi32>
        %sub3A_174 = arith.subi %sub3A_173, %shift_right_arithmetic3A_171 : vector<16xi32>
        %bitcast_convert_type3A_175 = tpu.bitcast %sub3A_174 : vector<16xi32> -> vector<16xf32>
        %mul3A_176 = arith.constant 5.000000e-01 : f32
        %mul3A_177 = vector.broadcast %mul3A_176 : f32 to vector<16xf32>
        %mul3A_178 = arith.mulf %mul3A_177, %mul3A_169 : vector<16xf32>
        %mul3A_179 = arith.mulf %mul3A_178, %bitcast_convert_type3A_175 : vector<16xf32>
        %mul3A_180 = arith.mulf %mul3A_179, %bitcast_convert_type3A_175 : vector<16xf32>
        %sub3A_181 = arith.constant 1.500000e+00 : f32
        %sub3A_182 = vector.broadcast %sub3A_181 : f32 to vector<16xf32>
        %sub3A_183 = arith.subf %sub3A_182, %mul3A_180 : vector<16xf32>
        %mul3A_184 = arith.mulf %bitcast_convert_type3A_175, %sub3A_183 : vector<16xf32>
        %mul3A_185 = arith.constant 5.000000e-01 : f32
        %mul3A_186 = vector.broadcast %mul3A_185 : f32 to vector<16xf32>
        %mul3A_187 = arith.mulf %mul3A_186, %mul3A_169 : vector<16xf32>
        %mul3A_188 = arith.mulf %mul3A_187, %mul3A_184 : vector<16xf32>
        %mul3A_189 = arith.mulf %mul3A_188, %mul3A_184 : vector<16xf32>
        %sub3A_190 = arith.constant 1.500000e+00 : f32
        %sub3A_191 = vector.broadcast %sub3A_190 : f32 to vector<16xf32>
        %sub3A_192 = arith.subf %sub3A_191, %mul3A_189 : vector<16xf32>
        %mul3A_193 = arith.mulf %mul3A_184, %sub3A_192 : vector<16xf32>
        %mul3A_194 = arith.constant 5.000000e-01 : f32
        %mul3A_195 = vector.broadcast %mul3A_194 : f32 to vector<16xf32>
        %mul3A_196 = arith.mulf %mul3A_195, %mul3A_169 : vector<16xf32>
        %mul3A_197 = arith.mulf %mul3A_196, %mul3A_193 : vector<16xf32>
        %mul3A_198 = arith.mulf %mul3A_197, %mul3A_193 : vector<16xf32>
        %sub3A_199 = arith.constant 1.500000e+00 : f32
        %sub3A_200 = vector.broadcast %sub3A_199 : f32 to vector<16xf32>
        %sub3A_201 = arith.subf %sub3A_200, %mul3A_198 : vector<16xf32>
        %mul3A_202 = arith.mulf %mul3A_193, %sub3A_201 : vector<16xf32>
        %mul3A_203 = arith.mulf %mul3A_169, %mul3A_202 : vector<16xf32>
        %add3A_204 = arith.constant 9.99999971E-10 : f32
        %add3A_205 = vector.broadcast %add3A_204 : f32 to vector<16xf32>
        %add3A_206 = arith.addf %mul3A_203, %add3A_205 : vector<16xf32>
        %div3A_207 = arith.divf %add3A_152, %add3A_206 : vector<16xf32>
        %get3A = arith.index_cast %multiple_of3A : i32 to index
        %get3A_208 = tpu.vector_load %arg26[%get3A] {strides = array<i32>} : memref<2560xf32, #tpu.memory_space<vmem>>, vector<16xf32>,
        %get3A_209 = arith.index_cast %multiple_of3A : i32 to index
        %get3A_210 = tpu.vector_load %arg27[%get3A_209] {strides = array<i32>} : memref<2560xf32, #tpu.memory_space<vmem>>, vector<16xf32>,
        %mul3A_211 = arith.mulf %get3A_210, %get3A_210 : vector<16xf32>
        %mul3A_212 = arith.constant -2.755732E-7 : f32
        %mul3A_213 = vector.broadcast %mul3A_212 : f32 to vector<16xf32>
        %mul3A_214 = arith.mulf %mul3A_213, %mul3A_211 : vector<16xf32>
        %add3A_215 = arith.constant 2.48015876E-5 : f32
        %add3A_216 = vector.broadcast %add3A_215 : f32 to vector<16xf32>
        %add3A_217 = arith.addf %mul3A_214, %add3A_216 : vector<16xf32>
        %mul3A_218 = arith.mulf %add3A_217, %mul3A_211 : vector<16xf32>
        %add3A_219 = arith.constant -0.00138888892 : f32
        %add3A_220 = vector.broadcast %add3A_219 : f32 to vector<16xf32>
        %add3A_221 = arith.addf %mul3A_218, %add3A_220 : vector<16xf32>
        %mul3A_222 = arith.mulf %add3A_221, %mul3A_211 : vector<16xf32>
        %add3A_223 = arith.constant 0.0416666679 : f32
        %add3A_224 = vector.broadcast %add3A_223 : f32 to vector<16xf32>
        %add3A_225 = arith.addf %mul3A_222, %add3A_224 : vector<16xf32>
        %mul3A_226 = arith.mulf %add3A_225, %mul3A_211 : vector<16xf32>
        %add3A_227 = arith.constant -5.000000e-01 : f32
        %add3A_228 = vector.broadcast %add3A_227 : f32 to vector<16xf32>
        %add3A_229 = arith.addf %mul3A_226, %add3A_228 : vector<16xf32>
        %mul3A_230 = arith.mulf %add3A_229, %mul3A_211 : vector<16xf32>
        %add3A_231 = arith.constant 1.000000e+00 : f32
        %add3A_232 = vector.broadcast %add3A_231 : f32 to vector<16xf32>
        %add3A_233 = arith.addf %mul3A_230, %add3A_232 : vector<16xf32>
        %sub3A_234 = arith.subf %div3A_207, %add3A_233 : vector<16xf32>
        %get3A_235 = arith.constant 0 : index
        %get3A_236 = tpu.vector_load %arg34[%get3A_235] {strides = array<i32>} : memref<16xf32, #tpu.memory_space<vmem>>, vector<16xf32>,
        %mul3A_237 = arith.constant 5.000000e-01 : f32
        %mul3A_238 = vector.broadcast %mul3A_237 : f32 to vector<16xf32>
        %mul3A_239 = arith.mulf %mul3A_238, %get3A_208 : vector<16xf32>
        %mul3A_240 = arith.mulf %mul3A_239, %sub3A_234 : vector<16xf32>
        %mul3A_241 = arith.mulf %mul3A_240, %sub3A_234 : vector<16xf32>
        %add3A_242 = arith.addf %get3A_236, %mul3A_241 : vector<16xf32>
        %swap3A_243 = arith.constant 0 : index
        %swap3A_244 = tpu.vector_load %arg34[%swap3A_243] {strides = array<i32>} : memref<16xf32, #tpu.memory_space<vmem>>, vector<16xf32>,
        tpu.vector_store %arg34[%swap3A_243], %add3A_242 {strides = array<i32>} : memref<16xf32, #tpu.memory_space<vmem>>, vector<16xf32>,
        %scan3A_245 = arith.constant 0 : i32
        scf.yield %scan3A_245 : i32
      }
      %scan3A_108 = arith.constant 160 : i32
      %while3A_109 = arith.constant 0 : i32
      scf.yield %while3A_109 : i32
    }
    %while3A_46 = arith.constant 0 : i32
    %while3A_47 = arith.constant 1 : i32
    %while3A_48 = arith.constant 2 : i32
    %while3A_49 = arith.constant 3 : i32
    %while3A_50 = arith.constant 4 : i32
    %while3A_51 = arith.constant 5 : i32
    %while3A_52 = arith.constant 0 : i32
    %while3A_53 = arith.constant 0 : i32
    %while3A_54 = arith.subi %select_n3A, %while3A_52 : i32
    %while3A_55 = arith.addi %while3A_52, %while3A_54 : i32
    %while3A_56 = arith.constant 1 : i32
    %while3A_57 = arith.divsi %while3A_54, %while3A_56 : i32
    %while3A_58 = arith.muli %while3A_57, %while3A_56 : i32
    %while3A_59 = arith.addi %while3A_52, %while3A_58 : i32
    %while3A_60 = arith.constant 1 : i32
    %while3A_61 = scf.for %while3A_64 = %while3A_52 to %while3A_59 step %while3A_60 iter_args(%while3A_65 = %while3A_53) -> (i32)  : i32 {
      %mul3A_66 = arith.constant 32 : i32
      %mul3A_67 = arith.muli %while3A_64, %mul3A_66 : i32
      %add3A_68 = arith.addi %add3A, %mul3A_67 : i32
      %mul3A_69 = arith.constant 2560 : i32
      %mul3A_70 = arith.muli %add3A_68, %mul3A_69 : i32
      %dma_start3A = tpu.memref_slice %arg8[%mul3A_70] : memref<1600000xi32, #tpu.memory_space<hbm>> -> memref<2560xi32, #tpu.memory_space<hbm>>
      %dma_start3A_71 = tpu.memref_slice %arg8[%mul3A_70] : memref<1600000xi32, #tpu.memory_space<hbm>> -> memref<2560xi32, #tpu.memory_space<hbm>>
      tpu.enqueue_dma source(%dma_start3A_71 : memref<2560xi32, #tpu.memory_space<hbm>>) target(%arg18 : memref<2560xi32, #tpu.memory_space<vmem>>) target_semaphore(%arg35 : memref<!tpu.dma_semaphore, #tpu.memory_space<semaphore_mem>>)
      %dma_start3A_72 = tpu.memref_slice %arg9[%mul3A_70] : memref<1600000xi32, #tpu.memory_space<hbm>> -> memref<2560xi32, #tpu.memory_space<hbm>>
      %dma_start3A_73 = tpu.memref_slice %arg9[%mul3A_70] : memref<1600000xi32, #tpu.memory_space<hbm>> -> memref<2560xi32, #tpu.memory_space<hbm>>
      tpu.enqueue_dma source(%dma_start3A_73 : memref<2560xi32, #tpu.memory_space<hbm>>) target(%arg19 : memref<2560xi32, #tpu.memory_space<vmem>>) target_semaphore(%arg35 : memref<!tpu.dma_semaphore, #tpu.memory_space<semaphore_mem>>)
      %dma_start3A_74 = tpu.memref_slice %arg10[%mul3A_70] : memref<1600000xi32, #tpu.memory_space<hbm>> -> memref<2560xi32, #tpu.memory_space<hbm>>
      %dma_start3A_75 = tpu.memref_slice %arg10[%mul3A_70] : memref<1600000xi32, #tpu.memory_space<hbm>> -> memref<2560xi32, #tpu.memory_space<hbm>>
      tpu.enqueue_dma source(%dma_start3A_75 : memref<2560xi32, #tpu.memory_space<hbm>>) target(%arg20 : memref<2560xi32, #tpu.memory_space<vmem>>) target_semaphore(%arg35 : memref<!tpu.dma_semaphore, #tpu.memory_space<semaphore_mem>>)
      %dma_start3A_76 = tpu.memref_slice %arg11[%mul3A_70] : memref<1600000xi32, #tpu.memory_space<hbm>> -> memref<2560xi32, #tpu.memory_space<hbm>>
      %dma_start3A_77 = tpu.memref_slice %arg11[%mul3A_70] : memref<1600000xi32, #tpu.memory_space<hbm>> -> memref<2560xi32, #tpu.memory_space<hbm>>
      tpu.enqueue_dma source(%dma_start3A_77 : memref<2560xi32, #tpu.memory_space<hbm>>) target(%arg21 : memref<2560xi32, #tpu.memory_space<vmem>>) target_semaphore(%arg35 : memref<!tpu.dma_semaphore, #tpu.memory_space<semaphore_mem>>)
      %dma_start3A_78 = arith.constant 0 : i32
      %dma_start3A_79 = tpu.memref_slice %arg16[%while3A_46, %dma_start3A_78] : memref<6x1600000xf32, #tpu.memory_space<hbm>> -> memref<1x1600000xf32, #tpu.memory_space<hbm>>
      %dma_start3A_80 = tpu.memref_squeeze %dma_start3A_79 : memref<1x1600000xf32, #tpu.memory_space<hbm>> -> memref<1600000xf32, #tpu.memory_space<hbm>>
      %dma_start3A_81 = tpu.memref_slice %dma_start3A_80[%mul3A_70] : memref<1600000xf32, #tpu.memory_space<hbm>> -> memref<2560xf32, #tpu.memory_space<hbm>>
      %dma_start3A_82 = arith.constant 0 : i32
      %dma_start3A_83 = tpu.memref_slice %arg16[%while3A_46, %dma_start3A_82] : memref<6x1600000xf32, #tpu.memory_space<hbm>> -> memref<1x1600000xf32, #tpu.memory_space<hbm>>
      %dma_start3A_84 = tpu.memref_squeeze %dma_start3A_83 : memref<1x1600000xf32, #tpu.memory_space<hbm>> -> memref<1600000xf32, #tpu.memory_space<hbm>>
      %dma_start3A_85 = tpu.memref_slice %dma_start3A_84[%mul3A_70] : memref<1600000xf32, #tpu.memory_space<hbm>> -> memref<2560xf32, #tpu.memory_space<hbm>>
      tpu.enqueue_dma source(%dma_start3A_85 : memref<2560xf32, #tpu.memory_space<hbm>>) target(%arg28 : memref<2560xf32, #tpu.memory_space<vmem>>) target_semaphore(%arg36 : memref<!tpu.dma_semaphore, #tpu.memory_space<semaphore_mem>>)
      %dma_start3A_86 = arith.constant 0 : i32
      %dma_start3A_87 = tpu.memref_slice %arg16[%while3A_47, %dma_start3A_86] : memref<6x1600000xf32, #tpu.memory_space<hbm>> -> memref<1x1600000xf32, #tpu.memory_space<hbm>>
      %dma_start3A_88 = tpu.memref_squeeze %dma_start3A_87 : memref<1x1600000xf32, #tpu.memory_space<hbm>> -> memref<1600000xf32, #tpu.memory_space<hbm>>
      %dma_start3A_89 = tpu.memref_slice %dma_start3A_88[%mul3A_70] : memref<1600000xf32, #tpu.memory_space<hbm>> -> memref<2560xf32, #tpu.memory_space<hbm>>
      %dma_start3A_90 = arith.constant 0 : i32
      %dma_start3A_91 = tpu.memref_slice %arg16[%while3A_47, %dma_start3A_90] : memref<6x1600000xf32, #tpu.memory_space<hbm>> -> memref<1x1600000xf32, #tpu.memory_space<hbm>>
      %dma_start3A_92 = tpu.memref_squeeze %dma_start3A_91 : memref<1x1600000xf32, #tpu.memory_space<hbm>> -> memref<1600000xf32, #tpu.memory_space<hbm>>
      %dma_start3A_93 = tpu.memref_slice %dma_start3A_92[%mul3A_70] : memref<1600000xf32, #tpu.memory_space<hbm>> -> memref<2560xf32, #tpu.memory_space<hbm>>
      tpu.enqueue_dma source(%dma_start3A_93 : memref<2560xf32, #tpu.memory_space<hbm>>) target(%arg29 : memref<2560xf32, #tpu.memory_space<vmem>>) target_semaphore(%arg36 : memref<!tpu.dma_semaphore, #tpu.memory_space<semaphore_mem>>)
      %dma_start3A_94 = arith.constant 0 : i32
      %dma_start3A_95 = tpu.memref_slice %arg16[%while3A_48, %dma_start3A_94] : memref<6x1600000xf32, #tpu.memory_space<hbm>> -> memref<1x1600000xf32, #tpu.memory_space<hbm>>
      %dma_start3A_96 = tpu.memref_squeeze %dma_start3A_95 : memref<1x1600000xf32, #tpu.memory_space<hbm>> -> memref<1600000xf32, #tpu.memory_space<hbm>>
      %dma_start3A_97 = tpu.memref_slice %dma_start3A_96[%mul3A_70] : memref<1600000xf32, #tpu.memory_space<hbm>> -> memref<2560xf32, #tpu.memory_space<hbm>>
      %dma_start3A_98 = arith.constant 0 : i32
      %dma_start3A_99 = tpu.memref_slice %arg16[%while3A_48, %dma_start3A_98] : memref<6x1600000xf32, #tpu.memory_space<hbm>> -> memref<1x1600000xf32, #tpu.memory_space<hbm>>
      %dma_start3A_100 = tpu.memref_squeeze %dma_start3A_99 : memref<1x1600000xf32, #tpu.memory_space<hbm>> -> memref<1600000xf32, #tpu.memory_space<hbm>>
      %dma_start3A_101 = tpu.memref_slice %dma_start3A_100[%mul3A_70] : memref<1600000xf32, #tpu.memory_space<hbm>> -> memref<2560xf32, #tpu.memory_space<hbm>>
      tpu.enqueue_dma source(%dma_start3A_101 : memref<2560xf32, #tpu.memory_space<hbm>>) target(%arg30 : memref<2560xf32, #tpu.memory_space<vmem>>) target_semaphore(%arg36 : memref<!tpu.dma_semaphore, #tpu.memory_space<semaphore_mem>>)
      %dma_start3A_102 = arith.constant 0 : i32
      %dma_start3A_103 = tpu.memref_slice %arg16[%while3A_49, %dma_start3A_102] : memref<6x1600000xf32, #tpu.memory_space<hbm>> -> memref<1x1600000xf32, #tpu.memory_space<hbm>>
      %dma_start3A_104 = tpu.memref_squeeze %dma_start3A_103 : memref<1x1600000xf32, #tpu.memory_space<hbm>> -> memref<1600000xf32, #tpu.memory_space<hbm>>
      %dma_start3A_105 = tpu.memref_slice %dma_start3A_104[%mul3A_70] : memref<1600000xf32, #tpu.memory_space<hbm>> -> memref<2560xf32, #tpu.memory_space<hbm>>
      %dma_start3A_106 = arith.constant 0 : i32
      %dma_start3A_107 = tpu.memref_slice %arg16[%while3A_49, %dma_start3A_106] : memref<6x1600000xf32, #tpu.memory_space<hbm>> -> memref<1x1600000xf32, #tpu.memory_space<hbm>>
      %dma_start3A_108 = tpu.memref_squeeze %dma_start3A_107 : memref<1x1600000xf32, #tpu.memory_space<hbm>> -> memref<1600000xf32, #tpu.memory_space<hbm>>
      %dma_start3A_109 = tpu.memref_slice %dma_start3A_108[%mul3A_70] : memref<1600000xf32, #tpu.memory_space<hbm>> -> memref<2560xf32, #tpu.memory_space<hbm>>
      tpu.enqueue_dma source(%dma_start3A_109 : memref<2560xf32, #tpu.memory_space<hbm>>) target(%arg31 : memref<2560xf32, #tpu.memory_space<vmem>>) target_semaphore(%arg36 : memref<!tpu.dma_semaphore, #tpu.memory_space<semaphore_mem>>)
      %dma_start3A_110 = arith.constant 0 : i32
      %dma_start3A_111 = tpu.memref_slice %arg16[%while3A_50, %dma_start3A_110] : memref<6x1600000xf32, #tpu.memory_space<hbm>> -> memref<1x1600000xf32, #tpu.memory_space<hbm>>
      %dma_start3A_112 = tpu.memref_squeeze %dma_start3A_111 : memref<1x1600000xf32, #tpu.memory_space<hbm>> -> memref<1600000xf32, #tpu.memory_space<hbm>>
      %dma_start3A_113 = tpu.memref_slice %dma_start3A_112[%mul3A_70] : memref<1600000xf32, #tpu.memory_space<hbm>> -> memref<2560xf32, #tpu.memory_space<hbm>>
      %dma_start3A_114 = arith.constant 0 : i32
      %dma_start3A_115 = tpu.memref_slice %arg16[%while3A_50, %dma_start3A_114] : memref<6x1600000xf32, #tpu.memory_space<hbm>> -> memref<1x1600000xf32, #tpu.memory_space<hbm>>
      %dma_start3A_116 = tpu.memref_squeeze %dma_start3A_115 : memref<1x1600000xf32, #tpu.memory_space<hbm>> -> memref<1600000xf32, #tpu.memory_space<hbm>>
      %dma_start3A_117 = tpu.memref_slice %dma_start3A_116[%mul3A_70] : memref<1600000xf32, #tpu.memory_space<hbm>> -> memref<2560xf32, #tpu.memory_space<hbm>>
      tpu.enqueue_dma source(%dma_start3A_117 : memref<2560xf32, #tpu.memory_space<hbm>>) target(%arg32 : memref<2560xf32, #tpu.memory_space<vmem>>) target_semaphore(%arg36 : memref<!tpu.dma_semaphore, #tpu.memory_space<semaphore_mem>>)
      %dma_start3A_118 = arith.constant 0 : i32
      %dma_start3A_119 = tpu.memref_slice %arg16[%while3A_51, %dma_start3A_118] : memref<6x1600000xf32, #tpu.memory_space<hbm>> -> memref<1x1600000xf32, #tpu.memory_space<hbm>>
      %dma_start3A_120 = tpu.memref_squeeze %dma_start3A_119 : memref<1x1600000xf32, #tpu.memory_space<hbm>> -> memref<1600000xf32, #tpu.memory_space<hbm>>
      %dma_start3A_121 = tpu.memref_slice %dma_start3A_120[%mul3A_70] : memref<1600000xf32, #tpu.memory_space<hbm>> -> memref<2560xf32, #tpu.memory_space<hbm>>
      %dma_start3A_122 = arith.constant 0 : i32
      %dma_start3A_123 = tpu.memref_slice %arg16[%while3A_51, %dma_start3A_122] : memref<6x1600000xf32, #tpu.memory_space<hbm>> -> memref<1x1600000xf32, #tpu.memory_space<hbm>>
      %dma_start3A_124 = tpu.memref_squeeze %dma_start3A_123 : memref<1x1600000xf32, #tpu.memory_space<hbm>> -> memref<1600000xf32, #tpu.memory_space<hbm>>
      %dma_start3A_125 = tpu.memref_slice %dma_start3A_124[%mul3A_70] : memref<1600000xf32, #tpu.memory_space<hbm>> -> memref<2560xf32, #tpu.memory_space<hbm>>
      tpu.enqueue_dma source(%dma_start3A_125 : memref<2560xf32, #tpu.memory_space<hbm>>) target(%arg33 : memref<2560xf32, #tpu.memory_space<vmem>>) target_semaphore(%arg36 : memref<!tpu.dma_semaphore, #tpu.memory_space<semaphore_mem>>)
      %dma_wait3A = tpu.memref_slice %arg8[%mul3A_70] : memref<1600000xi32, #tpu.memory_space<hbm>> -> memref<2560xi32, #tpu.memory_space<hbm>>
      %dma_wait3A_126 = tpu.memref_slice %arg8[%mul3A_70] : memref<1600000xi32, #tpu.memory_space<hbm>> -> memref<2560xi32, #tpu.memory_space<hbm>>
      tpu.wait_dma2 semaphore(%arg35 : memref<!tpu.dma_semaphore, #tpu.memory_space<semaphore_mem>>) src(%dma_wait3A_126 : memref<2560xi32, #tpu.memory_space<hbm>>) dst(%arg18 : memref<2560xi32, #tpu.memory_space<vmem>>)
      %dma_wait3A_127 = tpu.memref_slice %arg9[%mul3A_70] : memref<1600000xi32, #tpu.memory_space<hbm>> -> memref<2560xi32, #tpu.memory_space<hbm>>
      %dma_wait3A_128 = tpu.memref_slice %arg9[%mul3A_70] : memref<1600000xi32, #tpu.memory_space<hbm>> -> memref<2560xi32, #tpu.memory_space<hbm>>
      tpu.wait_dma2 semaphore(%arg35 : memref<!tpu.dma_semaphore, #tpu.memory_space<semaphore_mem>>) src(%dma_wait3A_128 : memref<2560xi32, #tpu.memory_space<hbm>>) dst(%arg19 : memref<2560xi32, #tpu.memory_space<vmem>>)
      %dma_wait3A_129 = tpu.memref_slice %arg10[%mul3A_70] : memref<1600000xi32, #tpu.memory_space<hbm>> -> memref<2560xi32, #tpu.memory_space<hbm>>
      %dma_wait3A_130 = tpu.memref_slice %arg10[%mul3A_70] : memref<1600000xi32, #tpu.memory_space<hbm>> -> memref<2560xi32, #tpu.memory_space<hbm>>
      tpu.wait_dma2 semaphore(%arg35 : memref<!tpu.dma_semaphore, #tpu.memory_space<semaphore_mem>>) src(%dma_wait3A_130 : memref<2560xi32, #tpu.memory_space<hbm>>) dst(%arg20 : memref<2560xi32, #tpu.memory_space<vmem>>)
      %dma_wait3A_131 = tpu.memref_slice %arg11[%mul3A_70] : memref<1600000xi32, #tpu.memory_space<hbm>> -> memref<2560xi32, #tpu.memory_space<hbm>>
      %dma_wait3A_132 = tpu.memref_slice %arg11[%mul3A_70] : memref<1600000xi32, #tpu.memory_space<hbm>> -> memref<2560xi32, #tpu.memory_space<hbm>>
      tpu.wait_dma2 semaphore(%arg35 : memref<!tpu.dma_semaphore, #tpu.memory_space<semaphore_mem>>) src(%dma_wait3A_132 : memref<2560xi32, #tpu.memory_space<hbm>>) dst(%arg21 : memref<2560xi32, #tpu.memory_space<vmem>>)
      %scan3A = arith.constant 0 : i32
      %scan3A_133 = arith.constant 0 : i32
      %scan3A_134 = arith.constant 20 : i32
      %scan3A_135 = arith.addi %scan3A_133, %scan3A_134 : i32
      %scan3A_136 = arith.constant 1 : i32
      %scan3A_137 = scf.for %scan3A_202 = %scan3A_133 to %scan3A_135 step %scan3A_136 iter_args(%scan3A_203 = %scan3A) -> (i32)  : i32 {
        %mul3A_204 = arith.constant 128 : i32
        %mul3A_205 = arith.muli %scan3A_202, %mul3A_204 : i32
        %multiple_of3A = tpu.assume_multiple %mul3A_205, 128 : i32
        %dma_start3A_206 = arith.constant 0 : i32
        %dma_start3A_207 = tpu.memref_slice %arg22[%multiple_of3A, %dma_start3A_206] : memref<2560x4xf32, #tpu.memory_space<vmem>> -> memref<128x4xf32, #tpu.memory_space<vmem>>
        %dma_start3A_208 = tpu.memref_slice %arg18[%multiple_of3A] : memref<2560xi32, #tpu.memory_space<vmem>> -> memref<128xi32, #tpu.memory_space<vmem>>
        %dma_start3A_209 = arith.constant 0 : i32
        %dma_start3A_210 = arith.constant 0 : i32
        %dma_start3A_211 = tpu.memref_slice %arg2[%dma_start3A_209, %dma_start3A_210] : memref<100000x4xf32, #tpu.memory_space<hbm>> -> memref<100000x4xf32, #tpu.memory_space<hbm>>
        tpu.enqueue_indirect_dma source(%dma_start3A_211 : memref<100000x4xf32, #tpu.memory_space<hbm>>) target(%dma_start3A_207 : memref<128x4xf32, #tpu.memory_space<vmem>>) offsets(%dma_start3A_208 : memref<128xi32, #tpu.memory_space<vmem>>) semaphore(%arg37 : memref<!tpu.dma_semaphore, #tpu.memory_space<semaphore_mem>>)
        %dma_start3A_212 = arith.constant 0 : i32
        %dma_start3A_213 = tpu.memref_slice %arg23[%multiple_of3A, %dma_start3A_212] : memref<2560x4xf32, #tpu.memory_space<vmem>> -> memref<128x4xf32, #tpu.memory_space<vmem>>
        %dma_start3A_214 = tpu.memref_slice %arg19[%multiple_of3A] : memref<2560xi32, #tpu.memory_space<vmem>> -> memref<128xi32, #tpu.memory_space<vmem>>
        %dma_start3A_215 = arith.constant 0 : i32
        %dma_start3A_216 = arith.constant 0 : i32
        %dma_start3A_217 = tpu.memref_slice %arg2[%dma_start3A_215, %dma_start3A_216] : memref<100000x4xf32, #tpu.memory_space<hbm>> -> memref<100000x4xf32, #tpu.memory_space<hbm>>
        tpu.enqueue_indirect_dma source(%dma_start3A_217 : memref<100000x4xf32, #tpu.memory_space<hbm>>) target(%dma_start3A_213 : memref<128x4xf32, #tpu.memory_space<vmem>>) offsets(%dma_start3A_214 : memref<128xi32, #tpu.memory_space<vmem>>) semaphore(%arg37 : memref<!tpu.dma_semaphore, #tpu.memory_space<semaphore_mem>>)
        %dma_start3A_218 = arith.constant 0 : i32
        %dma_start3A_219 = tpu.memref_slice %arg24[%multiple_of3A, %dma_start3A_218] : memref<2560x4xf32, #tpu.memory_space<vmem>> -> memref<128x4xf32, #tpu.memory_space<vmem>>
        %dma_start3A_220 = tpu.memref_slice %arg20[%multiple_of3A] : memref<2560xi32, #tpu.memory_space<vmem>> -> memref<128xi32, #tpu.memory_space<vmem>>
        %dma_start3A_221 = arith.constant 0 : i32
        %dma_start3A_222 = arith.constant 0 : i32
        %dma_start3A_223 = tpu.memref_slice %arg2[%dma_start3A_221, %dma_start3A_222] : memref<100000x4xf32, #tpu.memory_space<hbm>> -> memref<100000x4xf32, #tpu.memory_space<hbm>>
        tpu.enqueue_indirect_dma source(%dma_start3A_223 : memref<100000x4xf32, #tpu.memory_space<hbm>>) target(%dma_start3A_219 : memref<128x4xf32, #tpu.memory_space<vmem>>) offsets(%dma_start3A_220 : memref<128xi32, #tpu.memory_space<vmem>>) semaphore(%arg37 : memref<!tpu.dma_semaphore, #tpu.memory_space<semaphore_mem>>)
        %dma_start3A_224 = arith.constant 0 : i32
        %dma_start3A_225 = tpu.memref_slice %arg25[%multiple_of3A, %dma_start3A_224] : memref<2560x4xf32, #tpu.memory_space<vmem>> -> memref<128x4xf32, #tpu.memory_space<vmem>>
        %dma_start3A_226 = tpu.memref_slice %arg21[%multiple_of3A] : memref<2560xi32, #tpu.memory_space<vmem>> -> memref<128xi32, #tpu.memory_space<vmem>>
        %dma_start3A_227 = arith.constant 0 : i32
        %dma_start3A_228 = arith.constant 0 : i32
        %dma_start3A_229 = tpu.memref_slice %arg2[%dma_start3A_227, %dma_start3A_228] : memref<100000x4xf32, #tpu.memory_space<hbm>> -> memref<100000x4xf32, #tpu.memory_space<hbm>>
        tpu.enqueue_indirect_dma source(%dma_start3A_229 : memref<100000x4xf32, #tpu.memory_space<hbm>>) target(%dma_start3A_225 : memref<128x4xf32, #tpu.memory_space<vmem>>) offsets(%dma_start3A_226 : memref<128xi32, #tpu.memory_space<vmem>>) semaphore(%arg37 : memref<!tpu.dma_semaphore, #tpu.memory_space<semaphore_mem>>)
        %scan3A_230 = arith.constant 0 : i32
        scf.yield %scan3A_230 : i32
      }
      %scan3A_138 = arith.constant 20 : i32
      %dma_wait3A_139 = arith.constant 0 : i32
      %dma_wait3A_140 = tpu.memref_slice %arg16[%while3A_46, %dma_wait3A_139] : memref<6x1600000xf32, #tpu.memory_space<hbm>> -> memref<1x1600000xf32, #tpu.memory_space<hbm>>
      %dma_wait3A_141 = tpu.memref_squeeze %dma_wait3A_140 : memref<1x1600000xf32, #tpu.memory_space<hbm>> -> memref<1600000xf32, #tpu.memory_space<hbm>>
      %dma_wait3A_142 = tpu.memref_slice %dma_wait3A_141[%mul3A_70] : memref<1600000xf32, #tpu.memory_space<hbm>> -> memref<2560xf32, #tpu.memory_space<hbm>>
      %dma_wait3A_143 = arith.constant 0 : i32
      %dma_wait3A_144 = tpu.memref_slice %arg16[%while3A_46, %dma_wait3A_143] : memref<6x1600000xf32, #tpu.memory_space<hbm>> -> memref<1x1600000xf32, #tpu.memory_space<hbm>>
      %dma_wait3A_145 = tpu.memref_squeeze %dma_wait3A_144 : memref<1x1600000xf32, #tpu.memory_space<hbm>> -> memref<1600000xf32, #tpu.memory_space<hbm>>
      %dma_wait3A_146 = tpu.memref_slice %dma_wait3A_145[%mul3A_70] : memref<1600000xf32, #tpu.memory_space<hbm>> -> memref<2560xf32, #tpu.memory_space<hbm>>
      tpu.wait_dma2 semaphore(%arg36 : memref<!tpu.dma_semaphore, #tpu.memory_space<semaphore_mem>>) src(%dma_wait3A_146 : memref<2560xf32, #tpu.memory_space<hbm>>) dst(%arg28 : memref<2560xf32, #tpu.memory_space<vmem>>)
      %dma_wait3A_147 = arith.constant 0 : i32
      %dma_wait3A_148 = tpu.memref_slice %arg16[%while3A_47, %dma_wait3A_147] : memref<6x1600000xf32, #tpu.memory_space<hbm>> -> memref<1x1600000xf32, #tpu.memory_space<hbm>>
      %dma_wait3A_149 = tpu.memref_squeeze %dma_wait3A_148 : memref<1x1600000xf32, #tpu.memory_space<hbm>> -> memref<1600000xf32, #tpu.memory_space<hbm>>
      %dma_wait3A_150 = tpu.memref_slice %dma_wait3A_149[%mul3A_70] : memref<1600000xf32, #tpu.memory_space<hbm>> -> memref<2560xf32, #tpu.memory_space<hbm>>
      %dma_wait3A_151 = arith.constant 0 : i32
      %dma_wait3A_152 = tpu.memref_slice %arg16[%while3A_47, %dma_wait3A_151] : memref<6x1600000xf32, #tpu.memory_space<hbm>> -> memref<1x1600000xf32, #tpu.memory_space<hbm>>
      %dma_wait3A_153 = tpu.memref_squeeze %dma_wait3A_152 : memref<1x1600000xf32, #tpu.memory_space<hbm>> -> memref<1600000xf32, #tpu.memory_space<hbm>>
      %dma_wait3A_154 = tpu.memref_slice %dma_wait3A_153[%mul3A_70] : memref<1600000xf32, #tpu.memory_space<hbm>> -> memref<2560xf32, #tpu.memory_space<hbm>>
      tpu.wait_dma2 semaphore(%arg36 : memref<!tpu.dma_semaphore, #tpu.memory_space<semaphore_mem>>) src(%dma_wait3A_154 : memref<2560xf32, #tpu.memory_space<hbm>>) dst(%arg29 : memref<2560xf32, #tpu.memory_space<vmem>>)
      %dma_wait3A_155 = arith.constant 0 : i32
      %dma_wait3A_156 = tpu.memref_slice %arg16[%while3A_48, %dma_wait3A_155] : memref<6x1600000xf32, #tpu.memory_space<hbm>> -> memref<1x1600000xf32, #tpu.memory_space<hbm>>
      %dma_wait3A_157 = tpu.memref_squeeze %dma_wait3A_156 : memref<1x1600000xf32, #tpu.memory_space<hbm>> -> memref<1600000xf32, #tpu.memory_space<hbm>>
      %dma_wait3A_158 = tpu.memref_slice %dma_wait3A_157[%mul3A_70] : memref<1600000xf32, #tpu.memory_space<hbm>> -> memref<2560xf32, #tpu.memory_space<hbm>>
      %dma_wait3A_159 = arith.constant 0 : i32
      %dma_wait3A_160 = tpu.memref_slice %arg16[%while3A_48, %dma_wait3A_159] : memref<6x1600000xf32, #tpu.memory_space<hbm>> -> memref<1x1600000xf32, #tpu.memory_space<hbm>>
      %dma_wait3A_161 = tpu.memref_squeeze %dma_wait3A_160 : memref<1x1600000xf32, #tpu.memory_space<hbm>> -> memref<1600000xf32, #tpu.memory_space<hbm>>
      %dma_wait3A_162 = tpu.memref_slice %dma_wait3A_161[%mul3A_70] : memref<1600000xf32, #tpu.memory_space<hbm>> -> memref<2560xf32, #tpu.memory_space<hbm>>
      tpu.wait_dma2 semaphore(%arg36 : memref<!tpu.dma_semaphore, #tpu.memory_space<semaphore_mem>>) src(%dma_wait3A_162 : memref<2560xf32, #tpu.memory_space<hbm>>) dst(%arg30 : memref<2560xf32, #tpu.memory_space<vmem>>)
      %dma_wait3A_163 = arith.constant 0 : i32
      %dma_wait3A_164 = tpu.memref_slice %arg16[%while3A_49, %dma_wait3A_163] : memref<6x1600000xf32, #tpu.memory_space<hbm>> -> memref<1x1600000xf32, #tpu.memory_space<hbm>>
      %dma_wait3A_165 = tpu.memref_squeeze %dma_wait3A_164 : memref<1x1600000xf32, #tpu.memory_space<hbm>> -> memref<1600000xf32, #tpu.memory_space<hbm>>
      %dma_wait3A_166 = tpu.memref_slice %dma_wait3A_165[%mul3A_70] : memref<1600000xf32, #tpu.memory_space<hbm>> -> memref<2560xf32, #tpu.memory_space<hbm>>
      %dma_wait3A_167 = arith.constant 0 : i32
      %dma_wait3A_168 = tpu.memref_slice %arg16[%while3A_49, %dma_wait3A_167] : memref<6x1600000xf32, #tpu.memory_space<hbm>> -> memref<1x1600000xf32, #tpu.memory_space<hbm>>
      %dma_wait3A_169 = tpu.memref_squeeze %dma_wait3A_168 : memref<1x1600000xf32, #tpu.memory_space<hbm>> -> memref<1600000xf32, #tpu.memory_space<hbm>>
      %dma_wait3A_170 = tpu.memref_slice %dma_wait3A_169[%mul3A_70] : memref<1600000xf32, #tpu.memory_space<hbm>> -> memref<2560xf32, #tpu.memory_space<hbm>>
      tpu.wait_dma2 semaphore(%arg36 : memref<!tpu.dma_semaphore, #tpu.memory_space<semaphore_mem>>) src(%dma_wait3A_170 : memref<2560xf32, #tpu.memory_space<hbm>>) dst(%arg31 : memref<2560xf32, #tpu.memory_space<vmem>>)
      %dma_wait3A_171 = arith.constant 0 : i32
      %dma_wait3A_172 = tpu.memref_slice %arg16[%while3A_50, %dma_wait3A_171] : memref<6x1600000xf32, #tpu.memory_space<hbm>> -> memref<1x1600000xf32, #tpu.memory_space<hbm>>
      %dma_wait3A_173 = tpu.memref_squeeze %dma_wait3A_172 : memref<1x1600000xf32, #tpu.memory_space<hbm>> -> memref<1600000xf32, #tpu.memory_space<hbm>>
      %dma_wait3A_174 = tpu.memref_slice %dma_wait3A_173[%mul3A_70] : memref<1600000xf32, #tpu.memory_space<hbm>> -> memref<2560xf32, #tpu.memory_space<hbm>>
      %dma_wait3A_175 = arith.constant 0 : i32
      %dma_wait3A_176 = tpu.memref_slice %arg16[%while3A_50, %dma_wait3A_175] : memref<6x1600000xf32, #tpu.memory_space<hbm>> -> memref<1x1600000xf32, #tpu.memory_space<hbm>>
      %dma_wait3A_177 = tpu.memref_squeeze %dma_wait3A_176 : memref<1x1600000xf32, #tpu.memory_space<hbm>> -> memref<1600000xf32, #tpu.memory_space<hbm>>
      %dma_wait3A_178 = tpu.memref_slice %dma_wait3A_177[%mul3A_70] : memref<1600000xf32, #tpu.memory_space<hbm>> -> memref<2560xf32, #tpu.memory_space<hbm>>
      tpu.wait_dma2 semaphore(%arg36 : memref<!tpu.dma_semaphore, #tpu.memory_space<semaphore_mem>>) src(%dma_wait3A_178 : memref<2560xf32, #tpu.memory_space<hbm>>) dst(%arg32 : memref<2560xf32, #tpu.memory_space<vmem>>)
      %dma_wait3A_179 = arith.constant 0 : i32
      %dma_wait3A_180 = tpu.memref_slice %arg16[%while3A_51, %dma_wait3A_179] : memref<6x1600000xf32, #tpu.memory_space<hbm>> -> memref<1x1600000xf32, #tpu.memory_space<hbm>>
      %dma_wait3A_181 = tpu.memref_squeeze %dma_wait3A_180 : memref<1x1600000xf32, #tpu.memory_space<hbm>> -> memref<1600000xf32, #tpu.memory_space<hbm>>
      %dma_wait3A_182 = tpu.memref_slice %dma_wait3A_181[%mul3A_70] : memref<1600000xf32, #tpu.memory_space<hbm>> -> memref<2560xf32, #tpu.memory_space<hbm>>
      %dma_wait3A_183 = arith.constant 0 : i32
      %dma_wait3A_184 = tpu.memref_slice %arg16[%while3A_51, %dma_wait3A_183] : memref<6x1600000xf32, #tpu.memory_space<hbm>> -> memref<1x1600000xf32, #tpu.memory_space<hbm>>
      %dma_wait3A_185 = tpu.memref_squeeze %dma_wait3A_184 : memref<1x1600000xf32, #tpu.memory_space<hbm>> -> memref<1600000xf32, #tpu.memory_space<hbm>>
      %dma_wait3A_186 = tpu.memref_slice %dma_wait3A_185[%mul3A_70] : memref<1600000xf32, #tpu.memory_space<hbm>> -> memref<2560xf32, #tpu.memory_space<hbm>>
      tpu.wait_dma2 semaphore(%arg36 : memref<!tpu.dma_semaphore, #tpu.memory_space<semaphore_mem>>) src(%dma_wait3A_186 : memref<2560xf32, #tpu.memory_space<hbm>>) dst(%arg33 : memref<2560xf32, #tpu.memory_space<vmem>>)
      %scan3A_187 = arith.constant 0 : i32
      %scan3A_188 = arith.constant 0 : i32
      %scan3A_189 = arith.constant 20 : i32
      %scan3A_190 = arith.addi %scan3A_188, %scan3A_189 : i32
      %scan3A_191 = arith.constant 1 : i32
      %scan3A_192 = scf.for %scan3A_202 = %scan3A_188 to %scan3A_190 step %scan3A_191 iter_args(%scan3A_203 = %scan3A_187) -> (i32)  : i32 {
        %mul3A_204 = arith.constant 128 : i32
        %mul3A_205 = arith.muli %scan3A_202, %mul3A_204 : i32
        %multiple_of3A = tpu.assume_multiple %mul3A_205, 128 : i32
        %dma_wait3A_206 = arith.constant 0 : i32
        %dma_wait3A_207 = tpu.memref_slice %arg22[%multiple_of3A, %dma_wait3A_206] : memref<2560x4xf32, #tpu.memory_space<vmem>> -> memref<128x4xf32, #tpu.memory_space<vmem>>
        %dma_wait3A_208 = tpu.memref_slice %arg18[%multiple_of3A] : memref<2560xi32, #tpu.memory_space<vmem>> -> memref<128xi32, #tpu.memory_space<vmem>>
        %dma_wait3A_209 = arith.constant 0 : i32
        %dma_wait3A_210 = arith.constant 0 : i32
        %dma_wait3A_211 = tpu.memref_slice %arg2[%dma_wait3A_209, %dma_wait3A_210] : memref<100000x4xf32, #tpu.memory_space<hbm>> -> memref<100000x4xf32, #tpu.memory_space<hbm>>
        tpu.wait_indirect_dma semaphore(%arg37 : memref<!tpu.dma_semaphore, #tpu.memory_space<semaphore_mem>>) src(%dma_wait3A_211 : memref<100000x4xf32, #tpu.memory_space<hbm>>) dst(%dma_wait3A_207 : memref<128x4xf32, #tpu.memory_space<vmem>>)
        %dma_wait3A_212 = arith.constant 0 : i32
        %dma_wait3A_213 = tpu.memref_slice %arg23[%multiple_of3A, %dma_wait3A_212] : memref<2560x4xf32, #tpu.memory_space<vmem>> -> memref<128x4xf32, #tpu.memory_space<vmem>>
        %dma_wait3A_214 = tpu.memref_slice %arg19[%multiple_of3A] : memref<2560xi32, #tpu.memory_space<vmem>> -> memref<128xi32, #tpu.memory_space<vmem>>
        %dma_wait3A_215 = arith.constant 0 : i32
        %dma_wait3A_216 = arith.constant 0 : i32
        %dma_wait3A_217 = tpu.memref_slice %arg2[%dma_wait3A_215, %dma_wait3A_216] : memref<100000x4xf32, #tpu.memory_space<hbm>> -> memref<100000x4xf32, #tpu.memory_space<hbm>>
        tpu.wait_indirect_dma semaphore(%arg37 : memref<!tpu.dma_semaphore, #tpu.memory_space<semaphore_mem>>) src(%dma_wait3A_217 : memref<100000x4xf32, #tpu.memory_space<hbm>>) dst(%dma_wait3A_213 : memref<128x4xf32, #tpu.memory_space<vmem>>)
        %dma_wait3A_218 = arith.constant 0 : i32
        %dma_wait3A_219 = tpu.memref_slice %arg24[%multiple_of3A, %dma_wait3A_218] : memref<2560x4xf32, #tpu.memory_space<vmem>> -> memref<128x4xf32, #tpu.memory_space<vmem>>
        %dma_wait3A_220 = tpu.memref_slice %arg20[%multiple_of3A] : memref<2560xi32, #tpu.memory_space<vmem>> -> memref<128xi32, #tpu.memory_space<vmem>>
        %dma_wait3A_221 = arith.constant 0 : i32
        %dma_wait3A_222 = arith.constant 0 : i32
        %dma_wait3A_223 = tpu.memref_slice %arg2[%dma_wait3A_221, %dma_wait3A_222] : memref<100000x4xf32, #tpu.memory_space<hbm>> -> memref<100000x4xf32, #tpu.memory_space<hbm>>
        tpu.wait_indirect_dma semaphore(%arg37 : memref<!tpu.dma_semaphore, #tpu.memory_space<semaphore_mem>>) src(%dma_wait3A_223 : memref<100000x4xf32, #tpu.memory_space<hbm>>) dst(%dma_wait3A_219 : memref<128x4xf32, #tpu.memory_space<vmem>>)
        %dma_wait3A_224 = arith.constant 0 : i32
        %dma_wait3A_225 = tpu.memref_slice %arg25[%multiple_of3A, %dma_wait3A_224] : memref<2560x4xf32, #tpu.memory_space<vmem>> -> memref<128x4xf32, #tpu.memory_space<vmem>>
        %dma_wait3A_226 = tpu.memref_slice %arg21[%multiple_of3A] : memref<2560xi32, #tpu.memory_space<vmem>> -> memref<128xi32, #tpu.memory_space<vmem>>
        %dma_wait3A_227 = arith.constant 0 : i32
        %dma_wait3A_228 = arith.constant 0 : i32
        %dma_wait3A_229 = tpu.memref_slice %arg2[%dma_wait3A_227, %dma_wait3A_228] : memref<100000x4xf32, #tpu.memory_space<hbm>> -> memref<100000x4xf32, #tpu.memory_space<hbm>>
        tpu.wait_indirect_dma semaphore(%arg37 : memref<!tpu.dma_semaphore, #tpu.memory_space<semaphore_mem>>) src(%dma_wait3A_229 : memref<100000x4xf32, #tpu.memory_space<hbm>>) dst(%dma_wait3A_225 : memref<128x4xf32, #tpu.memory_space<vmem>>)
        %scan3A_230 = arith.constant 0 : i32
        scf.yield %scan3A_230 : i32
      }
      %scan3A_193 = arith.constant 20 : i32
      %scan3A_194 = arith.constant 0 : i32
      %scan3A_195 = arith.constant 0 : i32
      %scan3A_196 = arith.constant 160 : i32
      %scan3A_197 = arith.addi %scan3A_195, %scan3A_196 : i32
      %scan3A_198 = arith.constant 1 : i32
      %scan3A_199 = scf.for %scan3A_202 = %scan3A_195 to %scan3A_197 step %scan3A_198 iter_args(%scan3A_203 = %scan3A_194) -> (i32)  : i32 {
        %mul3A_204 = arith.constant 16 : i32
        %mul3A_205 = arith.muli %scan3A_202, %mul3A_204 : i32
        %multiple_of3A = tpu.assume_multiple %mul3A_205, 16 : i32
        %iota3A = tpu.iota {dimensions = array<i32: 0>} : vector<16xi32>
        %add3A_206 = vector.broadcast %multiple_of3A : i32 to vector<16xi32>
        %add3A_207 = arith.addi %add3A_206, %iota3A : vector<16xi32>
        %broadcast_in_dim3A_208 = arith.constant 0 : i32
        %broadcast_in_dim3A_209 = vector.broadcast %broadcast_in_dim3A_208 : i32 to vector<16xi32>
        %gather3A = tpu.vector_load_idx %arg22[%add3A_207, %broadcast_in_dim3A_209] : memref<2560x4xf32, #tpu.memory_space<vmem>>[vector<16xi32>, vector<16xi32>], vector<16xf32>,
        %broadcast_in_dim3A_210 = arith.constant 1 : i32
        %broadcast_in_dim3A_211 = vector.broadcast %broadcast_in_dim3A_210 : i32 to vector<16xi32>
        %gather3A_212 = tpu.vector_load_idx %arg22[%add3A_207, %broadcast_in_dim3A_211] : memref<2560x4xf32, #tpu.memory_space<vmem>>[vector<16xi32>, vector<16xi32>], vector<16xf32>,
        %broadcast_in_dim3A_213 = arith.constant 2 : i32
        %broadcast_in_dim3A_214 = vector.broadcast %broadcast_in_dim3A_213 : i32 to vector<16xi32>
        %gather3A_215 = tpu.vector_load_idx %arg22[%add3A_207, %broadcast_in_dim3A_214] : memref<2560x4xf32, #tpu.memory_space<vmem>>[vector<16xi32>, vector<16xi32>], vector<16xf32>,
        %broadcast_in_dim3A_216 = arith.constant 0 : i32
        %broadcast_in_dim3A_217 = vector.broadcast %broadcast_in_dim3A_216 : i32 to vector<16xi32>
        %gather3A_218 = tpu.vector_load_idx %arg23[%add3A_207, %broadcast_in_dim3A_217] : memref<2560x4xf32, #tpu.memory_space<vmem>>[vector<16xi32>, vector<16xi32>], vector<16xf32>,
        %broadcast_in_dim3A_219 = arith.constant 1 : i32
        %broadcast_in_dim3A_220 = vector.broadcast %broadcast_in_dim3A_219 : i32 to vector<16xi32>
        %gather3A_221 = tpu.vector_load_idx %arg23[%add3A_207, %broadcast_in_dim3A_220] : memref<2560x4xf32, #tpu.memory_space<vmem>>[vector<16xi32>, vector<16xi32>], vector<16xf32>,
        %broadcast_in_dim3A_222 = arith.constant 2 : i32
        %broadcast_in_dim3A_223 = vector.broadcast %broadcast_in_dim3A_222 : i32 to vector<16xi32>
        %gather3A_224 = tpu.vector_load_idx %arg23[%add3A_207, %broadcast_in_dim3A_223] : memref<2560x4xf32, #tpu.memory_space<vmem>>[vector<16xi32>, vector<16xi32>], vector<16xf32>,
        %broadcast_in_dim3A_225 = arith.constant 0 : i32
        %broadcast_in_dim3A_226 = vector.broadcast %broadcast_in_dim3A_225 : i32 to vector<16xi32>
        %gather3A_227 = tpu.vector_load_idx %arg24[%add3A_207, %broadcast_in_dim3A_226] : memref<2560x4xf32, #tpu.memory_space<vmem>>[vector<16xi32>, vector<16xi32>], vector<16xf32>,
        %broadcast_in_dim3A_228 = arith.constant 1 : i32
        %broadcast_in_dim3A_229 = vector.broadcast %broadcast_in_dim3A_228 : i32 to vector<16xi32>
        %gather3A_230 = tpu.vector_load_idx %arg24[%add3A_207, %broadcast_in_dim3A_229] : memref<2560x4xf32, #tpu.memory_space<vmem>>[vector<16xi32>, vector<16xi32>], vector<16xf32>,
        %broadcast_in_dim3A_231 = arith.constant 2 : i32
        %broadcast_in_dim3A_232 = vector.broadcast %broadcast_in_dim3A_231 : i32 to vector<16xi32>
        %gather3A_233 = tpu.vector_load_idx %arg24[%add3A_207, %broadcast_in_dim3A_232] : memref<2560x4xf32, #tpu.memory_space<vmem>>[vector<16xi32>, vector<16xi32>], vector<16xf32>,
        %broadcast_in_dim3A_234 = arith.constant 0 : i32
        %broadcast_in_dim3A_235 = vector.broadcast %broadcast_in_dim3A_234 : i32 to vector<16xi32>
        %gather3A_236 = tpu.vector_load_idx %arg25[%add3A_207, %broadcast_in_dim3A_235] : memref<2560x4xf32, #tpu.memory_space<vmem>>[vector<16xi32>, vector<16xi32>], vector<16xf32>,
        %broadcast_in_dim3A_237 = arith.constant 1 : i32
        %broadcast_in_dim3A_238 = vector.broadcast %broadcast_in_dim3A_237 : i32 to vector<16xi32>
        %gather3A_239 = tpu.vector_load_idx %arg25[%add3A_207, %broadcast_in_dim3A_238] : memref<2560x4xf32, #tpu.memory_space<vmem>>[vector<16xi32>, vector<16xi32>], vector<16xf32>,
        %broadcast_in_dim3A_240 = arith.constant 2 : i32
        %broadcast_in_dim3A_241 = vector.broadcast %broadcast_in_dim3A_240 : i32 to vector<16xi32>
        %gather3A_242 = tpu.vector_load_idx %arg25[%add3A_207, %broadcast_in_dim3A_241] : memref<2560x4xf32, #tpu.memory_space<vmem>>[vector<16xi32>, vector<16xi32>], vector<16xf32>,
        %sub3A_243 = arith.subf %gather3A_218, %gather3A : vector<16xf32>
        %sub3A_244 = arith.subf %gather3A_221, %gather3A_212 : vector<16xf32>
        %sub3A_245 = arith.subf %gather3A_224, %gather3A_215 : vector<16xf32>
        %sub3A_246 = arith.subf %gather3A_227, %gather3A_218 : vector<16xf32>
        %sub3A_247 = arith.subf %gather3A_230, %gather3A_221 : vector<16xf32>
        %sub3A_248 = arith.subf %gather3A_233, %gather3A_224 : vector<16xf32>
        %sub3A_249 = arith.subf %gather3A_236, %gather3A_227 : vector<16xf32>
        %sub3A_250 = arith.subf %gather3A_239, %gather3A_230 : vector<16xf32>
        %sub3A_251 = arith.subf %gather3A_242, %gather3A_233 : vector<16xf32>
        %mul3A_252 = arith.mulf %sub3A_244, %sub3A_248 : vector<16xf32>
        %mul3A_253 = arith.mulf %sub3A_245, %sub3A_247 : vector<16xf32>
        %sub3A_254 = arith.subf %mul3A_252, %mul3A_253 : vector<16xf32>
        %mul3A_255 = arith.mulf %sub3A_245, %sub3A_246 : vector<16xf32>
        %mul3A_256 = arith.mulf %sub3A_243, %sub3A_248 : vector<16xf32>
        %sub3A_257 = arith.subf %mul3A_255, %mul3A_256 : vector<16xf32>
        %mul3A_258 = arith.mulf %sub3A_243, %sub3A_247 : vector<16xf32>
        %mul3A_259 = arith.mulf %sub3A_244, %sub3A_246 : vector<16xf32>
        %sub3A_260 = arith.subf %mul3A_258, %mul3A_259 : vector<16xf32>
        %mul3A_261 = arith.mulf %sub3A_247, %sub3A_251 : vector<16xf32>
        %mul3A_262 = arith.mulf %sub3A_248, %sub3A_250 : vector<16xf32>
        %sub3A_263 = arith.subf %mul3A_261, %mul3A_262 : vector<16xf32>
        %mul3A_264 = arith.mulf %sub3A_248, %sub3A_249 : vector<16xf32>
        %mul3A_265 = arith.mulf %sub3A_246, %sub3A_251 : vector<16xf32>
        %sub3A_266 = arith.subf %mul3A_264, %mul3A_265 : vector<16xf32>
        %mul3A_267 = arith.mulf %sub3A_246, %sub3A_250 : vector<16xf32>
        %mul3A_268 = arith.mulf %sub3A_247, %sub3A_249 : vector<16xf32>
        %sub3A_269 = arith.subf %mul3A_267, %mul3A_268 : vector<16xf32>
        %mul3A_270 = arith.mulf %sub3A_246, %sub3A_246 : vector<16xf32>
        %mul3A_271 = arith.mulf %sub3A_247, %sub3A_247 : vector<16xf32>
        %add3A_272 = arith.addf %mul3A_270, %mul3A_271 : vector<16xf32>
        %mul3A_273 = arith.mulf %sub3A_248, %sub3A_248 : vector<16xf32>
        %add3A_274 = arith.addf %add3A_272, %mul3A_273 : vector<16xf32>
        %add3A_275 = arith.constant 9.99999996E-13 : f32
        %add3A_276 = vector.broadcast %add3A_275 : f32 to vector<16xf32>
        %add3A_277 = arith.addf %add3A_274, %add3A_276 : vector<16xf32>
        %bitcast_convert_type3A = tpu.bitcast %add3A_277 : vector<16xf32> -> vector<16xi32>
        %shift_right_arithmetic3A = arith.constant 1 : i32
        %shift_right_arithmetic3A_278 = vector.broadcast %shift_right_arithmetic3A : i32 to vector<16xi32>
        %shift_right_arithmetic3A_279 = arith.shrsi %bitcast_convert_type3A, %shift_right_arithmetic3A_278 : vector<16xi32>
        %sub3A_280 = arith.constant 1597463007 : i32
        %sub3A_281 = vector.broadcast %sub3A_280 : i32 to vector<16xi32>
        %sub3A_282 = arith.subi %sub3A_281, %shift_right_arithmetic3A_279 : vector<16xi32>
        %bitcast_convert_type3A_283 = tpu.bitcast %sub3A_282 : vector<16xi32> -> vector<16xf32>
        %mul3A_284 = arith.constant 5.000000e-01 : f32
        %mul3A_285 = vector.broadcast %mul3A_284 : f32 to vector<16xf32>
        %mul3A_286 = arith.mulf %mul3A_285, %add3A_277 : vector<16xf32>
        %mul3A_287 = arith.mulf %mul3A_286, %bitcast_convert_type3A_283 : vector<16xf32>
        %mul3A_288 = arith.mulf %mul3A_287, %bitcast_convert_type3A_283 : vector<16xf32>
        %sub3A_289 = arith.constant 1.500000e+00 : f32
        %sub3A_290 = vector.broadcast %sub3A_289 : f32 to vector<16xf32>
        %sub3A_291 = arith.subf %sub3A_290, %mul3A_288 : vector<16xf32>
        %mul3A_292 = arith.mulf %bitcast_convert_type3A_283, %sub3A_291 : vector<16xf32>
        %mul3A_293 = arith.constant 5.000000e-01 : f32
        %mul3A_294 = vector.broadcast %mul3A_293 : f32 to vector<16xf32>
        %mul3A_295 = arith.mulf %mul3A_294, %add3A_277 : vector<16xf32>
        %mul3A_296 = arith.mulf %mul3A_295, %mul3A_292 : vector<16xf32>
        %mul3A_297 = arith.mulf %mul3A_296, %mul3A_292 : vector<16xf32>
        %sub3A_298 = arith.constant 1.500000e+00 : f32
        %sub3A_299 = vector.broadcast %sub3A_298 : f32 to vector<16xf32>
        %sub3A_300 = arith.subf %sub3A_299, %mul3A_297 : vector<16xf32>
        %mul3A_301 = arith.mulf %mul3A_292, %sub3A_300 : vector<16xf32>
        %mul3A_302 = arith.constant 5.000000e-01 : f32
        %mul3A_303 = vector.broadcast %mul3A_302 : f32 to vector<16xf32>
        %mul3A_304 = arith.mulf %mul3A_303, %add3A_277 : vector<16xf32>
        %mul3A_305 = arith.mulf %mul3A_304, %mul3A_301 : vector<16xf32>
        %mul3A_306 = arith.mulf %mul3A_305, %mul3A_301 : vector<16xf32>
        %sub3A_307 = arith.constant 1.500000e+00 : f32
        %sub3A_308 = vector.broadcast %sub3A_307 : f32 to vector<16xf32>
        %sub3A_309 = arith.subf %sub3A_308, %mul3A_306 : vector<16xf32>
        %mul3A_310 = arith.mulf %mul3A_301, %sub3A_309 : vector<16xf32>
        %mul3A_311 = arith.mulf %sub3A_246, %mul3A_310 : vector<16xf32>
        %mul3A_312 = arith.mulf %sub3A_247, %mul3A_310 : vector<16xf32>
        %mul3A_313 = arith.mulf %sub3A_248, %mul3A_310 : vector<16xf32>
        %mul3A_314 = arith.mulf %sub3A_257, %mul3A_313 : vector<16xf32>
        %mul3A_315 = arith.mulf %sub3A_260, %mul3A_312 : vector<16xf32>
        %sub3A_316 = arith.subf %mul3A_314, %mul3A_315 : vector<16xf32>
        %mul3A_317 = arith.mulf %sub3A_260, %mul3A_311 : vector<16xf32>
        %mul3A_318 = arith.mulf %sub3A_254, %mul3A_313 : vector<16xf32>
        %sub3A_319 = arith.subf %mul3A_317, %mul3A_318 : vector<16xf32>
        %mul3A_320 = arith.mulf %sub3A_254, %mul3A_312 : vector<16xf32>
        %mul3A_321 = arith.mulf %sub3A_257, %mul3A_311 : vector<16xf32>
        %sub3A_322 = arith.subf %mul3A_320, %mul3A_321 : vector<16xf32>
        %mul3A_323 = arith.mulf %sub3A_254, %sub3A_263 : vector<16xf32>
        %mul3A_324 = arith.mulf %sub3A_257, %sub3A_266 : vector<16xf32>
        %add3A_325 = arith.addf %mul3A_323, %mul3A_324 : vector<16xf32>
        %mul3A_326 = arith.mulf %sub3A_260, %sub3A_269 : vector<16xf32>
        %add3A_327 = arith.addf %add3A_325, %mul3A_326 : vector<16xf32>
        %add3A_328 = arith.constant 9.99999971E-10 : f32
        %add3A_329 = vector.broadcast %add3A_328 : f32 to vector<16xf32>
        %add3A_330 = arith.addf %add3A_327, %add3A_329 : vector<16xf32>
        %mul3A_331 = arith.mulf %sub3A_316, %sub3A_263 : vector<16xf32>
        %mul3A_332 = arith.mulf %sub3A_319, %sub3A_266 : vector<16xf32>
        %add3A_333 = arith.addf %mul3A_331, %mul3A_332 : vector<16xf32>
        %mul3A_334 = arith.mulf %sub3A_322, %sub3A_269 : vector<16xf32>
        %add3A_335 = arith.addf %add3A_333, %mul3A_334 : vector<16xf32>
        %mul3A_336 = arith.mulf %add3A_330, %add3A_330 : vector<16xf32>
        %mul3A_337 = arith.mulf %add3A_335, %add3A_335 : vector<16xf32>
        %add3A_338 = arith.addf %mul3A_336, %mul3A_337 : vector<16xf32>
        %max3A = arith.constant 1.000000e-30 : f32
        %max3A_339 = vector.broadcast %max3A : f32 to vector<16xf32>
        %max3A_340 = arith.maximumf %add3A_338, %max3A_339 : vector<16xf32>
        %bitcast_convert_type3A_341 = tpu.bitcast %max3A_340 : vector<16xf32> -> vector<16xi32>
        %shift_right_arithmetic3A_342 = arith.constant 1 : i32
        %shift_right_arithmetic3A_343 = vector.broadcast %shift_right_arithmetic3A_342 : i32 to vector<16xi32>
        %shift_right_arithmetic3A_344 = arith.shrsi %bitcast_convert_type3A_341, %shift_right_arithmetic3A_343 : vector<16xi32>
        %sub3A_345 = arith.constant 1597463007 : i32
        %sub3A_346 = vector.broadcast %sub3A_345 : i32 to vector<16xi32>
        %sub3A_347 = arith.subi %sub3A_346, %shift_right_arithmetic3A_344 : vector<16xi32>
        %bitcast_convert_type3A_348 = tpu.bitcast %sub3A_347 : vector<16xi32> -> vector<16xf32>
        %mul3A_349 = arith.constant 5.000000e-01 : f32
        %mul3A_350 = vector.broadcast %mul3A_349 : f32 to vector<16xf32>
        %mul3A_351 = arith.mulf %mul3A_350, %max3A_340 : vector<16xf32>
        %mul3A_352 = arith.mulf %mul3A_351, %bitcast_convert_type3A_348 : vector<16xf32>
        %mul3A_353 = arith.mulf %mul3A_352, %bitcast_convert_type3A_348 : vector<16xf32>
        %sub3A_354 = arith.constant 1.500000e+00 : f32
        %sub3A_355 = vector.broadcast %sub3A_354 : f32 to vector<16xf32>
        %sub3A_356 = arith.subf %sub3A_355, %mul3A_353 : vector<16xf32>
        %mul3A_357 = arith.mulf %bitcast_convert_type3A_348, %sub3A_356 : vector<16xf32>
        %mul3A_358 = arith.constant 5.000000e-01 : f32
        %mul3A_359 = vector.broadcast %mul3A_358 : f32 to vector<16xf32>
        %mul3A_360 = arith.mulf %mul3A_359, %max3A_340 : vector<16xf32>
        %mul3A_361 = arith.mulf %mul3A_360, %mul3A_357 : vector<16xf32>
        %mul3A_362 = arith.mulf %mul3A_361, %mul3A_357 : vector<16xf32>
        %sub3A_363 = arith.constant 1.500000e+00 : f32
        %sub3A_364 = vector.broadcast %sub3A_363 : f32 to vector<16xf32>
        %sub3A_365 = arith.subf %sub3A_364, %mul3A_362 : vector<16xf32>
        %mul3A_366 = arith.mulf %mul3A_357, %sub3A_365 : vector<16xf32>
        %mul3A_367 = arith.constant 5.000000e-01 : f32
        %mul3A_368 = vector.broadcast %mul3A_367 : f32 to vector<16xf32>
        %mul3A_369 = arith.mulf %mul3A_368, %max3A_340 : vector<16xf32>
        %mul3A_370 = arith.mulf %mul3A_369, %mul3A_366 : vector<16xf32>
        %mul3A_371 = arith.mulf %mul3A_370, %mul3A_366 : vector<16xf32>
        %sub3A_372 = arith.constant 1.500000e+00 : f32
        %sub3A_373 = vector.broadcast %sub3A_372 : f32 to vector<16xf32>
        %sub3A_374 = arith.subf %sub3A_373, %mul3A_371 : vector<16xf32>
        %mul3A_375 = arith.mulf %mul3A_366, %sub3A_374 : vector<16xf32>
        %mul3A_376 = arith.mulf %add3A_330, %mul3A_375 : vector<16xf32>
        %mul3A_377 = arith.mulf %add3A_335, %mul3A_375 : vector<16xf32>
        %broadcast_in_dim3A_378 = arith.constant 0.000000e+00 : f32
        %broadcast_in_dim3A_379 = vector.broadcast %broadcast_in_dim3A_378 : f32 to vector<16xf32>
        %broadcast_in_dim3A_380 = arith.constant 1.000000e+00 : f32
        %broadcast_in_dim3A_381 = vector.broadcast %broadcast_in_dim3A_380 : f32 to vector<16xf32>
        %broadcast_in_dim3A_382 = arith.constant 0.000000e+00 : f32
        %broadcast_in_dim3A_383 = vector.broadcast %broadcast_in_dim3A_382 : f32 to vector<16xf32>
        %add3A_384 = arith.addf %mul3A_376, %mul3A_376 : vector<16xf32>
        %get3A = arith.index_cast %multiple_of3A : i32 to index
        %get3A_385 = tpu.vector_load %arg28[%get3A] {strides = array<i32>} : memref<2560xf32, #tpu.memory_space<vmem>>, vector<16xf32>,
        %abs3A = math.absf %get3A_385 : vector<16xf32>
        %add3A_386 = arith.addf %broadcast_in_dim3A_379, %abs3A : vector<16xf32>
        %mul3A_387 = arith.mulf %get3A_385, %mul3A_376 : vector<16xf32>
        %add3A_388 = arith.addf %add3A_386, %mul3A_387 : vector<16xf32>
        %neg3A = arith.constant 0.000000e+00 : f32
        %neg3A_389 = vector.broadcast %neg3A : f32 to vector<16xf32>
        %neg3A_390 = arith.subf %neg3A_389, %get3A_385 : vector<16xf32>
        %max3A_391 = arith.constant 0.000000e+00 : f32
        %max3A_392 = vector.broadcast %max3A_391 : f32 to vector<16xf32>
        %max3A_393 = arith.maximumf %neg3A_390, %max3A_392 : vector<16xf32>
        %mul3A_394 = arith.constant -8.74227765E-8 : f32
        %mul3A_395 = vector.broadcast %mul3A_394 : f32 to vector<16xf32>
        %mul3A_396 = arith.mulf %mul3A_395, %max3A_393 : vector<16xf32>
        %mul3A_397 = arith.mulf %mul3A_396, %mul3A_377 : vector<16xf32>
        %add3A_398 = arith.addf %add3A_388, %mul3A_397 : vector<16xf32>
        %mul3A_399 = arith.mulf %add3A_384, %mul3A_376 : vector<16xf32>
        %sub3A_400 = arith.subf %mul3A_399, %broadcast_in_dim3A_381 : vector<16xf32>
        %mul3A_401 = arith.mulf %add3A_384, %mul3A_377 : vector<16xf32>
        %sub3A_402 = arith.subf %mul3A_401, %broadcast_in_dim3A_383 : vector<16xf32>
        %get3A_403 = arith.index_cast %multiple_of3A : i32 to index
        %get3A_404 = tpu.vector_load %arg29[%get3A_403] {strides = array<i32>} : memref<2560xf32, #tpu.memory_space<vmem>>, vector<16xf32>,
        %abs3A_405 = math.absf %get3A_404 : vector<16xf32>
        %add3A_406 = arith.addf %add3A_398, %abs3A_405 : vector<16xf32>
        %mul3A_407 = arith.mulf %get3A_404, %sub3A_400 : vector<16xf32>
        %add3A_408 = arith.addf %add3A_406, %mul3A_407 : vector<16xf32>
        %neg3A_409 = arith.constant 0.000000e+00 : f32
        %neg3A_410 = vector.broadcast %neg3A_409 : f32 to vector<16xf32>
        %neg3A_411 = arith.subf %neg3A_410, %get3A_404 : vector<16xf32>
        %max3A_412 = arith.constant 0.000000e+00 : f32
        %max3A_413 = vector.broadcast %max3A_412 : f32 to vector<16xf32>
        %max3A_414 = arith.maximumf %neg3A_411, %max3A_413 : vector<16xf32>
        %mul3A_415 = arith.constant -8.74227765E-8 : f32
        %mul3A_416 = vector.broadcast %mul3A_415 : f32 to vector<16xf32>
        %mul3A_417 = arith.mulf %mul3A_416, %max3A_414 : vector<16xf32>
        %mul3A_418 = arith.mulf %mul3A_417, %sub3A_402 : vector<16xf32>
        %add3A_419 = arith.addf %add3A_408, %mul3A_418 : vector<16xf32>
        %mul3A_420 = arith.mulf %add3A_384, %sub3A_400 : vector<16xf32>
        %sub3A_421 = arith.subf %mul3A_420, %mul3A_376 : vector<16xf32>
        %mul3A_422 = arith.mulf %add3A_384, %sub3A_402 : vector<16xf32>
        %sub3A_423 = arith.subf %mul3A_422, %mul3A_377 : vector<16xf32>
        %get3A_424 = arith.index_cast %multiple_of3A : i32 to index
        %get3A_425 = tpu.vector_load %arg30[%get3A_424] {strides = array<i32>} : memref<2560xf32, #tpu.memory_space<vmem>>, vector<16xf32>,
        %abs3A_426 = math.absf %get3A_425 : vector<16xf32>
        %add3A_427 = arith.addf %add3A_419, %abs3A_426 : vector<16xf32>
        %mul3A_428 = arith.mulf %get3A_425, %sub3A_421 : vector<16xf32>
        %add3A_429 = arith.addf %add3A_427, %mul3A_428 : vector<16xf32>
        %neg3A_430 = arith.constant 0.000000e+00 : f32
        %neg3A_431 = vector.broadcast %neg3A_430 : f32 to vector<16xf32>
        %neg3A_432 = arith.subf %neg3A_431, %get3A_425 : vector<16xf32>
        %max3A_433 = arith.constant 0.000000e+00 : f32
        %max3A_434 = vector.broadcast %max3A_433 : f32 to vector<16xf32>
        %max3A_435 = arith.maximumf %neg3A_432, %max3A_434 : vector<16xf32>
        %mul3A_436 = arith.constant -8.74227765E-8 : f32
        %mul3A_437 = vector.broadcast %mul3A_436 : f32 to vector<16xf32>
        %mul3A_438 = arith.mulf %mul3A_437, %max3A_435 : vector<16xf32>
        %mul3A_439 = arith.mulf %mul3A_438, %sub3A_423 : vector<16xf32>
        %add3A_440 = arith.addf %add3A_429, %mul3A_439 : vector<16xf32>
        %mul3A_441 = arith.mulf %add3A_384, %sub3A_421 : vector<16xf32>
        %sub3A_442 = arith.subf %mul3A_441, %sub3A_400 : vector<16xf32>
        %mul3A_443 = arith.mulf %add3A_384, %sub3A_423 : vector<16xf32>
        %sub3A_444 = arith.subf %mul3A_443, %sub3A_402 : vector<16xf32>
        %get3A_445 = arith.index_cast %multiple_of3A : i32 to index
        %get3A_446 = tpu.vector_load %arg31[%get3A_445] {strides = array<i32>} : memref<2560xf32, #tpu.memory_space<vmem>>, vector<16xf32>,
        %abs3A_447 = math.absf %get3A_446 : vector<16xf32>
        %add3A_448 = arith.addf %add3A_440, %abs3A_447 : vector<16xf32>
        %mul3A_449 = arith.mulf %get3A_446, %sub3A_442 : vector<16xf32>
        %add3A_450 = arith.addf %add3A_448, %mul3A_449 : vector<16xf32>
        %neg3A_451 = arith.constant 0.000000e+00 : f32
        %neg3A_452 = vector.broadcast %neg3A_451 : f32 to vector<16xf32>
        %neg3A_453 = arith.subf %neg3A_452, %get3A_446 : vector<16xf32>
        %max3A_454 = arith.constant 0.000000e+00 : f32
        %max3A_455 = vector.broadcast %max3A_454 : f32 to vector<16xf32>
        %max3A_456 = arith.maximumf %neg3A_453, %max3A_455 : vector<16xf32>
        %mul3A_457 = arith.constant -8.74227765E-8 : f32
        %mul3A_458 = vector.broadcast %mul3A_457 : f32 to vector<16xf32>
        %mul3A_459 = arith.mulf %mul3A_458, %max3A_456 : vector<16xf32>
        %mul3A_460 = arith.mulf %mul3A_459, %sub3A_444 : vector<16xf32>
        %add3A_461 = arith.addf %add3A_450, %mul3A_460 : vector<16xf32>
        %mul3A_462 = arith.mulf %add3A_384, %sub3A_442 : vector<16xf32>
        %sub3A_463 = arith.subf %mul3A_462, %sub3A_421 : vector<16xf32>
        %mul3A_464 = arith.mulf %add3A_384, %sub3A_444 : vector<16xf32>
        %sub3A_465 = arith.subf %mul3A_464, %sub3A_423 : vector<16xf32>
        %get3A_466 = arith.index_cast %multiple_of3A : i32 to index
        %get3A_467 = tpu.vector_load %arg32[%get3A_466] {strides = array<i32>} : memref<2560xf32, #tpu.memory_space<vmem>>, vector<16xf32>,
        %abs3A_468 = math.absf %get3A_467 : vector<16xf32>
        %add3A_469 = arith.addf %add3A_461, %abs3A_468 : vector<16xf32>
        %mul3A_470 = arith.mulf %get3A_467, %sub3A_463 : vector<16xf32>
        %add3A_471 = arith.addf %add3A_469, %mul3A_470 : vector<16xf32>
        %neg3A_472 = arith.constant 0.000000e+00 : f32
        %neg3A_473 = vector.broadcast %neg3A_472 : f32 to vector<16xf32>
        %neg3A_474 = arith.subf %neg3A_473, %get3A_467 : vector<16xf32>
        %max3A_475 = arith.constant 0.000000e+00 : f32
        %max3A_476 = vector.broadcast %max3A_475 : f32 to vector<16xf32>
        %max3A_477 = arith.maximumf %neg3A_474, %max3A_476 : vector<16xf32>
        %mul3A_478 = arith.constant -8.74227765E-8 : f32
        %mul3A_479 = vector.broadcast %mul3A_478 : f32 to vector<16xf32>
        %mul3A_480 = arith.mulf %mul3A_479, %max3A_477 : vector<16xf32>
        %mul3A_481 = arith.mulf %mul3A_480, %sub3A_465 : vector<16xf32>
        %add3A_482 = arith.addf %add3A_471, %mul3A_481 : vector<16xf32>
        %mul3A_483 = arith.mulf %add3A_384, %sub3A_463 : vector<16xf32>
        %sub3A_484 = arith.subf %mul3A_483, %sub3A_442 : vector<16xf32>
        %mul3A_485 = arith.mulf %add3A_384, %sub3A_465 : vector<16xf32>
        %sub3A_486 = arith.subf %mul3A_485, %sub3A_444 : vector<16xf32>
        %get3A_487 = arith.index_cast %multiple_of3A : i32 to index
        %get3A_488 = tpu.vector_load %arg33[%get3A_487] {strides = array<i32>} : memref<2560xf32, #tpu.memory_space<vmem>>, vector<16xf32>,
        %abs3A_489 = math.absf %get3A_488 : vector<16xf32>
        %add3A_490 = arith.addf %add3A_482, %abs3A_489 : vector<16xf32>
        %mul3A_491 = arith.mulf %get3A_488, %sub3A_484 : vector<16xf32>
        %add3A_492 = arith.addf %add3A_490, %mul3A_491 : vector<16xf32>
        %neg3A_493 = arith.constant 0.000000e+00 : f32
        %neg3A_494 = vector.broadcast %neg3A_493 : f32 to vector<16xf32>
        %neg3A_495 = arith.subf %neg3A_494, %get3A_488 : vector<16xf32>
        %max3A_496 = arith.constant 0.000000e+00 : f32
        %max3A_497 = vector.broadcast %max3A_496 : f32 to vector<16xf32>
        %max3A_498 = arith.maximumf %neg3A_495, %max3A_497 : vector<16xf32>
        %mul3A_499 = arith.constant -8.74227765E-8 : f32
        %mul3A_500 = vector.broadcast %mul3A_499 : f32 to vector<16xf32>
        %mul3A_501 = arith.mulf %mul3A_500, %max3A_498 : vector<16xf32>
        %mul3A_502 = arith.mulf %mul3A_501, %sub3A_486 : vector<16xf32>
        %add3A_503 = arith.addf %add3A_492, %mul3A_502 : vector<16xf32>
        %mul3A_504 = arith.mulf %add3A_384, %sub3A_484 : vector<16xf32>
        %sub3A_505 = arith.subf %mul3A_504, %sub3A_463 : vector<16xf32>
        %mul3A_506 = arith.mulf %add3A_384, %sub3A_486 : vector<16xf32>
        %sub3A_507 = arith.subf %mul3A_506, %sub3A_465 : vector<16xf32>
        %get3A_508 = arith.constant 0 : index
        %get3A_509 = tpu.vector_load %arg34[%get3A_508] {strides = array<i32>} : memref<16xf32, #tpu.memory_space<vmem>>, vector<16xf32>,
        %add3A_510 = arith.addf %get3A_509, %add3A_503 : vector<16xf32>
        %swap3A_511 = arith.constant 0 : index
        %swap3A_512 = tpu.vector_load %arg34[%swap3A_511] {strides = array<i32>} : memref<16xf32, #tpu.memory_space<vmem>>, vector<16xf32>,
        tpu.vector_store %arg34[%swap3A_511], %add3A_510 {strides = array<i32>} : memref<16xf32, #tpu.memory_space<vmem>>, vector<16xf32>,
        %scan3A_513 = arith.constant 0 : i32
        scf.yield %scan3A_513 : i32
      }
      %scan3A_200 = arith.constant 160 : i32
      %while3A_201 = arith.constant 0 : i32
      scf.yield %while3A_201 : i32
    }
    %while3A_62 = arith.constant 1 : i32
    %while3A_63 = scf.for %while3A_64 = %while3A_59 to %while3A_55 step %while3A_62 iter_args(%while3A_65 = %while3A_61) -> (i32)  : i32 {
      %mul3A_66 = arith.constant 32 : i32
      %mul3A_67 = arith.muli %while3A_64, %mul3A_66 : i32
      %add3A_68 = arith.addi %add3A, %mul3A_67 : i32
      %mul3A_69 = arith.constant 2560 : i32
      %mul3A_70 = arith.muli %add3A_68, %mul3A_69 : i32
      %dma_start3A = tpu.memref_slice %arg8[%mul3A_70] : memref<1600000xi32, #tpu.memory_space<hbm>> -> memref<2560xi32, #tpu.memory_space<hbm>>
      %dma_start3A_71 = tpu.memref_slice %arg8[%mul3A_70] : memref<1600000xi32, #tpu.memory_space<hbm>> -> memref<2560xi32, #tpu.memory_space<hbm>>
      tpu.enqueue_dma source(%dma_start3A_71 : memref<2560xi32, #tpu.memory_space<hbm>>) target(%arg18 : memref<2560xi32, #tpu.memory_space<vmem>>) target_semaphore(%arg35 : memref<!tpu.dma_semaphore, #tpu.memory_space<semaphore_mem>>)
      %dma_start3A_72 = tpu.memref_slice %arg9[%mul3A_70] : memref<1600000xi32, #tpu.memory_space<hbm>> -> memref<2560xi32, #tpu.memory_space<hbm>>
      %dma_start3A_73 = tpu.memref_slice %arg9[%mul3A_70] : memref<1600000xi32, #tpu.memory_space<hbm>> -> memref<2560xi32, #tpu.memory_space<hbm>>
      tpu.enqueue_dma source(%dma_start3A_73 : memref<2560xi32, #tpu.memory_space<hbm>>) target(%arg19 : memref<2560xi32, #tpu.memory_space<vmem>>) target_semaphore(%arg35 : memref<!tpu.dma_semaphore, #tpu.memory_space<semaphore_mem>>)
      %dma_start3A_74 = tpu.memref_slice %arg10[%mul3A_70] : memref<1600000xi32, #tpu.memory_space<hbm>> -> memref<2560xi32, #tpu.memory_space<hbm>>
      %dma_start3A_75 = tpu.memref_slice %arg10[%mul3A_70] : memref<1600000xi32, #tpu.memory_space<hbm>> -> memref<2560xi32, #tpu.memory_space<hbm>>
      tpu.enqueue_dma source(%dma_start3A_75 : memref<2560xi32, #tpu.memory_space<hbm>>) target(%arg20 : memref<2560xi32, #tpu.memory_space<vmem>>) target_semaphore(%arg35 : memref<!tpu.dma_semaphore, #tpu.memory_space<semaphore_mem>>)
      %dma_start3A_76 = tpu.memref_slice %arg11[%mul3A_70] : memref<1600000xi32, #tpu.memory_space<hbm>> -> memref<2560xi32, #tpu.memory_space<hbm>>
      %dma_start3A_77 = tpu.memref_slice %arg11[%mul3A_70] : memref<1600000xi32, #tpu.memory_space<hbm>> -> memref<2560xi32, #tpu.memory_space<hbm>>
      tpu.enqueue_dma source(%dma_start3A_77 : memref<2560xi32, #tpu.memory_space<hbm>>) target(%arg21 : memref<2560xi32, #tpu.memory_space<vmem>>) target_semaphore(%arg35 : memref<!tpu.dma_semaphore, #tpu.memory_space<semaphore_mem>>)
      %dma_start3A_78 = arith.constant 0 : i32
      %dma_start3A_79 = tpu.memref_slice %arg16[%while3A_46, %dma_start3A_78] : memref<6x1600000xf32, #tpu.memory_space<hbm>> -> memref<1x1600000xf32, #tpu.memory_space<hbm>>
      %dma_start3A_80 = tpu.memref_squeeze %dma_start3A_79 : memref<1x1600000xf32, #tpu.memory_space<hbm>> -> memref<1600000xf32, #tpu.memory_space<hbm>>
      %dma_start3A_81 = tpu.memref_slice %dma_start3A_80[%mul3A_70] : memref<1600000xf32, #tpu.memory_space<hbm>> -> memref<2560xf32, #tpu.memory_space<hbm>>
      %dma_start3A_82 = arith.constant 0 : i32
      %dma_start3A_83 = tpu.memref_slice %arg16[%while3A_46, %dma_start3A_82] : memref<6x1600000xf32, #tpu.memory_space<hbm>> -> memref<1x1600000xf32, #tpu.memory_space<hbm>>
      %dma_start3A_84 = tpu.memref_squeeze %dma_start3A_83 : memref<1x1600000xf32, #tpu.memory_space<hbm>> -> memref<1600000xf32, #tpu.memory_space<hbm>>
      %dma_start3A_85 = tpu.memref_slice %dma_start3A_84[%mul3A_70] : memref<1600000xf32, #tpu.memory_space<hbm>> -> memref<2560xf32, #tpu.memory_space<hbm>>
      tpu.enqueue_dma source(%dma_start3A_85 : memref<2560xf32, #tpu.memory_space<hbm>>) target(%arg28 : memref<2560xf32, #tpu.memory_space<vmem>>) target_semaphore(%arg36 : memref<!tpu.dma_semaphore, #tpu.memory_space<semaphore_mem>>)
      %dma_start3A_86 = arith.constant 0 : i32
      %dma_start3A_87 = tpu.memref_slice %arg16[%while3A_47, %dma_start3A_86] : memref<6x1600000xf32, #tpu.memory_space<hbm>> -> memref<1x1600000xf32, #tpu.memory_space<hbm>>
      %dma_start3A_88 = tpu.memref_squeeze %dma_start3A_87 : memref<1x1600000xf32, #tpu.memory_space<hbm>> -> memref<1600000xf32, #tpu.memory_space<hbm>>
      %dma_start3A_89 = tpu.memref_slice %dma_start3A_88[%mul3A_70] : memref<1600000xf32, #tpu.memory_space<hbm>> -> memref<2560xf32, #tpu.memory_space<hbm>>
      %dma_start3A_90 = arith.constant 0 : i32
      %dma_start3A_91 = tpu.memref_slice %arg16[%while3A_47, %dma_start3A_90] : memref<6x1600000xf32, #tpu.memory_space<hbm>> -> memref<1x1600000xf32, #tpu.memory_space<hbm>>
      %dma_start3A_92 = tpu.memref_squeeze %dma_start3A_91 : memref<1x1600000xf32, #tpu.memory_space<hbm>> -> memref<1600000xf32, #tpu.memory_space<hbm>>
      %dma_start3A_93 = tpu.memref_slice %dma_start3A_92[%mul3A_70] : memref<1600000xf32, #tpu.memory_space<hbm>> -> memref<2560xf32, #tpu.memory_space<hbm>>
      tpu.enqueue_dma source(%dma_start3A_93 : memref<2560xf32, #tpu.memory_space<hbm>>) target(%arg29 : memref<2560xf32, #tpu.memory_space<vmem>>) target_semaphore(%arg36 : memref<!tpu.dma_semaphore, #tpu.memory_space<semaphore_mem>>)
      %dma_start3A_94 = arith.constant 0 : i32
      %dma_start3A_95 = tpu.memref_slice %arg16[%while3A_48, %dma_start3A_94] : memref<6x1600000xf32, #tpu.memory_space<hbm>> -> memref<1x1600000xf32, #tpu.memory_space<hbm>>
      %dma_start3A_96 = tpu.memref_squeeze %dma_start3A_95 : memref<1x1600000xf32, #tpu.memory_space<hbm>> -> memref<1600000xf32, #tpu.memory_space<hbm>>
      %dma_start3A_97 = tpu.memref_slice %dma_start3A_96[%mul3A_70] : memref<1600000xf32, #tpu.memory_space<hbm>> -> memref<2560xf32, #tpu.memory_space<hbm>>
      %dma_start3A_98 = arith.constant 0 : i32
      %dma_start3A_99 = tpu.memref_slice %arg16[%while3A_48, %dma_start3A_98] : memref<6x1600000xf32, #tpu.memory_space<hbm>> -> memref<1x1600000xf32, #tpu.memory_space<hbm>>
      %dma_start3A_100 = tpu.memref_squeeze %dma_start3A_99 : memref<1x1600000xf32, #tpu.memory_space<hbm>> -> memref<1600000xf32, #tpu.memory_space<hbm>>
      %dma_start3A_101 = tpu.memref_slice %dma_start3A_100[%mul3A_70] : memref<1600000xf32, #tpu.memory_space<hbm>> -> memref<2560xf32, #tpu.memory_space<hbm>>
      tpu.enqueue_dma source(%dma_start3A_101 : memref<2560xf32, #tpu.memory_space<hbm>>) target(%arg30 : memref<2560xf32, #tpu.memory_space<vmem>>) target_semaphore(%arg36 : memref<!tpu.dma_semaphore, #tpu.memory_space<semaphore_mem>>)
      %dma_start3A_102 = arith.constant 0 : i32
      %dma_start3A_103 = tpu.memref_slice %arg16[%while3A_49, %dma_start3A_102] : memref<6x1600000xf32, #tpu.memory_space<hbm>> -> memref<1x1600000xf32, #tpu.memory_space<hbm>>
      %dma_start3A_104 = tpu.memref_squeeze %dma_start3A_103 : memref<1x1600000xf32, #tpu.memory_space<hbm>> -> memref<1600000xf32, #tpu.memory_space<hbm>>
      %dma_start3A_105 = tpu.memref_slice %dma_start3A_104[%mul3A_70] : memref<1600000xf32, #tpu.memory_space<hbm>> -> memref<2560xf32, #tpu.memory_space<hbm>>
      %dma_start3A_106 = arith.constant 0 : i32
      %dma_start3A_107 = tpu.memref_slice %arg16[%while3A_49, %dma_start3A_106] : memref<6x1600000xf32, #tpu.memory_space<hbm>> -> memref<1x1600000xf32, #tpu.memory_space<hbm>>
      %dma_start3A_108 = tpu.memref_squeeze %dma_start3A_107 : memref<1x1600000xf32, #tpu.memory_space<hbm>> -> memref<1600000xf32, #tpu.memory_space<hbm>>
      %dma_start3A_109 = tpu.memref_slice %dma_start3A_108[%mul3A_70] : memref<1600000xf32, #tpu.memory_space<hbm>> -> memref<2560xf32, #tpu.memory_space<hbm>>
      tpu.enqueue_dma source(%dma_start3A_109 : memref<2560xf32, #tpu.memory_space<hbm>>) target(%arg31 : memref<2560xf32, #tpu.memory_space<vmem>>) target_semaphore(%arg36 : memref<!tpu.dma_semaphore, #tpu.memory_space<semaphore_mem>>)
      %dma_start3A_110 = arith.constant 0 : i32
      %dma_start3A_111 = tpu.memref_slice %arg16[%while3A_50, %dma_start3A_110] : memref<6x1600000xf32, #tpu.memory_space<hbm>> -> memref<1x1600000xf32, #tpu.memory_space<hbm>>
      %dma_start3A_112 = tpu.memref_squeeze %dma_start3A_111 : memref<1x1600000xf32, #tpu.memory_space<hbm>> -> memref<1600000xf32, #tpu.memory_space<hbm>>
      %dma_start3A_113 = tpu.memref_slice %dma_start3A_112[%mul3A_70] : memref<1600000xf32, #tpu.memory_space<hbm>> -> memref<2560xf32, #tpu.memory_space<hbm>>
      %dma_start3A_114 = arith.constant 0 : i32
      %dma_start3A_115 = tpu.memref_slice %arg16[%while3A_50, %dma_start3A_114] : memref<6x1600000xf32, #tpu.memory_space<hbm>> -> memref<1x1600000xf32, #tpu.memory_space<hbm>>
      %dma_start3A_116 = tpu.memref_squeeze %dma_start3A_115 : memref<1x1600000xf32, #tpu.memory_space<hbm>> -> memref<1600000xf32, #tpu.memory_space<hbm>>
      %dma_start3A_117 = tpu.memref_slice %dma_start3A_116[%mul3A_70] : memref<1600000xf32, #tpu.memory_space<hbm>> -> memref<2560xf32, #tpu.memory_space<hbm>>
      tpu.enqueue_dma source(%dma_start3A_117 : memref<2560xf32, #tpu.memory_space<hbm>>) target(%arg32 : memref<2560xf32, #tpu.memory_space<vmem>>) target_semaphore(%arg36 : memref<!tpu.dma_semaphore, #tpu.memory_space<semaphore_mem>>)
      %dma_start3A_118 = arith.constant 0 : i32
      %dma_start3A_119 = tpu.memref_slice %arg16[%while3A_51, %dma_start3A_118] : memref<6x1600000xf32, #tpu.memory_space<hbm>> -> memref<1x1600000xf32, #tpu.memory_space<hbm>>
      %dma_start3A_120 = tpu.memref_squeeze %dma_start3A_119 : memref<1x1600000xf32, #tpu.memory_space<hbm>> -> memref<1600000xf32, #tpu.memory_space<hbm>>
      %dma_start3A_121 = tpu.memref_slice %dma_start3A_120[%mul3A_70] : memref<1600000xf32, #tpu.memory_space<hbm>> -> memref<2560xf32, #tpu.memory_space<hbm>>
      %dma_start3A_122 = arith.constant 0 : i32
      %dma_start3A_123 = tpu.memref_slice %arg16[%while3A_51, %dma_start3A_122] : memref<6x1600000xf32, #tpu.memory_space<hbm>> -> memref<1x1600000xf32, #tpu.memory_space<hbm>>
      %dma_start3A_124 = tpu.memref_squeeze %dma_start3A_123 : memref<1x1600000xf32, #tpu.memory_space<hbm>> -> memref<1600000xf32, #tpu.memory_space<hbm>>
      %dma_start3A_125 = tpu.memref_slice %dma_start3A_124[%mul3A_70] : memref<1600000xf32, #tpu.memory_space<hbm>> -> memref<2560xf32, #tpu.memory_space<hbm>>
      tpu.enqueue_dma source(%dma_start3A_125 : memref<2560xf32, #tpu.memory_space<hbm>>) target(%arg33 : memref<2560xf32, #tpu.memory_space<vmem>>) target_semaphore(%arg36 : memref<!tpu.dma_semaphore, #tpu.memory_space<semaphore_mem>>)
      %dma_wait3A = tpu.memref_slice %arg8[%mul3A_70] : memref<1600000xi32, #tpu.memory_space<hbm>> -> memref<2560xi32, #tpu.memory_space<hbm>>
      %dma_wait3A_126 = tpu.memref_slice %arg8[%mul3A_70] : memref<1600000xi32, #tpu.memory_space<hbm>> -> memref<2560xi32, #tpu.memory_space<hbm>>
      tpu.wait_dma2 semaphore(%arg35 : memref<!tpu.dma_semaphore, #tpu.memory_space<semaphore_mem>>) src(%dma_wait3A_126 : memref<2560xi32, #tpu.memory_space<hbm>>) dst(%arg18 : memref<2560xi32, #tpu.memory_space<vmem>>)
      %dma_wait3A_127 = tpu.memref_slice %arg9[%mul3A_70] : memref<1600000xi32, #tpu.memory_space<hbm>> -> memref<2560xi32, #tpu.memory_space<hbm>>
      %dma_wait3A_128 = tpu.memref_slice %arg9[%mul3A_70] : memref<1600000xi32, #tpu.memory_space<hbm>> -> memref<2560xi32, #tpu.memory_space<hbm>>
      tpu.wait_dma2 semaphore(%arg35 : memref<!tpu.dma_semaphore, #tpu.memory_space<semaphore_mem>>) src(%dma_wait3A_128 : memref<2560xi32, #tpu.memory_space<hbm>>) dst(%arg19 : memref<2560xi32, #tpu.memory_space<vmem>>)
      %dma_wait3A_129 = tpu.memref_slice %arg10[%mul3A_70] : memref<1600000xi32, #tpu.memory_space<hbm>> -> memref<2560xi32, #tpu.memory_space<hbm>>
      %dma_wait3A_130 = tpu.memref_slice %arg10[%mul3A_70] : memref<1600000xi32, #tpu.memory_space<hbm>> -> memref<2560xi32, #tpu.memory_space<hbm>>
      tpu.wait_dma2 semaphore(%arg35 : memref<!tpu.dma_semaphore, #tpu.memory_space<semaphore_mem>>) src(%dma_wait3A_130 : memref<2560xi32, #tpu.memory_space<hbm>>) dst(%arg20 : memref<2560xi32, #tpu.memory_space<vmem>>)
      %dma_wait3A_131 = tpu.memref_slice %arg11[%mul3A_70] : memref<1600000xi32, #tpu.memory_space<hbm>> -> memref<2560xi32, #tpu.memory_space<hbm>>
      %dma_wait3A_132 = tpu.memref_slice %arg11[%mul3A_70] : memref<1600000xi32, #tpu.memory_space<hbm>> -> memref<2560xi32, #tpu.memory_space<hbm>>
      tpu.wait_dma2 semaphore(%arg35 : memref<!tpu.dma_semaphore, #tpu.memory_space<semaphore_mem>>) src(%dma_wait3A_132 : memref<2560xi32, #tpu.memory_space<hbm>>) dst(%arg21 : memref<2560xi32, #tpu.memory_space<vmem>>)
      %scan3A = arith.constant 0 : i32
      %scan3A_133 = arith.constant 0 : i32
      %scan3A_134 = arith.constant 20 : i32
      %scan3A_135 = arith.addi %scan3A_133, %scan3A_134 : i32
      %scan3A_136 = arith.constant 1 : i32
      %scan3A_137 = scf.for %scan3A_202 = %scan3A_133 to %scan3A_135 step %scan3A_136 iter_args(%scan3A_203 = %scan3A) -> (i32)  : i32 {
        %mul3A_204 = arith.constant 128 : i32
        %mul3A_205 = arith.muli %scan3A_202, %mul3A_204 : i32
        %multiple_of3A = tpu.assume_multiple %mul3A_205, 128 : i32
        %dma_start3A_206 = arith.constant 0 : i32
        %dma_start3A_207 = tpu.memref_slice %arg22[%multiple_of3A, %dma_start3A_206] : memref<2560x4xf32, #tpu.memory_space<vmem>> -> memref<128x4xf32, #tpu.memory_space<vmem>>
        %dma_start3A_208 = tpu.memref_slice %arg18[%multiple_of3A] : memref<2560xi32, #tpu.memory_space<vmem>> -> memref<128xi32, #tpu.memory_space<vmem>>
        %dma_start3A_209 = arith.constant 0 : i32
        %dma_start3A_210 = arith.constant 0 : i32
        %dma_start3A_211 = tpu.memref_slice %arg2[%dma_start3A_209, %dma_start3A_210] : memref<100000x4xf32, #tpu.memory_space<hbm>> -> memref<100000x4xf32, #tpu.memory_space<hbm>>
        tpu.enqueue_indirect_dma source(%dma_start3A_211 : memref<100000x4xf32, #tpu.memory_space<hbm>>) target(%dma_start3A_207 : memref<128x4xf32, #tpu.memory_space<vmem>>) offsets(%dma_start3A_208 : memref<128xi32, #tpu.memory_space<vmem>>) semaphore(%arg37 : memref<!tpu.dma_semaphore, #tpu.memory_space<semaphore_mem>>)
        %dma_start3A_212 = arith.constant 0 : i32
        %dma_start3A_213 = tpu.memref_slice %arg23[%multiple_of3A, %dma_start3A_212] : memref<2560x4xf32, #tpu.memory_space<vmem>> -> memref<128x4xf32, #tpu.memory_space<vmem>>
        %dma_start3A_214 = tpu.memref_slice %arg19[%multiple_of3A] : memref<2560xi32, #tpu.memory_space<vmem>> -> memref<128xi32, #tpu.memory_space<vmem>>
        %dma_start3A_215 = arith.constant 0 : i32
        %dma_start3A_216 = arith.constant 0 : i32
        %dma_start3A_217 = tpu.memref_slice %arg2[%dma_start3A_215, %dma_start3A_216] : memref<100000x4xf32, #tpu.memory_space<hbm>> -> memref<100000x4xf32, #tpu.memory_space<hbm>>
        tpu.enqueue_indirect_dma source(%dma_start3A_217 : memref<100000x4xf32, #tpu.memory_space<hbm>>) target(%dma_start3A_213 : memref<128x4xf32, #tpu.memory_space<vmem>>) offsets(%dma_start3A_214 : memref<128xi32, #tpu.memory_space<vmem>>) semaphore(%arg37 : memref<!tpu.dma_semaphore, #tpu.memory_space<semaphore_mem>>)
        %dma_start3A_218 = arith.constant 0 : i32
        %dma_start3A_219 = tpu.memref_slice %arg24[%multiple_of3A, %dma_start3A_218] : memref<2560x4xf32, #tpu.memory_space<vmem>> -> memref<128x4xf32, #tpu.memory_space<vmem>>
        %dma_start3A_220 = tpu.memref_slice %arg20[%multiple_of3A] : memref<2560xi32, #tpu.memory_space<vmem>> -> memref<128xi32, #tpu.memory_space<vmem>>
        %dma_start3A_221 = arith.constant 0 : i32
        %dma_start3A_222 = arith.constant 0 : i32
        %dma_start3A_223 = tpu.memref_slice %arg2[%dma_start3A_221, %dma_start3A_222] : memref<100000x4xf32, #tpu.memory_space<hbm>> -> memref<100000x4xf32, #tpu.memory_space<hbm>>
        tpu.enqueue_indirect_dma source(%dma_start3A_223 : memref<100000x4xf32, #tpu.memory_space<hbm>>) target(%dma_start3A_219 : memref<128x4xf32, #tpu.memory_space<vmem>>) offsets(%dma_start3A_220 : memref<128xi32, #tpu.memory_space<vmem>>) semaphore(%arg37 : memref<!tpu.dma_semaphore, #tpu.memory_space<semaphore_mem>>)
        %dma_start3A_224 = arith.constant 0 : i32
        %dma_start3A_225 = tpu.memref_slice %arg25[%multiple_of3A, %dma_start3A_224] : memref<2560x4xf32, #tpu.memory_space<vmem>> -> memref<128x4xf32, #tpu.memory_space<vmem>>
        %dma_start3A_226 = tpu.memref_slice %arg21[%multiple_of3A] : memref<2560xi32, #tpu.memory_space<vmem>> -> memref<128xi32, #tpu.memory_space<vmem>>
        %dma_start3A_227 = arith.constant 0 : i32
        %dma_start3A_228 = arith.constant 0 : i32
        %dma_start3A_229 = tpu.memref_slice %arg2[%dma_start3A_227, %dma_start3A_228] : memref<100000x4xf32, #tpu.memory_space<hbm>> -> memref<100000x4xf32, #tpu.memory_space<hbm>>
        tpu.enqueue_indirect_dma source(%dma_start3A_229 : memref<100000x4xf32, #tpu.memory_space<hbm>>) target(%dma_start3A_225 : memref<128x4xf32, #tpu.memory_space<vmem>>) offsets(%dma_start3A_226 : memref<128xi32, #tpu.memory_space<vmem>>) semaphore(%arg37 : memref<!tpu.dma_semaphore, #tpu.memory_space<semaphore_mem>>)
        %scan3A_230 = arith.constant 0 : i32
        scf.yield %scan3A_230 : i32
      }
      %scan3A_138 = arith.constant 20 : i32
      %dma_wait3A_139 = arith.constant 0 : i32
      %dma_wait3A_140 = tpu.memref_slice %arg16[%while3A_46, %dma_wait3A_139] : memref<6x1600000xf32, #tpu.memory_space<hbm>> -> memref<1x1600000xf32, #tpu.memory_space<hbm>>
      %dma_wait3A_141 = tpu.memref_squeeze %dma_wait3A_140 : memref<1x1600000xf32, #tpu.memory_space<hbm>> -> memref<1600000xf32, #tpu.memory_space<hbm>>
      %dma_wait3A_142 = tpu.memref_slice %dma_wait3A_141[%mul3A_70] : memref<1600000xf32, #tpu.memory_space<hbm>> -> memref<2560xf32, #tpu.memory_space<hbm>>
      %dma_wait3A_143 = arith.constant 0 : i32
      %dma_wait3A_144 = tpu.memref_slice %arg16[%while3A_46, %dma_wait3A_143] : memref<6x1600000xf32, #tpu.memory_space<hbm>> -> memref<1x1600000xf32, #tpu.memory_space<hbm>>
      %dma_wait3A_145 = tpu.memref_squeeze %dma_wait3A_144 : memref<1x1600000xf32, #tpu.memory_space<hbm>> -> memref<1600000xf32, #tpu.memory_space<hbm>>
      %dma_wait3A_146 = tpu.memref_slice %dma_wait3A_145[%mul3A_70] : memref<1600000xf32, #tpu.memory_space<hbm>> -> memref<2560xf32, #tpu.memory_space<hbm>>
      tpu.wait_dma2 semaphore(%arg36 : memref<!tpu.dma_semaphore, #tpu.memory_space<semaphore_mem>>) src(%dma_wait3A_146 : memref<2560xf32, #tpu.memory_space<hbm>>) dst(%arg28 : memref<2560xf32, #tpu.memory_space<vmem>>)
      %dma_wait3A_147 = arith.constant 0 : i32
      %dma_wait3A_148 = tpu.memref_slice %arg16[%while3A_47, %dma_wait3A_147] : memref<6x1600000xf32, #tpu.memory_space<hbm>> -> memref<1x1600000xf32, #tpu.memory_space<hbm>>
      %dma_wait3A_149 = tpu.memref_squeeze %dma_wait3A_148 : memref<1x1600000xf32, #tpu.memory_space<hbm>> -> memref<1600000xf32, #tpu.memory_space<hbm>>
      %dma_wait3A_150 = tpu.memref_slice %dma_wait3A_149[%mul3A_70] : memref<1600000xf32, #tpu.memory_space<hbm>> -> memref<2560xf32, #tpu.memory_space<hbm>>
      %dma_wait3A_151 = arith.constant 0 : i32
      %dma_wait3A_152 = tpu.memref_slice %arg16[%while3A_47, %dma_wait3A_151] : memref<6x1600000xf32, #tpu.memory_space<hbm>> -> memref<1x1600000xf32, #tpu.memory_space<hbm>>
      %dma_wait3A_153 = tpu.memref_squeeze %dma_wait3A_152 : memref<1x1600000xf32, #tpu.memory_space<hbm>> -> memref<1600000xf32, #tpu.memory_space<hbm>>
      %dma_wait3A_154 = tpu.memref_slice %dma_wait3A_153[%mul3A_70] : memref<1600000xf32, #tpu.memory_space<hbm>> -> memref<2560xf32, #tpu.memory_space<hbm>>
      tpu.wait_dma2 semaphore(%arg36 : memref<!tpu.dma_semaphore, #tpu.memory_space<semaphore_mem>>) src(%dma_wait3A_154 : memref<2560xf32, #tpu.memory_space<hbm>>) dst(%arg29 : memref<2560xf32, #tpu.memory_space<vmem>>)
      %dma_wait3A_155 = arith.constant 0 : i32
      %dma_wait3A_156 = tpu.memref_slice %arg16[%while3A_48, %dma_wait3A_155] : memref<6x1600000xf32, #tpu.memory_space<hbm>> -> memref<1x1600000xf32, #tpu.memory_space<hbm>>
      %dma_wait3A_157 = tpu.memref_squeeze %dma_wait3A_156 : memref<1x1600000xf32, #tpu.memory_space<hbm>> -> memref<1600000xf32, #tpu.memory_space<hbm>>
      %dma_wait3A_158 = tpu.memref_slice %dma_wait3A_157[%mul3A_70] : memref<1600000xf32, #tpu.memory_space<hbm>> -> memref<2560xf32, #tpu.memory_space<hbm>>
      %dma_wait3A_159 = arith.constant 0 : i32
      %dma_wait3A_160 = tpu.memref_slice %arg16[%while3A_48, %dma_wait3A_159] : memref<6x1600000xf32, #tpu.memory_space<hbm>> -> memref<1x1600000xf32, #tpu.memory_space<hbm>>
      %dma_wait3A_161 = tpu.memref_squeeze %dma_wait3A_160 : memref<1x1600000xf32, #tpu.memory_space<hbm>> -> memref<1600000xf32, #tpu.memory_space<hbm>>
      %dma_wait3A_162 = tpu.memref_slice %dma_wait3A_161[%mul3A_70] : memref<1600000xf32, #tpu.memory_space<hbm>> -> memref<2560xf32, #tpu.memory_space<hbm>>
      tpu.wait_dma2 semaphore(%arg36 : memref<!tpu.dma_semaphore, #tpu.memory_space<semaphore_mem>>) src(%dma_wait3A_162 : memref<2560xf32, #tpu.memory_space<hbm>>) dst(%arg30 : memref<2560xf32, #tpu.memory_space<vmem>>)
      %dma_wait3A_163 = arith.constant 0 : i32
      %dma_wait3A_164 = tpu.memref_slice %arg16[%while3A_49, %dma_wait3A_163] : memref<6x1600000xf32, #tpu.memory_space<hbm>> -> memref<1x1600000xf32, #tpu.memory_space<hbm>>
      %dma_wait3A_165 = tpu.memref_squeeze %dma_wait3A_164 : memref<1x1600000xf32, #tpu.memory_space<hbm>> -> memref<1600000xf32, #tpu.memory_space<hbm>>
      %dma_wait3A_166 = tpu.memref_slice %dma_wait3A_165[%mul3A_70] : memref<1600000xf32, #tpu.memory_space<hbm>> -> memref<2560xf32, #tpu.memory_space<hbm>>
      %dma_wait3A_167 = arith.constant 0 : i32
      %dma_wait3A_168 = tpu.memref_slice %arg16[%while3A_49, %dma_wait3A_167] : memref<6x1600000xf32, #tpu.memory_space<hbm>> -> memref<1x1600000xf32, #tpu.memory_space<hbm>>
      %dma_wait3A_169 = tpu.memref_squeeze %dma_wait3A_168 : memref<1x1600000xf32, #tpu.memory_space<hbm>> -> memref<1600000xf32, #tpu.memory_space<hbm>>
      %dma_wait3A_170 = tpu.memref_slice %dma_wait3A_169[%mul3A_70] : memref<1600000xf32, #tpu.memory_space<hbm>> -> memref<2560xf32, #tpu.memory_space<hbm>>
      tpu.wait_dma2 semaphore(%arg36 : memref<!tpu.dma_semaphore, #tpu.memory_space<semaphore_mem>>) src(%dma_wait3A_170 : memref<2560xf32, #tpu.memory_space<hbm>>) dst(%arg31 : memref<2560xf32, #tpu.memory_space<vmem>>)
      %dma_wait3A_171 = arith.constant 0 : i32
      %dma_wait3A_172 = tpu.memref_slice %arg16[%while3A_50, %dma_wait3A_171] : memref<6x1600000xf32, #tpu.memory_space<hbm>> -> memref<1x1600000xf32, #tpu.memory_space<hbm>>
      %dma_wait3A_173 = tpu.memref_squeeze %dma_wait3A_172 : memref<1x1600000xf32, #tpu.memory_space<hbm>> -> memref<1600000xf32, #tpu.memory_space<hbm>>
      %dma_wait3A_174 = tpu.memref_slice %dma_wait3A_173[%mul3A_70] : memref<1600000xf32, #tpu.memory_space<hbm>> -> memref<2560xf32, #tpu.memory_space<hbm>>
      %dma_wait3A_175 = arith.constant 0 : i32
      %dma_wait3A_176 = tpu.memref_slice %arg16[%while3A_50, %dma_wait3A_175] : memref<6x1600000xf32, #tpu.memory_space<hbm>> -> memref<1x1600000xf32, #tpu.memory_space<hbm>>
      %dma_wait3A_177 = tpu.memref_squeeze %dma_wait3A_176 : memref<1x1600000xf32, #tpu.memory_space<hbm>> -> memref<1600000xf32, #tpu.memory_space<hbm>>
      %dma_wait3A_178 = tpu.memref_slice %dma_wait3A_177[%mul3A_70] : memref<1600000xf32, #tpu.memory_space<hbm>> -> memref<2560xf32, #tpu.memory_space<hbm>>
      tpu.wait_dma2 semaphore(%arg36 : memref<!tpu.dma_semaphore, #tpu.memory_space<semaphore_mem>>) src(%dma_wait3A_178 : memref<2560xf32, #tpu.memory_space<hbm>>) dst(%arg32 : memref<2560xf32, #tpu.memory_space<vmem>>)
      %dma_wait3A_179 = arith.constant 0 : i32
      %dma_wait3A_180 = tpu.memref_slice %arg16[%while3A_51, %dma_wait3A_179] : memref<6x1600000xf32, #tpu.memory_space<hbm>> -> memref<1x1600000xf32, #tpu.memory_space<hbm>>
      %dma_wait3A_181 = tpu.memref_squeeze %dma_wait3A_180 : memref<1x1600000xf32, #tpu.memory_space<hbm>> -> memref<1600000xf32, #tpu.memory_space<hbm>>
      %dma_wait3A_182 = tpu.memref_slice %dma_wait3A_181[%mul3A_70] : memref<1600000xf32, #tpu.memory_space<hbm>> -> memref<2560xf32, #tpu.memory_space<hbm>>
      %dma_wait3A_183 = arith.constant 0 : i32
      %dma_wait3A_184 = tpu.memref_slice %arg16[%while3A_51, %dma_wait3A_183] : memref<6x1600000xf32, #tpu.memory_space<hbm>> -> memref<1x1600000xf32, #tpu.memory_space<hbm>>
      %dma_wait3A_185 = tpu.memref_squeeze %dma_wait3A_184 : memref<1x1600000xf32, #tpu.memory_space<hbm>> -> memref<1600000xf32, #tpu.memory_space<hbm>>
      %dma_wait3A_186 = tpu.memref_slice %dma_wait3A_185[%mul3A_70] : memref<1600000xf32, #tpu.memory_space<hbm>> -> memref<2560xf32, #tpu.memory_space<hbm>>
      tpu.wait_dma2 semaphore(%arg36 : memref<!tpu.dma_semaphore, #tpu.memory_space<semaphore_mem>>) src(%dma_wait3A_186 : memref<2560xf32, #tpu.memory_space<hbm>>) dst(%arg33 : memref<2560xf32, #tpu.memory_space<vmem>>)
      %scan3A_187 = arith.constant 0 : i32
      %scan3A_188 = arith.constant 0 : i32
      %scan3A_189 = arith.constant 20 : i32
      %scan3A_190 = arith.addi %scan3A_188, %scan3A_189 : i32
      %scan3A_191 = arith.constant 1 : i32
      %scan3A_192 = scf.for %scan3A_202 = %scan3A_188 to %scan3A_190 step %scan3A_191 iter_args(%scan3A_203 = %scan3A_187) -> (i32)  : i32 {
        %mul3A_204 = arith.constant 128 : i32
        %mul3A_205 = arith.muli %scan3A_202, %mul3A_204 : i32
        %multiple_of3A = tpu.assume_multiple %mul3A_205, 128 : i32
        %dma_wait3A_206 = arith.constant 0 : i32
        %dma_wait3A_207 = tpu.memref_slice %arg22[%multiple_of3A, %dma_wait3A_206] : memref<2560x4xf32, #tpu.memory_space<vmem>> -> memref<128x4xf32, #tpu.memory_space<vmem>>
        %dma_wait3A_208 = tpu.memref_slice %arg18[%multiple_of3A] : memref<2560xi32, #tpu.memory_space<vmem>> -> memref<128xi32, #tpu.memory_space<vmem>>
        %dma_wait3A_209 = arith.constant 0 : i32
        %dma_wait3A_210 = arith.constant 0 : i32
        %dma_wait3A_211 = tpu.memref_slice %arg2[%dma_wait3A_209, %dma_wait3A_210] : memref<100000x4xf32, #tpu.memory_space<hbm>> -> memref<100000x4xf32, #tpu.memory_space<hbm>>
        tpu.wait_indirect_dma semaphore(%arg37 : memref<!tpu.dma_semaphore, #tpu.memory_space<semaphore_mem>>) src(%dma_wait3A_211 : memref<100000x4xf32, #tpu.memory_space<hbm>>) dst(%dma_wait3A_207 : memref<128x4xf32, #tpu.memory_space<vmem>>)
        %dma_wait3A_212 = arith.constant 0 : i32
        %dma_wait3A_213 = tpu.memref_slice %arg23[%multiple_of3A, %dma_wait3A_212] : memref<2560x4xf32, #tpu.memory_space<vmem>> -> memref<128x4xf32, #tpu.memory_space<vmem>>
        %dma_wait3A_214 = tpu.memref_slice %arg19[%multiple_of3A] : memref<2560xi32, #tpu.memory_space<vmem>> -> memref<128xi32, #tpu.memory_space<vmem>>
        %dma_wait3A_215 = arith.constant 0 : i32
        %dma_wait3A_216 = arith.constant 0 : i32
        %dma_wait3A_217 = tpu.memref_slice %arg2[%dma_wait3A_215, %dma_wait3A_216] : memref<100000x4xf32, #tpu.memory_space<hbm>> -> memref<100000x4xf32, #tpu.memory_space<hbm>>
        tpu.wait_indirect_dma semaphore(%arg37 : memref<!tpu.dma_semaphore, #tpu.memory_space<semaphore_mem>>) src(%dma_wait3A_217 : memref<100000x4xf32, #tpu.memory_space<hbm>>) dst(%dma_wait3A_213 : memref<128x4xf32, #tpu.memory_space<vmem>>)
        %dma_wait3A_218 = arith.constant 0 : i32
        %dma_wait3A_219 = tpu.memref_slice %arg24[%multiple_of3A, %dma_wait3A_218] : memref<2560x4xf32, #tpu.memory_space<vmem>> -> memref<128x4xf32, #tpu.memory_space<vmem>>
        %dma_wait3A_220 = tpu.memref_slice %arg20[%multiple_of3A] : memref<2560xi32, #tpu.memory_space<vmem>> -> memref<128xi32, #tpu.memory_space<vmem>>
        %dma_wait3A_221 = arith.constant 0 : i32
        %dma_wait3A_222 = arith.constant 0 : i32
        %dma_wait3A_223 = tpu.memref_slice %arg2[%dma_wait3A_221, %dma_wait3A_222] : memref<100000x4xf32, #tpu.memory_space<hbm>> -> memref<100000x4xf32, #tpu.memory_space<hbm>>
        tpu.wait_indirect_dma semaphore(%arg37 : memref<!tpu.dma_semaphore, #tpu.memory_space<semaphore_mem>>) src(%dma_wait3A_223 : memref<100000x4xf32, #tpu.memory_space<hbm>>) dst(%dma_wait3A_219 : memref<128x4xf32, #tpu.memory_space<vmem>>)
        %dma_wait3A_224 = arith.constant 0 : i32
        %dma_wait3A_225 = tpu.memref_slice %arg25[%multiple_of3A, %dma_wait3A_224] : memref<2560x4xf32, #tpu.memory_space<vmem>> -> memref<128x4xf32, #tpu.memory_space<vmem>>
        %dma_wait3A_226 = tpu.memref_slice %arg21[%multiple_of3A] : memref<2560xi32, #tpu.memory_space<vmem>> -> memref<128xi32, #tpu.memory_space<vmem>>
        %dma_wait3A_227 = arith.constant 0 : i32
        %dma_wait3A_228 = arith.constant 0 : i32
        %dma_wait3A_229 = tpu.memref_slice %arg2[%dma_wait3A_227, %dma_wait3A_228] : memref<100000x4xf32, #tpu.memory_space<hbm>> -> memref<100000x4xf32, #tpu.memory_space<hbm>>
        tpu.wait_indirect_dma semaphore(%arg37 : memref<!tpu.dma_semaphore, #tpu.memory_space<semaphore_mem>>) src(%dma_wait3A_229 : memref<100000x4xf32, #tpu.memory_space<hbm>>) dst(%dma_wait3A_225 : memref<128x4xf32, #tpu.memory_space<vmem>>)
        %scan3A_230 = arith.constant 0 : i32
        scf.yield %scan3A_230 : i32
      }
      %scan3A_193 = arith.constant 20 : i32
      %scan3A_194 = arith.constant 0 : i32
      %scan3A_195 = arith.constant 0 : i32
      %scan3A_196 = arith.constant 160 : i32
      %scan3A_197 = arith.addi %scan3A_195, %scan3A_196 : i32
      %scan3A_198 = arith.constant 1 : i32
      %scan3A_199 = scf.for %scan3A_202 = %scan3A_195 to %scan3A_197 step %scan3A_198 iter_args(%scan3A_203 = %scan3A_194) -> (i32)  : i32 {
        %mul3A_204 = arith.constant 16 : i32
        %mul3A_205 = arith.muli %scan3A_202, %mul3A_204 : i32
        %multiple_of3A = tpu.assume_multiple %mul3A_205, 16 : i32
        %iota3A = tpu.iota {dimensions = array<i32: 0>} : vector<16xi32>
        %add3A_206 = vector.broadcast %multiple_of3A : i32 to vector<16xi32>
        %add3A_207 = arith.addi %add3A_206, %iota3A : vector<16xi32>
        %broadcast_in_dim3A_208 = arith.constant 0 : i32
        %broadcast_in_dim3A_209 = vector.broadcast %broadcast_in_dim3A_208 : i32 to vector<16xi32>
        %gather3A = tpu.vector_load_idx %arg22[%add3A_207, %broadcast_in_dim3A_209] : memref<2560x4xf32, #tpu.memory_space<vmem>>[vector<16xi32>, vector<16xi32>], vector<16xf32>,
        %broadcast_in_dim3A_210 = arith.constant 1 : i32
        %broadcast_in_dim3A_211 = vector.broadcast %broadcast_in_dim3A_210 : i32 to vector<16xi32>
        %gather3A_212 = tpu.vector_load_idx %arg22[%add3A_207, %broadcast_in_dim3A_211] : memref<2560x4xf32, #tpu.memory_space<vmem>>[vector<16xi32>, vector<16xi32>], vector<16xf32>,
        %broadcast_in_dim3A_213 = arith.constant 2 : i32
        %broadcast_in_dim3A_214 = vector.broadcast %broadcast_in_dim3A_213 : i32 to vector<16xi32>
        %gather3A_215 = tpu.vector_load_idx %arg22[%add3A_207, %broadcast_in_dim3A_214] : memref<2560x4xf32, #tpu.memory_space<vmem>>[vector<16xi32>, vector<16xi32>], vector<16xf32>,
        %broadcast_in_dim3A_216 = arith.constant 0 : i32
        %broadcast_in_dim3A_217 = vector.broadcast %broadcast_in_dim3A_216 : i32 to vector<16xi32>
        %gather3A_218 = tpu.vector_load_idx %arg23[%add3A_207, %broadcast_in_dim3A_217] : memref<2560x4xf32, #tpu.memory_space<vmem>>[vector<16xi32>, vector<16xi32>], vector<16xf32>,
        %broadcast_in_dim3A_219 = arith.constant 1 : i32
        %broadcast_in_dim3A_220 = vector.broadcast %broadcast_in_dim3A_219 : i32 to vector<16xi32>
        %gather3A_221 = tpu.vector_load_idx %arg23[%add3A_207, %broadcast_in_dim3A_220] : memref<2560x4xf32, #tpu.memory_space<vmem>>[vector<16xi32>, vector<16xi32>], vector<16xf32>,
        %broadcast_in_dim3A_222 = arith.constant 2 : i32
        %broadcast_in_dim3A_223 = vector.broadcast %broadcast_in_dim3A_222 : i32 to vector<16xi32>
        %gather3A_224 = tpu.vector_load_idx %arg23[%add3A_207, %broadcast_in_dim3A_223] : memref<2560x4xf32, #tpu.memory_space<vmem>>[vector<16xi32>, vector<16xi32>], vector<16xf32>,
        %broadcast_in_dim3A_225 = arith.constant 0 : i32
        %broadcast_in_dim3A_226 = vector.broadcast %broadcast_in_dim3A_225 : i32 to vector<16xi32>
        %gather3A_227 = tpu.vector_load_idx %arg24[%add3A_207, %broadcast_in_dim3A_226] : memref<2560x4xf32, #tpu.memory_space<vmem>>[vector<16xi32>, vector<16xi32>], vector<16xf32>,
        %broadcast_in_dim3A_228 = arith.constant 1 : i32
        %broadcast_in_dim3A_229 = vector.broadcast %broadcast_in_dim3A_228 : i32 to vector<16xi32>
        %gather3A_230 = tpu.vector_load_idx %arg24[%add3A_207, %broadcast_in_dim3A_229] : memref<2560x4xf32, #tpu.memory_space<vmem>>[vector<16xi32>, vector<16xi32>], vector<16xf32>,
        %broadcast_in_dim3A_231 = arith.constant 2 : i32
        %broadcast_in_dim3A_232 = vector.broadcast %broadcast_in_dim3A_231 : i32 to vector<16xi32>
        %gather3A_233 = tpu.vector_load_idx %arg24[%add3A_207, %broadcast_in_dim3A_232] : memref<2560x4xf32, #tpu.memory_space<vmem>>[vector<16xi32>, vector<16xi32>], vector<16xf32>,
        %broadcast_in_dim3A_234 = arith.constant 0 : i32
        %broadcast_in_dim3A_235 = vector.broadcast %broadcast_in_dim3A_234 : i32 to vector<16xi32>
        %gather3A_236 = tpu.vector_load_idx %arg25[%add3A_207, %broadcast_in_dim3A_235] : memref<2560x4xf32, #tpu.memory_space<vmem>>[vector<16xi32>, vector<16xi32>], vector<16xf32>,
        %broadcast_in_dim3A_237 = arith.constant 1 : i32
        %broadcast_in_dim3A_238 = vector.broadcast %broadcast_in_dim3A_237 : i32 to vector<16xi32>
        %gather3A_239 = tpu.vector_load_idx %arg25[%add3A_207, %broadcast_in_dim3A_238] : memref<2560x4xf32, #tpu.memory_space<vmem>>[vector<16xi32>, vector<16xi32>], vector<16xf32>,
        %broadcast_in_dim3A_240 = arith.constant 2 : i32
        %broadcast_in_dim3A_241 = vector.broadcast %broadcast_in_dim3A_240 : i32 to vector<16xi32>
        %gather3A_242 = tpu.vector_load_idx %arg25[%add3A_207, %broadcast_in_dim3A_241] : memref<2560x4xf32, #tpu.memory_space<vmem>>[vector<16xi32>, vector<16xi32>], vector<16xf32>,
        %sub3A_243 = arith.subf %gather3A_218, %gather3A : vector<16xf32>
        %sub3A_244 = arith.subf %gather3A_221, %gather3A_212 : vector<16xf32>
        %sub3A_245 = arith.subf %gather3A_224, %gather3A_215 : vector<16xf32>
        %sub3A_246 = arith.subf %gather3A_227, %gather3A_218 : vector<16xf32>
        %sub3A_247 = arith.subf %gather3A_230, %gather3A_221 : vector<16xf32>
        %sub3A_248 = arith.subf %gather3A_233, %gather3A_224 : vector<16xf32>
        %sub3A_249 = arith.subf %gather3A_236, %gather3A_227 : vector<16xf32>
        %sub3A_250 = arith.subf %gather3A_239, %gather3A_230 : vector<16xf32>
        %sub3A_251 = arith.subf %gather3A_242, %gather3A_233 : vector<16xf32>
        %mul3A_252 = arith.mulf %sub3A_244, %sub3A_248 : vector<16xf32>
        %mul3A_253 = arith.mulf %sub3A_245, %sub3A_247 : vector<16xf32>
        %sub3A_254 = arith.subf %mul3A_252, %mul3A_253 : vector<16xf32>
        %mul3A_255 = arith.mulf %sub3A_245, %sub3A_246 : vector<16xf32>
        %mul3A_256 = arith.mulf %sub3A_243, %sub3A_248 : vector<16xf32>
        %sub3A_257 = arith.subf %mul3A_255, %mul3A_256 : vector<16xf32>
        %mul3A_258 = arith.mulf %sub3A_243, %sub3A_247 : vector<16xf32>
        %mul3A_259 = arith.mulf %sub3A_244, %sub3A_246 : vector<16xf32>
        %sub3A_260 = arith.subf %mul3A_258, %mul3A_259 : vector<16xf32>
        %mul3A_261 = arith.mulf %sub3A_247, %sub3A_251 : vector<16xf32>
        %mul3A_262 = arith.mulf %sub3A_248, %sub3A_250 : vector<16xf32>
        %sub3A_263 = arith.subf %mul3A_261, %mul3A_262 : vector<16xf32>
        %mul3A_264 = arith.mulf %sub3A_248, %sub3A_249 : vector<16xf32>
        %mul3A_265 = arith.mulf %sub3A_246, %sub3A_251 : vector<16xf32>
        %sub3A_266 = arith.subf %mul3A_264, %mul3A_265 : vector<16xf32>
        %mul3A_267 = arith.mulf %sub3A_246, %sub3A_250 : vector<16xf32>
        %mul3A_268 = arith.mulf %sub3A_247, %sub3A_249 : vector<16xf32>
        %sub3A_269 = arith.subf %mul3A_267, %mul3A_268 : vector<16xf32>
        %mul3A_270 = arith.mulf %sub3A_246, %sub3A_246 : vector<16xf32>
        %mul3A_271 = arith.mulf %sub3A_247, %sub3A_247 : vector<16xf32>
        %add3A_272 = arith.addf %mul3A_270, %mul3A_271 : vector<16xf32>
        %mul3A_273 = arith.mulf %sub3A_248, %sub3A_248 : vector<16xf32>
        %add3A_274 = arith.addf %add3A_272, %mul3A_273 : vector<16xf32>
        %add3A_275 = arith.constant 9.99999996E-13 : f32
        %add3A_276 = vector.broadcast %add3A_275 : f32 to vector<16xf32>
        %add3A_277 = arith.addf %add3A_274, %add3A_276 : vector<16xf32>
        %bitcast_convert_type3A = tpu.bitcast %add3A_277 : vector<16xf32> -> vector<16xi32>
        %shift_right_arithmetic3A = arith.constant 1 : i32
        %shift_right_arithmetic3A_278 = vector.broadcast %shift_right_arithmetic3A : i32 to vector<16xi32>
        %shift_right_arithmetic3A_279 = arith.shrsi %bitcast_convert_type3A, %shift_right_arithmetic3A_278 : vector<16xi32>
        %sub3A_280 = arith.constant 1597463007 : i32
        %sub3A_281 = vector.broadcast %sub3A_280 : i32 to vector<16xi32>
        %sub3A_282 = arith.subi %sub3A_281, %shift_right_arithmetic3A_279 : vector<16xi32>
        %bitcast_convert_type3A_283 = tpu.bitcast %sub3A_282 : vector<16xi32> -> vector<16xf32>
        %mul3A_284 = arith.constant 5.000000e-01 : f32
        %mul3A_285 = vector.broadcast %mul3A_284 : f32 to vector<16xf32>
        %mul3A_286 = arith.mulf %mul3A_285, %add3A_277 : vector<16xf32>
        %mul3A_287 = arith.mulf %mul3A_286, %bitcast_convert_type3A_283 : vector<16xf32>
        %mul3A_288 = arith.mulf %mul3A_287, %bitcast_convert_type3A_283 : vector<16xf32>
        %sub3A_289 = arith.constant 1.500000e+00 : f32
        %sub3A_290 = vector.broadcast %sub3A_289 : f32 to vector<16xf32>
        %sub3A_291 = arith.subf %sub3A_290, %mul3A_288 : vector<16xf32>
        %mul3A_292 = arith.mulf %bitcast_convert_type3A_283, %sub3A_291 : vector<16xf32>
        %mul3A_293 = arith.constant 5.000000e-01 : f32
        %mul3A_294 = vector.broadcast %mul3A_293 : f32 to vector<16xf32>
        %mul3A_295 = arith.mulf %mul3A_294, %add3A_277 : vector<16xf32>
        %mul3A_296 = arith.mulf %mul3A_295, %mul3A_292 : vector<16xf32>
        %mul3A_297 = arith.mulf %mul3A_296, %mul3A_292 : vector<16xf32>
        %sub3A_298 = arith.constant 1.500000e+00 : f32
        %sub3A_299 = vector.broadcast %sub3A_298 : f32 to vector<16xf32>
        %sub3A_300 = arith.subf %sub3A_299, %mul3A_297 : vector<16xf32>
        %mul3A_301 = arith.mulf %mul3A_292, %sub3A_300 : vector<16xf32>
        %mul3A_302 = arith.constant 5.000000e-01 : f32
        %mul3A_303 = vector.broadcast %mul3A_302 : f32 to vector<16xf32>
        %mul3A_304 = arith.mulf %mul3A_303, %add3A_277 : vector<16xf32>
        %mul3A_305 = arith.mulf %mul3A_304, %mul3A_301 : vector<16xf32>
        %mul3A_306 = arith.mulf %mul3A_305, %mul3A_301 : vector<16xf32>
        %sub3A_307 = arith.constant 1.500000e+00 : f32
        %sub3A_308 = vector.broadcast %sub3A_307 : f32 to vector<16xf32>
        %sub3A_309 = arith.subf %sub3A_308, %mul3A_306 : vector<16xf32>
        %mul3A_310 = arith.mulf %mul3A_301, %sub3A_309 : vector<16xf32>
        %mul3A_311 = arith.mulf %sub3A_246, %mul3A_310 : vector<16xf32>
        %mul3A_312 = arith.mulf %sub3A_247, %mul3A_310 : vector<16xf32>
        %mul3A_313 = arith.mulf %sub3A_248, %mul3A_310 : vector<16xf32>
        %mul3A_314 = arith.mulf %sub3A_257, %mul3A_313 : vector<16xf32>
        %mul3A_315 = arith.mulf %sub3A_260, %mul3A_312 : vector<16xf32>
        %sub3A_316 = arith.subf %mul3A_314, %mul3A_315 : vector<16xf32>
        %mul3A_317 = arith.mulf %sub3A_260, %mul3A_311 : vector<16xf32>
        %mul3A_318 = arith.mulf %sub3A_254, %mul3A_313 : vector<16xf32>
        %sub3A_319 = arith.subf %mul3A_317, %mul3A_318 : vector<16xf32>
        %mul3A_320 = arith.mulf %sub3A_254, %mul3A_312 : vector<16xf32>
        %mul3A_321 = arith.mulf %sub3A_257, %mul3A_311 : vector<16xf32>
        %sub3A_322 = arith.subf %mul3A_320, %mul3A_321 : vector<16xf32>
        %mul3A_323 = arith.mulf %sub3A_254, %sub3A_263 : vector<16xf32>
        %mul3A_324 = arith.mulf %sub3A_257, %sub3A_266 : vector<16xf32>
        %add3A_325 = arith.addf %mul3A_323, %mul3A_324 : vector<16xf32>
        %mul3A_326 = arith.mulf %sub3A_260, %sub3A_269 : vector<16xf32>
        %add3A_327 = arith.addf %add3A_325, %mul3A_326 : vector<16xf32>
        %add3A_328 = arith.constant 9.99999971E-10 : f32
        %add3A_329 = vector.broadcast %add3A_328 : f32 to vector<16xf32>
        %add3A_330 = arith.addf %add3A_327, %add3A_329 : vector<16xf32>
        %mul3A_331 = arith.mulf %sub3A_316, %sub3A_263 : vector<16xf32>
        %mul3A_332 = arith.mulf %sub3A_319, %sub3A_266 : vector<16xf32>
        %add3A_333 = arith.addf %mul3A_331, %mul3A_332 : vector<16xf32>
        %mul3A_334 = arith.mulf %sub3A_322, %sub3A_269 : vector<16xf32>
        %add3A_335 = arith.addf %add3A_333, %mul3A_334 : vector<16xf32>
        %mul3A_336 = arith.mulf %add3A_330, %add3A_330 : vector<16xf32>
        %mul3A_337 = arith.mulf %add3A_335, %add3A_335 : vector<16xf32>
        %add3A_338 = arith.addf %mul3A_336, %mul3A_337 : vector<16xf32>
        %max3A = arith.constant 1.000000e-30 : f32
        %max3A_339 = vector.broadcast %max3A : f32 to vector<16xf32>
        %max3A_340 = arith.maximumf %add3A_338, %max3A_339 : vector<16xf32>
        %bitcast_convert_type3A_341 = tpu.bitcast %max3A_340 : vector<16xf32> -> vector<16xi32>
        %shift_right_arithmetic3A_342 = arith.constant 1 : i32
        %shift_right_arithmetic3A_343 = vector.broadcast %shift_right_arithmetic3A_342 : i32 to vector<16xi32>
        %shift_right_arithmetic3A_344 = arith.shrsi %bitcast_convert_type3A_341, %shift_right_arithmetic3A_343 : vector<16xi32>
        %sub3A_345 = arith.constant 1597463007 : i32
        %sub3A_346 = vector.broadcast %sub3A_345 : i32 to vector<16xi32>
        %sub3A_347 = arith.subi %sub3A_346, %shift_right_arithmetic3A_344 : vector<16xi32>
        %bitcast_convert_type3A_348 = tpu.bitcast %sub3A_347 : vector<16xi32> -> vector<16xf32>
        %mul3A_349 = arith.constant 5.000000e-01 : f32
        %mul3A_350 = vector.broadcast %mul3A_349 : f32 to vector<16xf32>
        %mul3A_351 = arith.mulf %mul3A_350, %max3A_340 : vector<16xf32>
        %mul3A_352 = arith.mulf %mul3A_351, %bitcast_convert_type3A_348 : vector<16xf32>
        %mul3A_353 = arith.mulf %mul3A_352, %bitcast_convert_type3A_348 : vector<16xf32>
        %sub3A_354 = arith.constant 1.500000e+00 : f32
        %sub3A_355 = vector.broadcast %sub3A_354 : f32 to vector<16xf32>
        %sub3A_356 = arith.subf %sub3A_355, %mul3A_353 : vector<16xf32>
        %mul3A_357 = arith.mulf %bitcast_convert_type3A_348, %sub3A_356 : vector<16xf32>
        %mul3A_358 = arith.constant 5.000000e-01 : f32
        %mul3A_359 = vector.broadcast %mul3A_358 : f32 to vector<16xf32>
        %mul3A_360 = arith.mulf %mul3A_359, %max3A_340 : vector<16xf32>
        %mul3A_361 = arith.mulf %mul3A_360, %mul3A_357 : vector<16xf32>
        %mul3A_362 = arith.mulf %mul3A_361, %mul3A_357 : vector<16xf32>
        %sub3A_363 = arith.constant 1.500000e+00 : f32
        %sub3A_364 = vector.broadcast %sub3A_363 : f32 to vector<16xf32>
        %sub3A_365 = arith.subf %sub3A_364, %mul3A_362 : vector<16xf32>
        %mul3A_366 = arith.mulf %mul3A_357, %sub3A_365 : vector<16xf32>
        %mul3A_367 = arith.constant 5.000000e-01 : f32
        %mul3A_368 = vector.broadcast %mul3A_367 : f32 to vector<16xf32>
        %mul3A_369 = arith.mulf %mul3A_368, %max3A_340 : vector<16xf32>
        %mul3A_370 = arith.mulf %mul3A_369, %mul3A_366 : vector<16xf32>
        %mul3A_371 = arith.mulf %mul3A_370, %mul3A_366 : vector<16xf32>
        %sub3A_372 = arith.constant 1.500000e+00 : f32
        %sub3A_373 = vector.broadcast %sub3A_372 : f32 to vector<16xf32>
        %sub3A_374 = arith.subf %sub3A_373, %mul3A_371 : vector<16xf32>
        %mul3A_375 = arith.mulf %mul3A_366, %sub3A_374 : vector<16xf32>
        %mul3A_376 = arith.mulf %add3A_330, %mul3A_375 : vector<16xf32>
        %mul3A_377 = arith.mulf %add3A_335, %mul3A_375 : vector<16xf32>
        %broadcast_in_dim3A_378 = arith.constant 0.000000e+00 : f32
        %broadcast_in_dim3A_379 = vector.broadcast %broadcast_in_dim3A_378 : f32 to vector<16xf32>
        %broadcast_in_dim3A_380 = arith.constant 1.000000e+00 : f32
        %broadcast_in_dim3A_381 = vector.broadcast %broadcast_in_dim3A_380 : f32 to vector<16xf32>
        %broadcast_in_dim3A_382 = arith.constant 0.000000e+00 : f32
        %broadcast_in_dim3A_383 = vector.broadcast %broadcast_in_dim3A_382 : f32 to vector<16xf32>
        %add3A_384 = arith.addf %mul3A_376, %mul3A_376 : vector<16xf32>
        %get3A = arith.index_cast %multiple_of3A : i32 to index
        %get3A_385 = tpu.vector_load %arg28[%get3A] {strides = array<i32>} : memref<2560xf32, #tpu.memory_space<vmem>>, vector<16xf32>,
        %abs3A = math.absf %get3A_385 : vector<16xf32>
        %add3A_386 = arith.addf %broadcast_in_dim3A_379, %abs3A : vector<16xf32>
        %mul3A_387 = arith.mulf %get3A_385, %mul3A_376 : vector<16xf32>
        %add3A_388 = arith.addf %add3A_386, %mul3A_387 : vector<16xf32>
        %neg3A = arith.constant 0.000000e+00 : f32
        %neg3A_389 = vector.broadcast %neg3A : f32 to vector<16xf32>
        %neg3A_390 = arith.subf %neg3A_389, %get3A_385 : vector<16xf32>
        %max3A_391 = arith.constant 0.000000e+00 : f32
        %max3A_392 = vector.broadcast %max3A_391 : f32 to vector<16xf32>
        %max3A_393 = arith.maximumf %neg3A_390, %max3A_392 : vector<16xf32>
        %mul3A_394 = arith.constant -8.74227765E-8 : f32
        %mul3A_395 = vector.broadcast %mul3A_394 : f32 to vector<16xf32>
        %mul3A_396 = arith.mulf %mul3A_395, %max3A_393 : vector<16xf32>
        %mul3A_397 = arith.mulf %mul3A_396, %mul3A_377 : vector<16xf32>
        %add3A_398 = arith.addf %add3A_388, %mul3A_397 : vector<16xf32>
        %mul3A_399 = arith.mulf %add3A_384, %mul3A_376 : vector<16xf32>
        %sub3A_400 = arith.subf %mul3A_399, %broadcast_in_dim3A_381 : vector<16xf32>
        %mul3A_401 = arith.mulf %add3A_384, %mul3A_377 : vector<16xf32>
        %sub3A_402 = arith.subf %mul3A_401, %broadcast_in_dim3A_383 : vector<16xf32>
        %get3A_403 = arith.index_cast %multiple_of3A : i32 to index
        %get3A_404 = tpu.vector_load %arg29[%get3A_403] {strides = array<i32>} : memref<2560xf32, #tpu.memory_space<vmem>>, vector<16xf32>,
        %abs3A_405 = math.absf %get3A_404 : vector<16xf32>
        %add3A_406 = arith.addf %add3A_398, %abs3A_405 : vector<16xf32>
        %mul3A_407 = arith.mulf %get3A_404, %sub3A_400 : vector<16xf32>
        %add3A_408 = arith.addf %add3A_406, %mul3A_407 : vector<16xf32>
        %neg3A_409 = arith.constant 0.000000e+00 : f32
        %neg3A_410 = vector.broadcast %neg3A_409 : f32 to vector<16xf32>
        %neg3A_411 = arith.subf %neg3A_410, %get3A_404 : vector<16xf32>
        %max3A_412 = arith.constant 0.000000e+00 : f32
        %max3A_413 = vector.broadcast %max3A_412 : f32 to vector<16xf32>
        %max3A_414 = arith.maximumf %neg3A_411, %max3A_413 : vector<16xf32>
        %mul3A_415 = arith.constant -8.74227765E-8 : f32
        %mul3A_416 = vector.broadcast %mul3A_415 : f32 to vector<16xf32>
        %mul3A_417 = arith.mulf %mul3A_416, %max3A_414 : vector<16xf32>
        %mul3A_418 = arith.mulf %mul3A_417, %sub3A_402 : vector<16xf32>
        %add3A_419 = arith.addf %add3A_408, %mul3A_418 : vector<16xf32>
        %mul3A_420 = arith.mulf %add3A_384, %sub3A_400 : vector<16xf32>
        %sub3A_421 = arith.subf %mul3A_420, %mul3A_376 : vector<16xf32>
        %mul3A_422 = arith.mulf %add3A_384, %sub3A_402 : vector<16xf32>
        %sub3A_423 = arith.subf %mul3A_422, %mul3A_377 : vector<16xf32>
        %get3A_424 = arith.index_cast %multiple_of3A : i32 to index
        %get3A_425 = tpu.vector_load %arg30[%get3A_424] {strides = array<i32>} : memref<2560xf32, #tpu.memory_space<vmem>>, vector<16xf32>,
        %abs3A_426 = math.absf %get3A_425 : vector<16xf32>
        %add3A_427 = arith.addf %add3A_419, %abs3A_426 : vector<16xf32>
        %mul3A_428 = arith.mulf %get3A_425, %sub3A_421 : vector<16xf32>
        %add3A_429 = arith.addf %add3A_427, %mul3A_428 : vector<16xf32>
        %neg3A_430 = arith.constant 0.000000e+00 : f32
        %neg3A_431 = vector.broadcast %neg3A_430 : f32 to vector<16xf32>
        %neg3A_432 = arith.subf %neg3A_431, %get3A_425 : vector<16xf32>
        %max3A_433 = arith.constant 0.000000e+00 : f32
        %max3A_434 = vector.broadcast %max3A_433 : f32 to vector<16xf32>
        %max3A_435 = arith.maximumf %neg3A_432, %max3A_434 : vector<16xf32>
        %mul3A_436 = arith.constant -8.74227765E-8 : f32
        %mul3A_437 = vector.broadcast %mul3A_436 : f32 to vector<16xf32>
        %mul3A_438 = arith.mulf %mul3A_437, %max3A_435 : vector<16xf32>
        %mul3A_439 = arith.mulf %mul3A_438, %sub3A_423 : vector<16xf32>
        %add3A_440 = arith.addf %add3A_429, %mul3A_439 : vector<16xf32>
        %mul3A_441 = arith.mulf %add3A_384, %sub3A_421 : vector<16xf32>
        %sub3A_442 = arith.subf %mul3A_441, %sub3A_400 : vector<16xf32>
        %mul3A_443 = arith.mulf %add3A_384, %sub3A_423 : vector<16xf32>
        %sub3A_444 = arith.subf %mul3A_443, %sub3A_402 : vector<16xf32>
        %get3A_445 = arith.index_cast %multiple_of3A : i32 to index
        %get3A_446 = tpu.vector_load %arg31[%get3A_445] {strides = array<i32>} : memref<2560xf32, #tpu.memory_space<vmem>>, vector<16xf32>,
        %abs3A_447 = math.absf %get3A_446 : vector<16xf32>
        %add3A_448 = arith.addf %add3A_440, %abs3A_447 : vector<16xf32>
        %mul3A_449 = arith.mulf %get3A_446, %sub3A_442 : vector<16xf32>
        %add3A_450 = arith.addf %add3A_448, %mul3A_449 : vector<16xf32>
        %neg3A_451 = arith.constant 0.000000e+00 : f32
        %neg3A_452 = vector.broadcast %neg3A_451 : f32 to vector<16xf32>
        %neg3A_453 = arith.subf %neg3A_452, %get3A_446 : vector<16xf32>
        %max3A_454 = arith.constant 0.000000e+00 : f32
        %max3A_455 = vector.broadcast %max3A_454 : f32 to vector<16xf32>
        %max3A_456 = arith.maximumf %neg3A_453, %max3A_455 : vector<16xf32>
        %mul3A_457 = arith.constant -8.74227765E-8 : f32
        %mul3A_458 = vector.broadcast %mul3A_457 : f32 to vector<16xf32>
        %mul3A_459 = arith.mulf %mul3A_458, %max3A_456 : vector<16xf32>
        %mul3A_460 = arith.mulf %mul3A_459, %sub3A_444 : vector<16xf32>
        %add3A_461 = arith.addf %add3A_450, %mul3A_460 : vector<16xf32>
        %mul3A_462 = arith.mulf %add3A_384, %sub3A_442 : vector<16xf32>
        %sub3A_463 = arith.subf %mul3A_462, %sub3A_421 : vector<16xf32>
        %mul3A_464 = arith.mulf %add3A_384, %sub3A_444 : vector<16xf32>
        %sub3A_465 = arith.subf %mul3A_464, %sub3A_423 : vector<16xf32>
        %get3A_466 = arith.index_cast %multiple_of3A : i32 to index
        %get3A_467 = tpu.vector_load %arg32[%get3A_466] {strides = array<i32>} : memref<2560xf32, #tpu.memory_space<vmem>>, vector<16xf32>,
        %abs3A_468 = math.absf %get3A_467 : vector<16xf32>
        %add3A_469 = arith.addf %add3A_461, %abs3A_468 : vector<16xf32>
        %mul3A_470 = arith.mulf %get3A_467, %sub3A_463 : vector<16xf32>
        %add3A_471 = arith.addf %add3A_469, %mul3A_470 : vector<16xf32>
        %neg3A_472 = arith.constant 0.000000e+00 : f32
        %neg3A_473 = vector.broadcast %neg3A_472 : f32 to vector<16xf32>
        %neg3A_474 = arith.subf %neg3A_473, %get3A_467 : vector<16xf32>
        %max3A_475 = arith.constant 0.000000e+00 : f32
        %max3A_476 = vector.broadcast %max3A_475 : f32 to vector<16xf32>
        %max3A_477 = arith.maximumf %neg3A_474, %max3A_476 : vector<16xf32>
        %mul3A_478 = arith.constant -8.74227765E-8 : f32
        %mul3A_479 = vector.broadcast %mul3A_478 : f32 to vector<16xf32>
        %mul3A_480 = arith.mulf %mul3A_479, %max3A_477 : vector<16xf32>
        %mul3A_481 = arith.mulf %mul3A_480, %sub3A_465 : vector<16xf32>
        %add3A_482 = arith.addf %add3A_471, %mul3A_481 : vector<16xf32>
        %mul3A_483 = arith.mulf %add3A_384, %sub3A_463 : vector<16xf32>
        %sub3A_484 = arith.subf %mul3A_483, %sub3A_442 : vector<16xf32>
        %mul3A_485 = arith.mulf %add3A_384, %sub3A_465 : vector<16xf32>
        %sub3A_486 = arith.subf %mul3A_485, %sub3A_444 : vector<16xf32>
        %get3A_487 = arith.index_cast %multiple_of3A : i32 to index
        %get3A_488 = tpu.vector_load %arg33[%get3A_487] {strides = array<i32>} : memref<2560xf32, #tpu.memory_space<vmem>>, vector<16xf32>,
        %abs3A_489 = math.absf %get3A_488 : vector<16xf32>
        %add3A_490 = arith.addf %add3A_482, %abs3A_489 : vector<16xf32>
        %mul3A_491 = arith.mulf %get3A_488, %sub3A_484 : vector<16xf32>
        %add3A_492 = arith.addf %add3A_490, %mul3A_491 : vector<16xf32>
        %neg3A_493 = arith.constant 0.000000e+00 : f32
        %neg3A_494 = vector.broadcast %neg3A_493 : f32 to vector<16xf32>
        %neg3A_495 = arith.subf %neg3A_494, %get3A_488 : vector<16xf32>
        %max3A_496 = arith.constant 0.000000e+00 : f32
        %max3A_497 = vector.broadcast %max3A_496 : f32 to vector<16xf32>
        %max3A_498 = arith.maximumf %neg3A_495, %max3A_497 : vector<16xf32>
        %mul3A_499 = arith.constant -8.74227765E-8 : f32
        %mul3A_500 = vector.broadcast %mul3A_499 : f32 to vector<16xf32>
        %mul3A_501 = arith.mulf %mul3A_500, %max3A_498 : vector<16xf32>
        %mul3A_502 = arith.mulf %mul3A_501, %sub3A_486 : vector<16xf32>
        %add3A_503 = arith.addf %add3A_492, %mul3A_502 : vector<16xf32>
        %mul3A_504 = arith.mulf %add3A_384, %sub3A_484 : vector<16xf32>
        %sub3A_505 = arith.subf %mul3A_504, %sub3A_463 : vector<16xf32>
        %mul3A_506 = arith.mulf %add3A_384, %sub3A_486 : vector<16xf32>
        %sub3A_507 = arith.subf %mul3A_506, %sub3A_465 : vector<16xf32>
        %get3A_508 = arith.constant 0 : index
        %get3A_509 = tpu.vector_load %arg34[%get3A_508] {strides = array<i32>} : memref<16xf32, #tpu.memory_space<vmem>>, vector<16xf32>,
        %add3A_510 = arith.addf %get3A_509, %add3A_503 : vector<16xf32>
        %swap3A_511 = arith.constant 0 : index
        %swap3A_512 = tpu.vector_load %arg34[%swap3A_511] {strides = array<i32>} : memref<16xf32, #tpu.memory_space<vmem>>, vector<16xf32>,
        tpu.vector_store %arg34[%swap3A_511], %add3A_510 {strides = array<i32>} : memref<16xf32, #tpu.memory_space<vmem>>, vector<16xf32>,
        %scan3A_513 = arith.constant 0 : i32
        scf.yield %scan3A_513 : i32
      }
      %scan3A_200 = arith.constant 160 : i32
      %while3A_201 = arith.constant 0 : i32
      scf.yield %while3A_201 : i32
    }
    "tpu.region"() ({
      %run_scoped3A = tpu.sem_alloc : memref<!tpu.dma_semaphore, #tpu.memory_space<semaphore_mem>>
      %dma_start3A = arith.constant 0 : i32
      %dma_start3A_64 = tpu.memref_slice %arg17[%add3A, %dma_start3A] : memref<32x16xf32, #tpu.memory_space<hbm>> -> memref<1x16xf32, #tpu.memory_space<hbm>>
      %dma_start3A_65 = tpu.memref_squeeze %dma_start3A_64 : memref<1x16xf32, #tpu.memory_space<hbm>> -> memref<16xf32, #tpu.memory_space<hbm>>
      %dma_start3A_66 = arith.constant 0 : i32
      %dma_start3A_67 = tpu.memref_slice %arg17[%add3A, %dma_start3A_66] : memref<32x16xf32, #tpu.memory_space<hbm>> -> memref<1x16xf32, #tpu.memory_space<hbm>>
      %dma_start3A_68 = tpu.memref_squeeze %dma_start3A_67 : memref<1x16xf32, #tpu.memory_space<hbm>> -> memref<16xf32, #tpu.memory_space<hbm>>
      tpu.enqueue_dma source(%arg34 : memref<16xf32, #tpu.memory_space<vmem>>) target(%dma_start3A_68 : memref<16xf32, #tpu.memory_space<hbm>>) target_semaphore(%run_scoped3A : memref<!tpu.dma_semaphore, #tpu.memory_space<semaphore_mem>>)
      %dma_wait3A = arith.constant 0 : i32
      %dma_wait3A_69 = tpu.memref_slice %arg17[%add3A, %dma_wait3A] : memref<32x16xf32, #tpu.memory_space<hbm>> -> memref<1x16xf32, #tpu.memory_space<hbm>>
      %dma_wait3A_70 = tpu.memref_squeeze %dma_wait3A_69 : memref<1x16xf32, #tpu.memory_space<hbm>> -> memref<16xf32, #tpu.memory_space<hbm>>
      %dma_wait3A_71 = arith.constant 0 : i32
      %dma_wait3A_72 = tpu.memref_slice %arg17[%add3A, %dma_wait3A_71] : memref<32x16xf32, #tpu.memory_space<hbm>> -> memref<1x16xf32, #tpu.memory_space<hbm>>
      %dma_wait3A_73 = tpu.memref_squeeze %dma_wait3A_72 : memref<1x16xf32, #tpu.memory_space<hbm>> -> memref<16xf32, #tpu.memory_space<hbm>>
      tpu.wait_dma2 semaphore(%run_scoped3A : memref<!tpu.dma_semaphore, #tpu.memory_space<semaphore_mem>>) src(%arg34 : memref<16xf32, #tpu.memory_space<vmem>>) dst(%dma_wait3A_73 : memref<16xf32, #tpu.memory_space<hbm>>)
      tpu.yield
    }) : () -> ()
    return
  }
}

</mosaic_0001>

<sc_bundles>
// kernel: kernel.3.cloned.1.call-start
scs
__scs_entry_jumppad:
0x0: {  	(pc) =	sbr.rel $0x88, $3  }
0x1: {  	(tag) =	ssettag $0x0;
	lr =	simm.s32 $0x1  }
0x2: {  	[smem:$0x3F98] =	sst lr;
	_ =	strace $0xD0000000  }
0x3: {  	_ = 	snop  }
0x4: {  	_ = 	snop  }
0x5: {  	_ = 	snop  }
0x6: {  	_ = 	snop  }
0x7: {  	_ = 	snop  }
__scs_overlays_trampoline_lowered:
0x8: {  	[smem:$0x3FA7] =	sst s0  }
0x9: {  	[smem:$0x3FA8] =	sst s1  }
0xa: {  	[smem:$0x3FA9] =	sst s2  }
0xb: {  	[smem:$0x3FAA] =	sst s3  }
0xc: {  	[smem:$0x3FAB] =	sst s4  }
0xd: {  	[smem:$0x3FAC] =	sst s5  }
0xe: {  	[smem:$0x3FAD] =	sst s6  }
0xf: {  	[smem:$0x3FAE] =	sst s7  }
0x10: {  	[smem:$0x3FAF] =	sst s8  }
0x11: {  	[smem:$0x3FB0] =	sst s9;
	s0 =	simm.s32 @!p0 $0x0  }
0x12: {  	s1 =	sld [smem:$0x3F96];
	s0 =	simm.s32 @p0 $0x1  }
0x13: {  	[smem:$0x3FB1] =	sst s0;
	s0 =	simm.s32 @!p1 $0x0  }
0x14: {  	s2 =	sld [smem:$0x3F95];
	s0 =	simm.s32 @p1 $0x1  }
0x15: {  	[smem:$0x3FB2] =	sst s0;
	s0 =	simm.s32 @!p2 $0x0  }
0x16: {  	s3 =	sld [smem:$0x3FDB];
	s0 =	simm.s32 @p2 $0x1  }
0x17: {  	s4 =	simm.s32 $0x1BF5;
	[smem:$0x3FB4] =	sst s0  }
0x18: {  	s0 =	sld [smem:$0x3F97];
	_ =	swait.ge [sflag:s4], $0x0  }
0x19: {  	s7 =	sld [smem:$0x3F98]  }
0x1a: {  	s8 =	sadd.s32 $0xFFFFE003, lr  }
0x1b: {  	s9 =	sadd.s32 $0xFFFFFEF7, lr;
	s5 =	simm.s32 $0xFFFFFFFF;
	p2 =	slt.u32 s8, $0xFFFFF086  }
0x1c: {  	p1 =	slt.u32 s9, $0xF7A;
	s5 =	simm.s32 @!p2 $0x0  }
0x1d: {  	s5 =	simm.s32 @p1 $0x1;
	p0 =	seq.s32 s7, s2  }
0x1e: {  	s7 =	smul.u32 @!p0 $0xF7A, s2;
	p2 =	seq.s32 @!p0 s5, $0x0  }
0x1f: {  	s9 =	smul.u32 $0xF7A, s1;
	s8 =	simm.s32 @!p0 $0x1BF5;
	p2 =	por !p2, p0  }
0x20: {  	[sflag:s8] =	ssyncset.s32 @!p0 $0xFFFFF086;
	s6 =	sadd.s32 @!p0 s3, s7;
	s7 =	simm.s32 @!p0 $0x108  }
0x21: {  	s3 =	sadd.s32 s3, s9;
	s6 =	sadd.s32 @!p0 $0x88, s6;
	s7 =	simm.s32 @p2 $0x1082  }
0x22: {  	[simem:s7], [sflag:s8] =	dma.local @!p0 [hbm:s6], $0xF7A  }
0x23: {  	s9 =	sor.u32 $0xD0000000, s2;
	s6 =	simm.s32 $0x108;
	_ =	swait.ge @!p0 [sflag:s8], $0x0  }
0x24: {  	s3 =	sadd.s32 $0x88, s3;
	s6 =	simm.s32 @!p1 $0x1082;
	[sflag:s4] =	ssyncset.s32 $0xFFFFF086  }
0x25: {  	[simem:s6], [sflag:s4] =	dma.local [hbm:s3], $0xF7A  }
0x26: {  	[smem:$0x3F98] =	sst s1;
	(tag) =	ssettag s2;
	_ =	strace s9  }
0x27: {  	s1 =	sld [smem:$0x3FA8]  }
0x28: {  	s2 =	sld [smem:$0x3FA9]  }
0x29: {  	s4 =	sld [smem:$0x3FAB]  }
0x2a: {  	p0 =	seq.s32 s5, $0x0;
	s5 =	sld [smem:$0x3FAC]  }
0x2b: {  	s6 =	sld [smem:$0x3FAD]  }
0x2c: {  	s7 =	sld [smem:$0x3FAE]  }
0x2d: {  	s3 =	simm.s32 $0x108;
	s8 =	sld [smem:$0x3FAF]  }
0x2e: {  	s3 =	simm.s32 @!p0 $0x1082;
	s9 =	sld [smem:$0x3FB0]  }
0x2f: {  	lr =	sadd.s32 s0, s3;
	s0 =	sld [smem:$0x3FA7]  }
0x30: {  	s3 =	sld [smem:$0x3FAA]  }
0x31: {  	[smem:$0x3FB3] =	sst s10  }
0x32: {  	s10 =	sld [smem:$0x3FB1];
	_ =	sdelay $0x3  }
0x33: {  	p0 =	seq.s32 s10, $0x1;
	s10 =	sld [smem:$0x3FB3];
	_ =	sdelay $0x3  }
0x34: {  	[smem:$0x3FB3] =	sst s10  }
0x35: {  	s10 =	sld [smem:$0x3FB2];
	_ =	sdelay $0x3  }
0x36: {  	p1 =	seq.s32 s10, $0x1;
	s10 =	sld [smem:$0x3FB3];
	_ =	sdelay $0x3  }
0x37: {  	[smem:$0x3FB3] =	sst s10  }
0x38: {  	s10 =	sld [smem:$0x3FB4]  }
0x39: {  	_ = 	snop;
	(pc) =	sbr.ind lr, $3  }
0x3a: {  	_ = 	snop  }
0x3b: {  	_ = 	snop  }
0x3c: {  	p2 =	seq.s32 s10, $0x1;
	s10 =	sld [smem:$0x3FB3]  }
0x3d: {  	_ =	shalt  }
0x3e: {  	_ =	shalt  }
0x3f: {  	_ =	shalt  }
0x40: {  	_ =	shalt  }
0x41: {  	_ =	shalt  }
0x42: {  	_ =	shalt  }
0x43: {  	_ =	shalt  }
0x44: {  	_ =	shalt  }
0x45: {  	_ =	shalt  }
0x46: {  	_ =	shalt  }
0x47: {  	_ =	shalt  }
0x48: {  	_ =	shalt  }
0x49: {  	_ =	shalt  }
0x4a: {  	_ =	shalt  }
0x4b: {  	_ =	shalt  }
0x4c: {  	_ =	shalt  }
0x4d: {  	_ =	shalt  }
0x4e: {  	_ =	shalt  }
0x4f: {  	_ =	shalt  }
0x50: {  	_ =	shalt  }
0x51: {  	_ =	shalt  }
0x52: {  	_ =	shalt  }
0x53: {  	_ =	shalt  }
0x54: {  	_ =	shalt  }
0x55: {  	_ =	shalt  }
0x56: {  	_ =	shalt  }
0x57: {  	_ =	shalt  }
0x58: {  	_ =	shalt  }
0x59: {  	_ =	shalt  }
0x5a: {  	_ =	shalt  }
0x5b: {  	_ =	shalt  }
0x5c: {  	_ =	shalt  }
0x5d: {  	_ =	shalt  }
0x5e: {  	_ =	shalt  }
0x5f: {  	_ =	shalt  }
0x60: {  	_ =	shalt  }
0x61: {  	_ =	shalt  }
0x62: {  	_ =	shalt  }
0x63: {  	_ =	shalt  }
0x64: {  	_ =	shalt  }
0x65: {  	_ =	shalt  }
0x66: {  	_ =	shalt  }
0x67: {  	_ =	shalt  }
0x68: {  	_ =	shalt  }
0x69: {  	_ =	shalt  }
0x6a: {  	_ =	shalt  }
0x6b: {  	_ =	shalt  }
0x6c: {  	_ =	shalt  }
0x6d: {  	_ =	shalt  }
0x6e: {  	_ =	shalt  }
0x6f: {  	_ =	shalt  }
0x70: {  	_ =	shalt  }
0x71: {  	_ =	shalt  }
0x72: {  	_ =	shalt  }
0x73: {  	_ =	shalt  }
0x74: {  	_ =	shalt  }
0x75: {  	_ =	shalt  }
0x76: {  	_ =	shalt  }
0x77: {  	_ =	shalt  }
0x78: {  	_ =	shalt  }
0x79: {  	_ =	shalt  }
0x7a: {  	_ =	shalt  }
0x7b: {  	_ =	shalt  }
0x7c: {  	_ =	shalt  }
0x7d: {  	_ =	shalt  }
0x7e: {  	_ =	shalt  }
0x7f: {  	_ =	shalt  }
0x80: {  	_ =	shalt  }
0x81: {  	_ =	shalt  }
0x82: {  	_ =	shalt  }
0x83: {  	_ =	shalt  }
0x84: {  	_ =	shalt  }
0x85: {  	_ =	shalt  }
0x86: {  	_ =	shalt  }
0x87: {  	_ =	shalt  }
.Lfunc_end0:
.L_simem_size_0:
called_computation_lowered:
.L_overlay_start_0:
0x88: {  	s2 =	sld [smem:$0x3FD9]  }
0x89: {  	s3 =	sld [smem:$0x3FFE];
	_ =	sdelay $0x1  }
0x8a: {  	s1 =	srdreg.scid  }
0x8b: {  	s0 =	sand.u32 $0x1, s1  }
0x8c: {  	s17 =	sshll.u32 s0, $0xA;
	s2 =	sadd.s32 s3, s2  }
0x8d: {  	s2 =	sadd.s32 s2, s17  }
0x8e: {  	[smem:$0x3FBF] =	sst s2  }
0x8f: {  	_ = 	snop  }
0x90: {  	s2 =	sld [smem:$0x3FC5]  }
0x91: {  	s18 =	sld [smem:$0x3FC4]  }
0x92: {  	s4 =	sld [smem:$0x3FC3]  }
0x93: {  	s5 =	sld [smem:$0x3FC2];
	(tm) =	ssettm $0x1  }
0x94: {  	s6 =	sld [smem:$0x3FFB];
	_ =	sdelay $0x3  }
0x95: {  	_ =	strace s6  }
0x96: {  	s6 =	sld [smem:$0x3FFC];
	_ =	sdelay $0x3  }
0x97: {  	_ =	strace s6  }
0x98: {  	s6 =	sld [smem:$0x3FFD];
	_ =	sdelay $0x3  }
0x99: {  	_ =	strace s6  }
0x9a: {  	_ =	strace $0x8FFFFFFF  }
0x9b: {  	s19 =	sld [smem:$0x3FDB];
	_ =	sdelay $0x1  }
0x9c: {  	s7 =	simm.s32 $_scs_section_size  }
0x9d: {  	s8 =	simm.s32 $_size__tile_overlayer_lowered;
	s9 =	simm.s32 $_tile_overlayer_lowered  }
0x9e: {  	s22 =	simm.s32 $0x1BFF;
	s21 =	sshll.u32 s9, $0x1;
	s6 =	sadd.s32 s7, s19  }
0x9f: {  	s10 =	simm.s32 $0x0;
	s20 =	sshll.u32 s8, $0x1;
	s8 =	sadd.s32 s21, s6  }
0xa0: {  	[timem:s10], [sflag:s22] =	dma.local [hbm:s8], s20  }
0xa1: {  	_ =	swait.ge [sflag:s22], s20  }
0xa2: {  	s7 =	ssub.s32 $0x0, s20;
	[sflag:s22] =	ssyncset.done $0x0  }
0xa3: {  	[sflag:s22] =	ssyncadd.s32 s7;
	_ =	sdelay $0x1  }
0xa4: {  	s23 =	simm.s32 $0x1B8B  }
0xa5: {  	_ =	swait.ge [sflag:s23], $0x1  }
0xa6: {  	[sflag:s23] =	ssyncset.done $0x0  }
0xa7: {  	s25 =	simm.s32 $0x1B8E;
	s24 =	sld [smem:$0x3FFE];
	[sflag:s23] =	ssyncadd.s32 $0xFFFFFFFF  }
0xa8: {  	s26 =	simm.s32 $execute0_lowered;
	[smem:$0x3FD2] =	sst s25  }
0xa9: {  	s8 =	sshll.u32 s26, $0x1;
	_ =	strace $0x80000046;
	[dreg:$0x1] =	wrdreg $0xFFFFFFFF  }
0xaa: {  	s28 =	simm.s32 $_size_execute0_lowered;
	s6 =	sadd.s32 s6, s8;
	[dreg:$0x0] =	wrdreg $0x0  }
0xab: {  	s8 =	sshll.u32 s28, $0x1;
	[dreg:$0x2] =	wrdreg s6  }
0xac: {  	[dreg:$0x3] =	wrdreg s8  }
0xad: {  	[dreg:$0x4] =	wrdreg $0xC0  }
0xae: {  	_ =	task [dreg:s10], $0x5FFFF  }
0xaf: {  	[dreg:$0x1] =	wrdreg $0xFFFFFFFF  }
0xb0: {  	[dreg:$0x0] =	wrdreg $0x60  }
0xb1: {  	[dreg:$0x2] =	wrdreg s24  }
0xb2: {  	[dreg:$0x3] =	wrdreg s2  }
0xb3: {  	[dreg:$0x4] =	wrdreg s18  }
0xb4: {  	[dreg:$0x5] =	wrdreg s4  }
0xb5: {  	[dreg:$0x6] =	wrdreg s5  }
0xb6: {  	[dreg:$0x7] =	wrdreg $0x9  }
0xb7: {  	_ =	task.clear_ibuf [dreg:s10], $0x8FFFF;
	_ =	strace $0x90000046  }
0xb8: {  	s29 =	simm.s32 $0x9;
	_ =	strace $0x80000048  }
0xb9: {  	_ =	swait.ge [sflag:s29], $0x1  }
0xba: {  	[sflag:s29] =	ssyncadd.s32 $0xFFFFFFFF  }
0xbb: {  	_ =	strace $0x90000048  }
0xbc: {  	_ =	sfence  }
0xbd: {  	s30 =	sld [smem:$0x0];
	_ =	sdelay $0x2  }
0xbe: {  	s31 =	sshll.u32 s1, $0xD;
	s1 =	sshrl.u32 s1, $0x2  }
0xbf: {  	s3 =	sand.u32 $0x4000, s31;
	s1 =	sadd.s32 s1, s30  }
0xc0: {  	s0 =	sor.u32 s3, s0;
	s1 =	sshll.u32 s1, $0x11  }
0xc1: {  	s0 =	sor.u32 s1, s0  }
0xc2: {  	s0 =	sadd.s32 $0x8F2B, s0  }
0xc3: {  	[sflag:s0] =	ssyncadd.remote.s32 $0x1  }
0xc4: {  	_ =	sfence.sel $0xFFFF  }
0xc5: {  	[dreg:$0x0] =	wrdreg $0xFFFFFFFF;
	(pc) =	sbr.abs _section_cstart, $3  }
0xc6: {  	[dreg:$0x1] =	wrdreg $0xFFFFFFFF  }
0xc7: {  	_ =	task.clear_ibuf [dreg:s10], $0x2FFFF;
	_ =	strace $0x9FFFFFFF  }
0xc8: {  	(tm) =	ssettm $0x7FFFFFFF  }
0xc9: {  	_ =	shalt  }
tec
execute0_lowered:
.L_overlay_start_1:
0x0: {  	(tag) =	ssettag $0x1  }
0x1: {  	s3 =	rddreg [dreg:$0x0]  }
0x2: {  	s12 =	rddreg [dreg:$0x1]  }
0x3: {  	s13 =	rddreg [dreg:$0x2]  }
0x4: {  	s15 =	rddreg [dreg:$0x3]  }
0x5: {  	s16 =	rddreg [dreg:$0x4]  }
0x6: {  	s0 =	simm.s32 $0x0;
	s20 =	srdreg.scid;
	s1 =	stileid.u32  }
0x7: {  	s28 =	simm.s32 $0xA00;
	s29 =	simm.s32 $0x16800;
	s30 =	simm.s32 $0x17200  }
0x8: {  	s31 =	simm.s32 $0x1;
	s6 =	simm.s32 $0x3;
	s5 =	simm.s32 $0x11800  }
0x9: {  	s7 =	simm.s32 $0x0;
	[smem:$0x7FF] =	sst s0;
	s10 =	sadd.s32 $0x13D800, s3  }
0xa: {  	s11 =	sadd.s32 $0x201000, s3;
	_ =	strace $0x80000047;
	[dreg:$0x7] =	wrdreg s10  }
0xb: {  	s14 =	sadd.s32 $0x16E600, s3;
	s17 =	sadd.s32 $0x1D0200, s3;
	[dreg:$0x8] =	wrdreg s11  }
0xc: {  	s8 =	sadd.s32 $0x125000, s3;
	s18 =	sadd.s32 $0x19F400, s3;
	[dreg:$0x9] =	wrdreg s17  }
0xd: {  	s19 =	sadd.s32 $0x2C4800, s3;
	s2 =	sadd.s32 $0x293A00, s3;
	[dreg:$0xa] =	wrdreg s18  }
0xe: {  	s0 =	sand.u32 $0x1, s20;
	s1 =	sshll.u32 s1, $0x1;
	[dreg:$0xb] =	wrdreg s19  }
0xf: {  	s21 =	sadd.s32 $0x262C00, s3;
	s22 =	sadd.s32 $0x231E00, s3;
	[dreg:$0xc] =	wrdreg s2  }
0x10: {  	s25 =	sadd.s32 $0x30D40, s3;
	s20 =	sadd.s32 $0x61A80, s3;
	[dreg:$0xd] =	wrdreg s21  }
0x11: {  	s17 =	sor.u32 s0, s1;
	s0 =	ssub.s32 $0x2, s0;
	[dreg:$0xe] =	wrdreg s22  }
0x12: {  	[dreg:$0xf] =	wrdreg s25;
	s21 =	sadd.s32 $0x927C0, s3;
	s22 =	sadd.s32 $0xC3500, s3  }
0x13: {  	s11 =	simm.s32 $0x2;
	s25 =	simm.s32 $0x7800;
	s2 =	simm.s32 $0x1400  }
0x14: {  	[dreg:$0x6] =	wrdreg s14;
	s23 =	sshll.u32 s17, $0x1;
	s24 =	sshrl.u32 s0, $0x1  }
0x15: {  	s26 =	ssub.s32 $0x290, s17;
	s1 =	sadd.s32 s23, s3;
	s0 =	ssub.s32 s0, s24  }
0x16: {  	s24 =	sshrl.u32 s26, $0x5;
	s26 =	sadd.s32 $0xF4240, s3;
	s1 =	sadd.s32 $0x2F5600, s1  }
0x17: {  	v1 =	vlaneseq.u32;
	s23 =	simm.s32 $0x2800;
	s0 =	smax.u32 s0, $0x1;
	[dreg:$0x10] =	wrdreg s1  }
0x18: {  	v0 =	vimm.f32 $0.0e+00;
	v1 =	vmul.u32 $0x8, v1;
	s3 =	simm.s32 $0xC800;
	[dreg:$0x11] =	wrdreg s0;
	s0 =	simm.s32 $0x80  }
.LBB2_1:
0x19: {  	[dreg:$0x12] =	wrdreg s7;
	[tilespmem:$0x1B800] =	vst v0;
	s1 =	simm.s32 $0x0  }
.LBB2_2:
0x1a: {  	s4 =	sshll.u32 s1, $0x5  }
0x1b: {  	s4 =	sor.u32 s17, s4  }
0x1c: {  	s4 =	smul.u32 $0xA00, s4;
	_ =	sdelay $0x1  }
0x1d: {  	s4 =	sshrl.u32 s4, $0x3  }
0x1e: {  	s9 =	simm.s32 $0x0;
	s18 =	rddreg [dreg:$0x7];
	s7 =	sadd.s32 s14, s4  }
0x1f: {  	[tilespmem:s9], [sflag:$0x1] =	stream.linear.gather [hbm4b:s7+s9], $0xA00, $0x38;
	[tilespmem:$0x1B810] =	vst v63  }
0x20: {  	s7 =	sadd.s32 s18, s4  }
0x21: {  	[tilespmem:s28], [sflag:$0x1] =	stream.linear.gather [hbm4b:s7+s9], $0xA00, $0x38;
	[tilespmem:$0x1B810] =	vst v63  }
0x22: {  	s19 =	sadd.s32 s12, s4  }
0x23: {  	[tilespmem:s29], [sflag:$0x2] =	stream.linear.gather [hbm4b:s19+s9], $0xA00, $0x38;
	[tilespmem:$0x1B810] =	vst v63  }
0x24: {  	s4 =	sadd.s32 s13, s4  }
0x25: {  	[tilespmem:s30], [sflag:$0x2] =	stream.linear.gather [hbm4b:s4+s9], $0xA00, $0x38;
	[tilespmem:$0x1B810] =	vst v63  }
0x26: {  	_ =	swait.ge [sflag:s31], $0xA00  }
0x27: {  	[sflag:s31] =	ssyncset.done $0x0  }
0x28: {  	[sflag:s31] =	ssyncadd.s32 $0xFFFFF600  }
0x29: {  	_ =	swait.ge [sflag:s31], $0xA00  }
0x2a: {  	s10 =	simm.s32 $0x2800;
	[sflag:s31] =	ssyncset.done $0x0  }
0x2b: {  	s18 =	simm.s32 $0x0;
	s7 =	simm.s32 $0x200;
	[sflag:s31] =	ssyncadd.s32 $0xFFFFF600  }
0x2c: {  	[tilespmem:s10], [sflag:$0x3] =	stream.indirect.gather [hbm4b:s8+s0], $0x4, s18, s0, $0xb8;
	[tilespmem:$0x1B810] =	vst v63  }
0x2d: {  	s19 =	simm.s32 $0xA00;
	s4 =	simm.s32 $0x7800;
	s9 =	simm.s32 $0x2C00  }
0x2e: {  	[tilespmem:s4], [sflag:$0x3] =	stream.indirect.gather [hbm4b:s8+s0], $0x4, s19, s0, $0xb8;
	[tilespmem:$0x1B810] =	vst v63  }
.LBB2_3:
0x2f: {  	s10 =	sshra.s32 s7, $0x2;
	p0 =	sne.s32 s7, $0x2600;
	s7 =	sadd.s32 $0x200, s7  }
0x30: {  	[tilespmem:s9], [sflag:$0x3] =	stream.indirect.gather [hbm4b:s8+s0], $0x4, s10, s0, $0xb8;
	[tilespmem:$0x1B810] =	vst v63  }
.Ltmp0:
0x31: {  	_ = 	snop;
	(pc) =	sbr.rel @p0 .LBB2_3-.Ltmp0, $4  }
0x32: {  	s4 =	sadd.s32 $0x400, s4;
	s10 =	sadd.s32 $0xA00, s10  }
0x33: {  	[tilespmem:s4], [sflag:$0x3] =	stream.indirect.gather [hbm4b:s8+s0], $0x4, s10, s0, $0xb8;
	[tilespmem:$0x1B810] =	vst v63  }
0x34: {  	_ = 	snop  }
0x35: {  	s9 =	sadd.s32 $0x400, s9  }
0x36: {  	_ =	swait.ge [sflag:s11], $0xA00  }
0x37: {  	[sflag:s11] =	ssyncset.done $0x0  }
0x38: {  	[sflag:s11] =	ssyncadd.s32 $0xFFFFF600  }
0x39: {  	_ =	swait.ge [sflag:s11], $0xA00  }
0x3a: {  	[sflag:s11] =	ssyncset.done $0x0  }
0x3b: {  	[sflag:s11] =	ssyncadd.s32 $0xFFFFF600  }
0x3c: {  	_ =	swait.ge [sflag:s6], $0x200  }
0x3d: {  	[sflag:s6] =	ssyncset.done $0x0  }
0x3e: {  	[sflag:s6] =	ssyncadd.s32 $0xFFFFFE00  }
0x3f: {  	_ =	swait.ge [sflag:s6], $0x200  }
0x40: {  	[sflag:s6] =	ssyncset.done $0x0  }
0x41: {  	[sflag:s6] =	ssyncadd.s32 $0xFFFFFE00  }
0x42: {  	_ =	swait.ge [sflag:s6], $0x200  }
0x43: {  	[sflag:s6] =	ssyncset.done $0x0  }
0x44: {  	[sflag:s6] =	ssyncadd.s32 $0xFFFFFE00  }
0x45: {  	_ =	swait.ge [sflag:s6], $0x200  }
0x46: {  	[sflag:s6] =	ssyncset.done $0x0  }
0x47: {  	[sflag:s6] =	ssyncadd.s32 $0xFFFFFE00  }
0x48: {  	_ =	swait.ge [sflag:s6], $0x200  }
0x49: {  	[sflag:s6] =	ssyncset.done $0x0  }
0x4a: {  	[sflag:s6] =	ssyncadd.s32 $0xFFFFFE00  }
0x4b: {  	_ =	swait.ge [sflag:s6], $0x200  }
0x4c: {  	[sflag:s6] =	ssyncset.done $0x0  }
0x4d: {  	[sflag:s6] =	ssyncadd.s32 $0xFFFFFE00  }
0x4e: {  	_ =	swait.ge [sflag:s6], $0x200  }
0x4f: {  	[sflag:s6] =	ssyncset.done $0x0  }
0x50: {  	[sflag:s6] =	ssyncadd.s32 $0xFFFFFE00  }
0x51: {  	_ =	swait.ge [sflag:s6], $0x200  }
0x52: {  	[sflag:s6] =	ssyncset.done $0x0  }
0x53: {  	[sflag:s6] =	ssyncadd.s32 $0xFFFFFE00  }
0x54: {  	_ =	swait.ge [sflag:s6], $0x200  }
0x55: {  	[sflag:s6] =	ssyncset.done $0x0  }
0x56: {  	[sflag:s6] =	ssyncadd.s32 $0xFFFFFE00  }
0x57: {  	_ =	swait.ge [sflag:s6], $0x200  }
0x58: {  	[sflag:s6] =	ssyncset.done $0x0  }
0x59: {  	[sflag:s6] =	ssyncadd.s32 $0xFFFFFE00  }
0x5a: {  	_ =	swait.ge [sflag:s6], $0x200  }
0x5b: {  	[sflag:s6] =	ssyncset.done $0x0  }
0x5c: {  	[sflag:s6] =	ssyncadd.s32 $0xFFFFFE00  }
0x5d: {  	_ =	swait.ge [sflag:s6], $0x200  }
0x5e: {  	[sflag:s6] =	ssyncset.done $0x0  }
0x5f: {  	[sflag:s6] =	ssyncadd.s32 $0xFFFFFE00  }
0x60: {  	_ =	swait.ge [sflag:s6], $0x200  }
0x61: {  	[sflag:s6] =	ssyncset.done $0x0  }
0x62: {  	[sflag:s6] =	ssyncadd.s32 $0xFFFFFE00  }
0x63: {  	_ =	swait.ge [sflag:s6], $0x200  }
0x64: {  	[sflag:s6] =	ssyncset.done $0x0  }
0x65: {  	[sflag:s6] =	ssyncadd.s32 $0xFFFFFE00  }
0x66: {  	_ =	swait.ge [sflag:s6], $0x200  }
0x67: {  	[sflag:s6] =	ssyncset.done $0x0  }
0x68: {  	[sflag:s6] =	ssyncadd.s32 $0xFFFFFE00  }
0x69: {  	_ =	swait.ge [sflag:s6], $0x200  }
0x6a: {  	[sflag:s6] =	ssyncset.done $0x0  }
0x6b: {  	[sflag:s6] =	ssyncadd.s32 $0xFFFFFE00  }
0x6c: {  	_ =	swait.ge [sflag:s6], $0x200  }
0x6d: {  	[sflag:s6] =	ssyncset.done $0x0  }
0x6e: {  	[sflag:s6] =	ssyncadd.s32 $0xFFFFFE00  }
0x6f: {  	_ =	swait.ge [sflag:s6], $0x200  }
0x70: {  	[sflag:s6] =	ssyncset.done $0x0  }
0x71: {  	[sflag:s6] =	ssyncadd.s32 $0xFFFFFE00  }
0x72: {  	_ =	swait.ge [sflag:s6], $0x200  }
0x73: {  	[sflag:s6] =	ssyncset.done $0x0  }
0x74: {  	[sflag:s6] =	ssyncadd.s32 $0xFFFFFE00  }
0x75: {  	_ =	swait.ge [sflag:s6], $0x200  }
0x76: {  	[sflag:s6] =	ssyncset.done $0x0  }
0x77: {  	[sflag:s6] =	ssyncadd.s32 $0xFFFFFE00  }
0x78: {  	_ =	swait.ge [sflag:s6], $0x200  }
0x79: {  	[sflag:s6] =	ssyncset.done $0x0  }
0x7a: {  	[sflag:s6] =	ssyncadd.s32 $0xFFFFFE00  }
0x7b: {  	_ =	swait.ge [sflag:s6], $0x200  }
0x7c: {  	[sflag:s6] =	ssyncset.done $0x0  }
0x7d: {  	[sflag:s6] =	ssyncadd.s32 $0xFFFFFE00  }
0x7e: {  	_ =	swait.ge [sflag:s6], $0x200  }
0x7f: {  	[sflag:s6] =	ssyncset.done $0x0  }
0x80: {  	[sflag:s6] =	ssyncadd.s32 $0xFFFFFE00  }
0x81: {  	_ =	swait.ge [sflag:s6], $0x200  }
0x82: {  	[sflag:s6] =	ssyncset.done $0x0  }
0x83: {  	[sflag:s6] =	ssyncadd.s32 $0xFFFFFE00  }
0x84: {  	_ =	swait.ge [sflag:s6], $0x200  }
0x85: {  	[sflag:s6] =	ssyncset.done $0x0  }
0x86: {  	[sflag:s6] =	ssyncadd.s32 $0xFFFFFE00  }
0x87: {  	_ =	swait.ge [sflag:s6], $0x200  }
0x88: {  	[sflag:s6] =	ssyncset.done $0x0  }
0x89: {  	[sflag:s6] =	ssyncadd.s32 $0xFFFFFE00  }
0x8a: {  	_ =	swait.ge [sflag:s6], $0x200  }
0x8b: {  	[sflag:s6] =	ssyncset.done $0x0  }
0x8c: {  	[sflag:s6] =	ssyncadd.s32 $0xFFFFFE00  }
0x8d: {  	_ =	swait.ge [sflag:s6], $0x200  }
0x8e: {  	[sflag:s6] =	ssyncset.done $0x0  }
0x8f: {  	[sflag:s6] =	ssyncadd.s32 $0xFFFFFE00  }
0x90: {  	_ =	swait.ge [sflag:s6], $0x200  }
0x91: {  	[sflag:s6] =	ssyncset.done $0x0  }
0x92: {  	[sflag:s6] =	ssyncadd.s32 $0xFFFFFE00  }
0x93: {  	_ =	swait.ge [sflag:s6], $0x200  }
0x94: {  	[sflag:s6] =	ssyncset.done $0x0  }
0x95: {  	[sflag:s6] =	ssyncadd.s32 $0xFFFFFE00  }
0x96: {  	_ =	swait.ge [sflag:s6], $0x200  }
0x97: {  	[sflag:s6] =	ssyncset.done $0x0  }
0x98: {  	[sflag:s6] =	ssyncadd.s32 $0xFFFFFE00  }
0x99: {  	_ =	swait.ge [sflag:s6], $0x200  }
0x9a: {  	[sflag:s6] =	ssyncset.done $0x0  }
0x9b: {  	[sflag:s6] =	ssyncadd.s32 $0xFFFFFE00  }
0x9c: {  	_ =	swait.ge [sflag:s6], $0x200  }
0x9d: {  	[sflag:s6] =	ssyncset.done $0x0  }
0x9e: {  	[sflag:s6] =	ssyncadd.s32 $0xFFFFFE00  }
0x9f: {  	_ =	swait.ge [sflag:s6], $0x200  }
0xa0: {  	[sflag:s6] =	ssyncset.done $0x0  }
0xa1: {  	[sflag:s6] =	ssyncadd.s32 $0xFFFFFE00  }
0xa2: {  	_ =	swait.ge [sflag:s6], $0x200  }
0xa3: {  	[sflag:s6] =	ssyncset.done $0x0  }
0xa4: {  	[sflag:s6] =	ssyncadd.s32 $0xFFFFFE00  }
0xa5: {  	_ =	swait.ge [sflag:s6], $0x200  }
0xa6: {  	[sflag:s6] =	ssyncset.done $0x0  }
0xa7: {  	[sflag:s6] =	ssyncadd.s32 $0xFFFFFE00  }
0xa8: {  	_ =	swait.ge [sflag:s6], $0x200  }
0xa9: {  	[sflag:s6] =	ssyncset.done $0x0  }
0xaa: {  	[sflag:s6] =	ssyncadd.s32 $0xFFFFFE00  }
0xab: {  	s4 =	simm.s32 $0x0;
	_ =	swait.ge [sflag:s6], $0x200  }
0xac: {  	v2 =	vmov s4;
	[sflag:s6] =	ssyncset.done $0x0  }
0xad: {  	v2 =	vshll.u32 v2, $0x3;
	[sflag:s6] =	ssyncadd.s32 $0xFFFFFE00  }
0xae: {  	v2 =	vor.u32 v1, v2;
	_ =	swait.ge [sflag:s6], $0x200  }
0xaf: {  	v3 =	vor.u32 $0x1, v2;
	[sflag:s6] =	ssyncset.done $0x0  }
0xb0: {  	[sflag:s6] =	ssyncadd.s32 $0xFFFFFE00  }
0xb1: {  	_ =	swait.ge [sflag:s6], $0x200  }
0xb2: {  	[sflag:s6] =	ssyncset.done $0x0  }
0xb3: {  	v4 =	vor.u32 $0x2, v2;
	[sflag:s6] =	ssyncadd.s32 $0xFFFFFE00  }
0xb4: {  	v5 =	vld.idx.msk [tilespmem:v3+s25+$0x0], $0xffff  }
0xb5: {  	v3 =	vld.idx.msk [tilespmem:v3+s23+$0x0], $0xffff  }
0xb6: {  	v6 =	vld.idx.msk [tilespmem:v2+s25+$0x0], $0xffff  }
0xb7: {  	v2 =	vld.idx.msk [tilespmem:v2+s23+$0x0], $0xffff  }
0xb8: {  	v7 =	vld.idx.msk [tilespmem:v4+s25+$0x0], $0xffff  }
0xb9: {  	v4 =	vld.idx.msk [tilespmem:v4+s23+$0x0], $0xffff;
	_ =	sdelay $0x2  }
0xba: {  	v2 =	vsub.f32 v2, v6;
	v3 =	vsub.f32 v3, v5;
	_ =	sdelay $0x1  }
0xbb: {  	v4 =	vsub.f32 v4, v7;
	v2 =	vmul.f32 v2, v2;
	v3 =	vmul.f32 v3, v3;
	_ =	sdelay $0x1  }
0xbc: {  	v2 =	vadd.f32 v3, v2;
	v3 =	vmul.f32 v4, v4;
	_ =	sdelay $0x1  }
0xbd: {  	v2 =	vadd.f32 v3, v2;
	_ =	sdelay $0x1  }
0xbe: {  	v2 =	vadd.f32 $9.999999960e-13, v2;
	_ =	sdelay $0x1  }
0xbf: {  	v3 =	vshra.s32 v2, $0x1;
	v4 =	vmul.f32 $5.000000000e-01, v2  }
0xc0: {  	v3 =	vsub.s32 $0x5F3759DF, v3  }
0xc1: {  	v5 =	vmul.f32 v3, v4;
	_ =	sdelay $0x1  }
0xc2: {  	v5 =	vmul.f32 v3, v5;
	_ =	sdelay $0x1  }
0xc3: {  	v5 =	vsub.f32 $1.500000000e+00, v5;
	_ =	sdelay $0x1  }
0xc4: {  	v3 =	vmul.f32 v3, v5;
	_ =	sdelay $0x1  }
0xc5: {  	v5 =	vmul.f32 v3, v4;
	_ =	sdelay $0x1  }
0xc6: {  	v5 =	vmul.f32 v5, v3;
	_ =	sdelay $0x1  }
0xc7: {  	v5 =	vsub.f32 $1.500000000e+00, v5;
	_ =	sdelay $0x1  }
0xc8: {  	v3 =	vmul.f32 v5, v3;
	_ =	sdelay $0x1  }
0xc9: {  	v4 =	vmul.f32 v3, v4;
	_ =	sdelay $0x1  }
0xca: {  	v4 =	vmul.f32 v4, v3  }
0xcb: {  	s4 =	simm.s32 $0x16800  }
0xcc: {  	s7 =	simm.s32 $0x17200;
	v6 =	vld [tilespmem:s4+$0x0];
	v4 =	vsub.f32 $1.500000000e+00, v4  }
0xcd: {  	v5 =	vld [tilespmem:s7+$0x0]  }
0xce: {  	v3 =	vmul.f32 v4, v3;
	_ =	sdelay $0x1  }
0xcf: {  	v2 =	vmul.f32 v3, v2;
	_ =	sdelay $0x1  }
0xd0: {  	s9 =	simm.s32 $0x10;
	v5 =	vsub.f32 v2, v5;
	v2 =	vmul.f32 $5.000000000e-01, v6  }
0xd1: {  	v4 =	vld [tilespmem:$0x1B800];
	v3 =	vmov s9  }
0xd2: {  	v3 =	vshll.u32 v3, $0x3;
	v6 =	vmul.f32 v5, v2  }
0xd3: {  	v2 =	vor.u32 v1, v3  }
0xd4: {  	s9 =	simm.s32 $0x20;
	v3 =	vor.u32 $0x1, v2;
	v5 =	vmul.f32 v6, v5  }
.LBB2_5:
0xd5: {  	p0 =	sne.s32 s9, $0x9F0  }
0xd6: {  	v4 =	vadd.f32 v5, v4;
	_ =	sdelay $0x1  }
0xd7: {  	v5 =	vor.u32 $0x2, v2;
	[tilespmem:$0x1B800] =	vst v4  }
0xd8: {  	v4 =	vld.idx.msk [tilespmem:v3+s25+$0x0], $0xffff  }
0xd9: {  	v3 =	vld.idx.msk [tilespmem:v3+s23+$0x0], $0xffff  }
0xda: {  	v6 =	vld.idx.msk [tilespmem:v2+s25+$0x0], $0xffff  }
0xdb: {  	v2 =	vld.idx.msk [tilespmem:v2+s23+$0x0], $0xffff  }
0xdc: {  	v7 =	vld.idx.msk [tilespmem:v5+s25+$0x0], $0xffff  }
0xdd: {  	v5 =	vld.idx.msk [tilespmem:v5+s23+$0x0], $0xffff;
	_ =	sdelay $0x3  }
0xde: {  	v3 =	vsub.f32 v3, v4;
	v2 =	vsub.f32 v2, v6;
	_ =	sdelay $0x1  }
0xdf: {  	v3 =	vmul.f32 v3, v3;
	v4 =	vsub.f32 v5, v7;
	v2 =	vmul.f32 v2, v2;
	_ =	sdelay $0x1  }
0xe0: {  	v2 =	vadd.f32 v3, v2;
	v3 =	vmul.f32 v4, v4;
	_ =	sdelay $0x1  }
0xe1: {  	v2 =	vadd.f32 v3, v2;
	_ =	sdelay $0x1  }
0xe2: {  	v2 =	vadd.f32 $9.999999960e-13, v2;
	_ =	sdelay $0x1  }
0xe3: {  	v3 =	vshra.s32 v2, $0x1;
	v4 =	vmul.f32 $5.000000000e-01, v2  }
0xe4: {  	v3 =	vsub.s32 $0x5F3759DF, v3  }
0xe5: {  	v5 =	vmul.f32 v3, v4;
	_ =	sdelay $0x1  }
0xe6: {  	v5 =	vmul.f32 v3, v5;
	_ =	sdelay $0x1  }
0xe7: {  	v5 =	vsub.f32 $1.500000000e+00, v5;
	_ =	sdelay $0x1  }
0xe8: {  	v3 =	vmul.f32 v3, v5;
	_ =	sdelay $0x1  }
0xe9: {  	v5 =	vmul.f32 v3, v4;
	_ =	sdelay $0x1  }
0xea: {  	v5 =	vmul.f32 v5, v3;
	_ =	sdelay $0x1  }
0xeb: {  	v5 =	vsub.f32 $1.500000000e+00, v5;
	_ =	sdelay $0x1  }
0xec: {  	v3 =	vmul.f32 v5, v3;
	_ =	sdelay $0x1  }
0xed: {  	v4 =	vmul.f32 v3, v4;
	_ =	sdelay $0x1  }
0xee: {  	v4 =	vmul.f32 v4, v3  }
0xef: {  	s7 =	sadd.s32 $0x10, s7  }
0xf0: {  	s4 =	sadd.s32 $0x10, s4;
	v4 =	vsub.f32 $1.500000000e+00, v4;
	v5 =	vld [tilespmem:s7+$0x0]  }
0xf1: {  	v6 =	vld [tilespmem:s4+$0x0]  }
0xf2: {  	v3 =	vmul.f32 v4, v3;
	_ =	sdelay $0x1  }
0xf3: {  	v2 =	vmul.f32 v3, v2;
	_ =	sdelay $0x1  }
.Ltmp1:
0xf4: {  	v5 =	vsub.f32 v2, v5;
	v2 =	vmul.f32 $5.000000000e-01, v6;
	(pc) =	sbr.rel @p0 .LBB2_5-.Ltmp1, $4  }
0xf5: {  	v3 =	vmov s9;
	v4 =	vld [tilespmem:$0x1B800]  }
0xf6: {  	v3 =	vshll.u32 v3, $0x3;
	v6 =	vmul.f32 v5, v2  }
0xf7: {  	v2 =	vor.u32 v1, v3  }
0xf8: {  	s9 =	sadd.s32 $0x10, s9;
	v3 =	vor.u32 $0x1, v2;
	v5 =	vmul.f32 v6, v5  }
0xf9: {  	_ = 	snop  }
0xfa: {  	v4 =	vadd.f32 v5, v4;
	_ =	sdelay $0x1  }
0xfb: {  	v57 =	vor.u32 $0x2, v2;
	[tilespmem:$0x1B800] =	vst v4  }
0xfc: {  	v4 =	vld.idx.msk [tilespmem:v3+s25+$0x0], $0xffff  }
0xfd: {  	v3 =	vld.idx.msk [tilespmem:v3+s23+$0x0], $0xffff  }
0xfe: {  	v6 =	vld.idx.msk [tilespmem:v2+s25+$0x0], $0xffff  }
0xff: {  	v2 =	vld.idx.msk [tilespmem:v2+s23+$0x0], $0xffff  }
0x100: {  	v7 =	vld.idx.msk [tilespmem:v57+s25+$0x0], $0xffff  }
0x101: {  	v5 =	vld.idx.msk [tilespmem:v57+s23+$0x0], $0xffff;
	_ =	sdelay $0x2  }
0x102: {  	v2 =	vsub.f32 v2, v6;
	v3 =	vsub.f32 v3, v4;
	_ =	sdelay $0x1  }
0x103: {  	v58 =	vsub.f32 v5, v7;
	v2 =	vmul.f32 v2, v2;
	v3 =	vmul.f32 v3, v3;
	_ =	sdelay $0x1  }
0x104: {  	v2 =	vadd.f32 v3, v2;
	v3 =	vmul.f32 v58, v58;
	_ =	sdelay $0x1  }
0x105: {  	v2 =	vadd.f32 v3, v2;
	_ =	sdelay $0x1  }
0x106: {  	v2 =	vadd.f32 $9.999999960e-13, v2;
	_ =	sdelay $0x1  }
0x107: {  	v3 =	vshra.s32 v2, $0x1;
	v59 =	vmul.f32 $5.000000000e-01, v2  }
0x108: {  	v3 =	vsub.s32 $0x5F3759DF, v3  }
0x109: {  	v60 =	vmul.f32 v3, v59;
	_ =	sdelay $0x1  }
0x10a: {  	v5 =	vmul.f32 v3, v60;
	_ =	sdelay $0x1  }
0x10b: {  	v5 =	vsub.f32 $1.500000000e+00, v5;
	_ =	sdelay $0x1  }
0x10c: {  	v3 =	vmul.f32 v3, v5;
	_ =	sdelay $0x1  }
0x10d: {  	v5 =	vmul.f32 v3, v59;
	_ =	sdelay $0x1  }
0x10e: {  	v5 =	vmul.f32 v5, v3;
	_ =	sdelay $0x1  }
0x10f: {  	v5 =	vsub.f32 $1.500000000e+00, v5;
	_ =	sdelay $0x1  }
0x110: {  	v3 =	vmul.f32 v5, v3;
	_ =	sdelay $0x1  }
0x111: {  	v4 =	vmul.f32 v3, v59;
	_ =	sdelay $0x1  }
0x112: {  	v4 =	vmul.f32 v4, v3  }
0x113: {  	s7 =	sadd.s32 $0x10, s7  }
0x114: {  	s4 =	sadd.s32 $0x10, s4;
	v61 =	vld [tilespmem:s7+$0x0];
	v4 =	vsub.f32 $1.500000000e+00, v4  }
0x115: {  	v62 =	vld [tilespmem:s4+$0x0]  }
0x116: {  	v3 =	vmul.f32 v4, v3;
	_ =	sdelay $0x1  }
0x117: {  	v2 =	vmul.f32 v3, v2;
	_ =	sdelay $0x1  }
0x118: {  	v3 =	vmul.f32 $5.000000000e-01, v62;
	v2 =	vsub.f32 v2, v61  }
0x119: {  	v63 =	vld [tilespmem:$0x1B800]  }
0x11a: {  	s1 =	sadd.s32 $0x1, s1;
	v3 =	vmul.f32 v2, v3  }
0x11b: {  	p0 =	sne.s32 s1, s24  }
.Ltmp2:
0x11c: {  	v2 =	vmul.f32 v3, v2;
	(pc) =	sbr.rel @p0 .LBB2_2-.Ltmp2, $3  }
0x11d: {  	_ = 	snop  }
0x11e: {  	v2 =	vadd.f32 v2, v63;
	_ =	sdelay $0x1  }
0x11f: {  	s4 =	simm.s32 $0x0;
	[tilespmem:$0x1B800] =	vst v2  }
0x120: {  	s7 =	simm.s32 $0x0  }
.LBB2_8:
0x121: {  	s1 =	sshll.u32 s7, $0x5  }
0x122: {  	s1 =	sor.u32 s17, s1  }
0x123: {  	s1 =	smul.u32 $0xA00, s1;
	_ =	sdelay $0x1  }
0x124: {  	s9 =	rddreg [dreg:$0x8];
	s1 =	sshrl.u32 s1, $0x3  }
0x125: {  	s10 =	rddreg [dreg:$0x9];
	s9 =	sadd.s32 s9, s1  }
0x126: {  	[tilespmem:s4], [sflag:$0x1] =	stream.linear.gather [hbm4b:s9+s4], $0xA00, $0x38;
	[tilespmem:$0x1B810] =	vst v63  }
0x127: {  	s12 =	rddreg [dreg:$0xa];
	s9 =	sadd.s32 s10, s1  }
0x128: {  	[tilespmem:s28], [sflag:$0x1] =	stream.linear.gather [hbm4b:s9+s4], $0xA00, $0x38;
	[tilespmem:$0x1B810] =	vst v63  }
0x129: {  	s9 =	sadd.s32 s12, s1  }
0x12a: {  	[tilespmem:s2], [sflag:$0x1] =	stream.linear.gather [hbm4b:s9+s4], $0xA00, $0x38;
	[tilespmem:$0x1B810] =	vst v63  }
0x12b: {  	s13 =	sadd.s32 s15, s1  }
0x12c: {  	[tilespmem:s29], [sflag:$0x2] =	stream.linear.gather [hbm4b:s13+s4], $0xA00, $0x38;
	[tilespmem:$0x1B810] =	vst v63  }
0x12d: {  	s1 =	sadd.s32 s16, s1  }
0x12e: {  	[tilespmem:s30], [sflag:$0x2] =	stream.linear.gather [hbm4b:s1+s4], $0xA00, $0x38;
	[tilespmem:$0x1B810] =	vst v63  }
0x12f: {  	_ =	swait.ge [sflag:s31], $0xA00  }
0x130: {  	[sflag:s31] =	ssyncset.done $0x0  }
0x131: {  	[sflag:s31] =	ssyncadd.s32 $0xFFFFF600  }
0x132: {  	_ =	swait.ge [sflag:s31], $0xA00  }
0x133: {  	[sflag:s31] =	ssyncset.done $0x0  }
0x134: {  	[sflag:s31] =	ssyncadd.s32 $0xFFFFF600  }
0x135: {  	_ =	swait.ge [sflag:s31], $0xA00  }
0x136: {  	[sflag:s31] =	ssyncset.done $0x0  }
0x137: {  	s14 =	simm.s32 $0x2800;
	s18 =	simm.s32 $0x0;
	[sflag:s31] =	ssyncadd.s32 $0xFFFFF600  }
0x138: {  	[tilespmem:s14], [sflag:$0x3] =	stream.indirect.gather [hbm4b:s8+s0], $0x4, s18, s0, $0xb8;
	[tilespmem:$0x1B810] =	vst v63  }
0x139: {  	s19 =	simm.s32 $0xA00;
	s1 =	simm.s32 $0x7800  }
0x13a: {  	[tilespmem:s1], [sflag:$0x3] =	stream.indirect.gather [hbm4b:s8+s0], $0x4, s19, s0, $0xb8;
	[tilespmem:$0x1B810] =	vst v63  }
0x13b: {  	s10 =	simm.s32 $0x1400;
	s9 =	simm.s32 $0xC800  }
0x13c: {  	[tilespmem:s9], [sflag:$0x3] =	stream.indirect.gather [hbm4b:s8+s0], $0x4, s10, s0, $0xb8;
	[tilespmem:$0x1B810] =	vst v63  }
0x13d: {  	s12 =	simm.s32 $0x2C00;
	s10 =	simm.s32 $0x200  }
.LBB2_9:
0x13e: {  	s13 =	sshra.s32 s10, $0x2;
	p0 =	sne.s32 s10, $0x2600;
	s10 =	sadd.s32 $0x200, s10  }
0x13f: {  	[tilespmem:s12], [sflag:$0x3] =	stream.indirect.gather [hbm4b:s8+s0], $0x4, s13, s0, $0xb8;
	[tilespmem:$0x1B810] =	vst v63  }
.Ltmp3:
0x140: {  	_ = 	snop;
	(pc) =	sbr.rel @p0 .LBB2_9-.Ltmp3, $4  }
0x141: {  	s1 =	sadd.s32 $0x400, s1;
	s14 =	sadd.s32 $0xA00, s13  }
0x142: {  	[tilespmem:s1], [sflag:$0x3] =	stream.indirect.gather [hbm4b:s8+s0], $0x4, s14, s0, $0xb8;
	[tilespmem:$0x1B810] =	vst v63  }
0x143: {  	s9 =	sadd.s32 $0x400, s9;
	s13 =	sadd.s32 $0x1400, s13;
	s12 =	sadd.s32 $0x400, s12  }
0x144: {  	[tilespmem:s9], [sflag:$0x3] =	stream.indirect.gather [hbm4b:s8+s0], $0x4, s13, s0, $0xb8;
	[tilespmem:$0x1B810] =	vst v63  }
0x145: {  	_ =	swait.ge [sflag:s11], $0xA00  }
0x146: {  	[sflag:s11] =	ssyncset.done $0x0  }
0x147: {  	[sflag:s11] =	ssyncadd.s32 $0xFFFFF600  }
0x148: {  	_ =	swait.ge [sflag:s11], $0xA00  }
0x149: {  	[sflag:s11] =	ssyncset.done $0x0  }
0x14a: {  	[sflag:s11] =	ssyncadd.s32 $0xFFFFF600  }
0x14b: {  	_ =	swait.ge [sflag:s6], $0x200  }
0x14c: {  	[sflag:s6] =	ssyncset.done $0x0  }
0x14d: {  	[sflag:s6] =	ssyncadd.s32 $0xFFFFFE00  }
0x14e: {  	_ =	swait.ge [sflag:s6], $0x200  }
0x14f: {  	[sflag:s6] =	ssyncset.done $0x0  }
0x150: {  	[sflag:s6] =	ssyncadd.s32 $0xFFFFFE00  }
0x151: {  	_ =	swait.ge [sflag:s6], $0x200  }
0x152: {  	s1 =	simm.s32 $0x13;
	[sflag:s6] =	ssyncset.done $0x0  }
.LBB2_11:
0x153: {  	p0 =	sne.s32 s1, $0x1;
	s1 =	sadd.s32 $0xFFFFFFFF, s1;
	[sflag:s6] =	ssyncadd.s32 $0xFFFFFE00  }
0x154: {  	_ =	swait.ge [sflag:s6], $0x200  }
0x155: {  	[sflag:s6] =	ssyncset.done $0x0  }
0x156: {  	[sflag:s6] =	ssyncadd.s32 $0xFFFFFE00  }
.Ltmp4:
0x157: {  	_ =	swait.ge [sflag:s6], $0x200;
	(pc) =	sbr.rel @p0 .LBB2_11-.Ltmp4, $4  }
0x158: {  	[sflag:s6] =	ssyncset.done $0x0  }
0x159: {  	[sflag:s6] =	ssyncadd.s32 $0xFFFFFE00  }
0x15a: {  	_ =	swait.ge [sflag:s6], $0x200  }
0x15b: {  	[sflag:s6] =	ssyncset.done $0x0  }
0x15c: {  	s1 =	simm.s32 $0x0  }
0x15d: {  	v2 =	vmov s1  }
0x15e: {  	v2 =	vshll.u32 v2, $0x3  }
0x15f: {  	v2 =	vor.u32 v1, v2;
	_ =	sdelay $0x2  }
0x160: {  	v3 =	vor.u32 $0x2, v2  }
0x161: {  	[sflag:s6] =	ssyncadd.s32 $0xFFFFFE00;
	v4 =	vor.u32 $0x1, v2  }
0x162: {  	v6 =	vld.idx.msk [tilespmem:v2+s3+$0x0], $0xffff  }
0x163: {  	v7 =	vld.idx.msk [tilespmem:v2+s23+$0x0], $0xffff  }
0x164: {  	v2 =	vld.idx.msk [tilespmem:v2+s25+$0x0], $0xffff  }
0x165: {  	v5 =	vld.idx.msk [tilespmem:v3+s23+$0x0], $0xffff  }
0x166: {  	v8 =	vld.idx.msk [tilespmem:v4+s3+$0x0], $0xffff  }
0x167: {  	v9 =	vld.idx.msk [tilespmem:v4+s23+$0x0], $0xffff  }
0x168: {  	v4 =	vld.idx.msk [tilespmem:v4+s25+$0x0], $0xffff  }
0x169: {  	v10 =	vld.idx.msk [tilespmem:v3+s25+$0x0], $0xffff  }
0x16a: {  	v3 =	vld.idx.msk [tilespmem:v3+s3+$0x0], $0xffff;
	_ =	sdelay $0x1  }
0x16b: {  	v7 =	vsub.f32 v7, v2;
	v2 =	vsub.f32 v6, v2  }
0x16c: {  	v6 =	vsub.f32 v9, v4;
	v4 =	vsub.f32 v8, v4  }
0x16d: {  	v5 =	vsub.f32 v5, v10;
	v53 =	vmul.f32 v7, v7;
	v54 =	vmul.f32 v2, v2  }
0x16e: {  	v3 =	vsub.f32 v3, v10;
	v55 =	vmul.f32 v6, v6;
	v11 =	vmul.f32 v4, v4  }
0x16f: {  	v12 =	vmul.f32 v5, v5  }
0x170: {  	v56 =	vmul.f32 v3, v3;
	v8 =	vadd.f32 v55, v53;
	v9 =	vadd.f32 v11, v54;
	_ =	sdelay $0x1  }
0x171: {  	v8 =	vadd.f32 v12, v8;
	v9 =	vadd.f32 v56, v9;
	_ =	sdelay $0x1  }
0x172: {  	v8 =	vadd.f32 $9.999999960e-13, v8;
	v9 =	vadd.f32 $9.999999960e-13, v9;
	_ =	sdelay $0x1  }
0x173: {  	v8 =	vmul.f32 v9, v8;
	_ =	sdelay $0x1  }
0x174: {  	v9 =	vshra.s32 v8, $0x1;
	v57 =	vmul.f32 $5.000000000e-01, v8  }
0x175: {  	v9 =	vsub.s32 $0x5F3759DF, v9  }
0x176: {  	v58 =	vmul.f32 v9, v57;
	_ =	sdelay $0x1  }
0x177: {  	v11 =	vmul.f32 v9, v58;
	_ =	sdelay $0x1  }
0x178: {  	v11 =	vsub.f32 $1.500000000e+00, v11;
	_ =	sdelay $0x1  }
0x179: {  	v9 =	vmul.f32 v9, v11;
	_ =	sdelay $0x1  }
0x17a: {  	v11 =	vmul.f32 v9, v57;
	_ =	sdelay $0x1  }
0x17b: {  	v11 =	vmul.f32 v11, v9  }
0x17c: {  	s9 =	simm.s32 $0x17200  }
0x17d: {  	v59 =	vld [tilespmem:s9+$0x0];
	v11 =	vsub.f32 $1.500000000e+00, v11;
	_ =	sdelay $0x1  }
0x17e: {  	v9 =	vmul.f32 v11, v9;
	_ =	sdelay $0x1  }
0x17f: {  	v10 =	vmul.f32 v9, v57  }
0x180: {  	v60 =	vmul.f32 v59, v59  }
0x181: {  	v10 =	vmul.f32 v10, v9  }
0x182: {  	v12 =	vmul.f32 $-2.755732000e-07, v60  }
0x183: {  	v10 =	vsub.f32 $1.500000000e+00, v10  }
0x184: {  	v12 =	vadd.f32 $2.480158760e-05, v12  }
0x185: {  	v9 =	vmul.f32 v10, v9  }
0x186: {  	v61 =	vmul.f32 v12, v60  }
0x187: {  	v8 =	vmul.f32 v9, v8  }
0x188: {  	v62 =	vadd.f32 $-1.388888920e-03, v61  }
0x189: {  	v8 =	vadd.f32 $9.999999710e-10, v8  }
0x18a: {  	v9 =	vmul.f32 v62, v60  }
0x18b: {  	(erf) = vrcp.f32 v8  }
0x18c: {  	v63 =	vadd.f32 $4.166666790e-02, v9  }
0x18d: {  	v2 =	vmul.f32 v2, v7  }
0x18e: {  	v4 =	vmul.f32 v4, v6;
	v8 =	vmul.f32 v63, v60;
	_ =	sdelay $0x1  }
0x18f: {  	v2 =	vadd.f32 v4, v2;
	v4 =	vadd.f32 $-5.000000000e-01, v8  }
0x190: {  	s1 =	simm.s32 $0x16800;
	v3 =	vmul.f32 v3, v5  }
0x191: {  	v5 =	vld [tilespmem:s1+$0x0]  }
0x192: {  	v2 =	vadd.f32 v3, v2;
	v3 =	vmul.f32 v4, v60  }
0x193: {  	v4 =	vpop (erf)  }
0x194: {  	v3 =	vadd.f32 $1.000000000e+00, v3;
	v2 =	vmul.f32 v4, v2;
	_ =	sdelay $0x1  }
0x195: {  	v2 =	vsub.f32 v2, v3;
	v3 =	vmul.f32 $5.000000000e-01, v5  }
0x196: {  	s10 =	simm.s32 $0x10  }
0x197: {  	v4 =	vld [tilespmem:$0x1B800];
	v5 =	vmov s10;
	v3 =	vmul.f32 v2, v3  }
0x198: {  	v5 =	vshll.u32 v5, $0x3  }
0x199: {  	v6 =	vmul.f32 v3, v2;
	v3 =	vor.u32 v1, v5  }
0x19a: {  	v2 =	vor.u32 $0x2, v3;
	_ =	sdelay $0x1  }
0x19b: {  	v5 =	vadd.f32 v6, v4  }
0x19c: {  	s10 =	simm.s32 $0x20;
	v4 =	vor.u32 $0x1, v3  }
.LBB2_13:
0x19d: {  	p0 =	sne.s32 s10, $0x9F0;
	[tilespmem:$0x1B800] =	vst v5  }
0x19e: {  	v5 =	vld.idx.msk [tilespmem:v2+s23+$0x0], $0xffff  }
0x19f: {  	v6 =	vld.idx.msk [tilespmem:v3+s3+$0x0], $0xffff  }
0x1a0: {  	v7 =	vld.idx.msk [tilespmem:v3+s23+$0x0], $0xffff  }
0x1a1: {  	v8 =	vld.idx.msk [tilespmem:v4+s3+$0x0], $0xffff  }
0x1a2: {  	v9 =	vld.idx.msk [tilespmem:v4+s23+$0x0], $0xffff  }
0x1a3: {  	v3 =	vld.idx.msk [tilespmem:v3+s25+$0x0], $0xffff  }
0x1a4: {  	v4 =	vld.idx.msk [tilespmem:v4+s25+$0x0], $0xffff  }
0x1a5: {  	v10 =	vld.idx.msk [tilespmem:v2+s25+$0x0], $0xffff  }
0x1a6: {  	v2 =	vld.idx.msk [tilespmem:v2+s3+$0x0], $0xffff;
	_ =	sdelay $0x2  }
0x1a7: {  	v7 =	vsub.f32 v7, v3;
	v3 =	vsub.f32 v6, v3  }
0x1a8: {  	v6 =	vsub.f32 v9, v4;
	v4 =	vsub.f32 v8, v4  }
0x1a9: {  	v5 =	vsub.f32 v5, v10;
	v8 =	vmul.f32 v7, v7;
	v9 =	vmul.f32 v3, v3  }
0x1aa: {  	v2 =	vsub.f32 v2, v10;
	v10 =	vmul.f32 v6, v6;
	v11 =	vmul.f32 v4, v4  }
0x1ab: {  	v12 =	vmul.f32 v5, v5  }
0x1ac: {  	v8 =	vadd.f32 v10, v8;
	v9 =	vadd.f32 v11, v9;
	v10 =	vmul.f32 v2, v2;
	_ =	sdelay $0x1  }
0x1ad: {  	v8 =	vadd.f32 v12, v8;
	v9 =	vadd.f32 v10, v9;
	_ =	sdelay $0x1  }
0x1ae: {  	v8 =	vadd.f32 $9.999999960e-13, v8;
	v9 =	vadd.f32 $9.999999960e-13, v9;
	_ =	sdelay $0x1  }
0x1af: {  	v8 =	vmul.f32 v9, v8;
	_ =	sdelay $0x1  }
0x1b0: {  	v9 =	vshra.s32 v8, $0x1;
	v10 =	vmul.f32 $5.000000000e-01, v8  }
0x1b1: {  	v9 =	vsub.s32 $0x5F3759DF, v9  }
0x1b2: {  	v11 =	vmul.f32 v9, v10;
	_ =	sdelay $0x1  }
0x1b3: {  	v11 =	vmul.f32 v9, v11;
	_ =	sdelay $0x1  }
0x1b4: {  	v11 =	vsub.f32 $1.500000000e+00, v11;
	_ =	sdelay $0x1  }
0x1b5: {  	v9 =	vmul.f32 v9, v11;
	_ =	sdelay $0x1  }
0x1b6: {  	v11 =	vmul.f32 v9, v10;
	_ =	sdelay $0x1  }
0x1b7: {  	v11 =	vmul.f32 v11, v9  }
0x1b8: {  	s9 =	sadd.s32 $0x10, s9  }
0x1b9: {  	v11 =	vsub.f32 $1.500000000e+00, v11;
	v12 =	vld [tilespmem:s9+$0x0];
	_ =	sdelay $0x1  }
0x1ba: {  	v9 =	vmul.f32 v11, v9;
	_ =	sdelay $0x1  }
0x1bb: {  	v10 =	vmul.f32 v9, v10  }
0x1bc: {  	v11 =	vmul.f32 v12, v12  }
0x1bd: {  	v10 =	vmul.f32 v10, v9  }
0x1be: {  	v12 =	vmul.f32 $-2.755732000e-07, v11  }
0x1bf: {  	v10 =	vsub.f32 $1.500000000e+00, v10  }
0x1c0: {  	v12 =	vadd.f32 $2.480158760e-05, v12  }
0x1c1: {  	v9 =	vmul.f32 v10, v9  }
0x1c2: {  	v10 =	vmul.f32 v12, v11  }
0x1c3: {  	v8 =	vmul.f32 v9, v8  }
0x1c4: {  	v9 =	vadd.f32 $-1.388888920e-03, v10  }
0x1c5: {  	v8 =	vadd.f32 $9.999999710e-10, v8  }
0x1c6: {  	v9 =	vmul.f32 v9, v11  }
0x1c7: {  	(erf) = vrcp.f32 v8  }
0x1c8: {  	v8 =	vadd.f32 $4.166666790e-02, v9;
	_ =	sdelay $0x1  }
0x1c9: {  	v8 =	vmul.f32 v8, v11  }
0x1ca: {  	v3 =	vmul.f32 v3, v7;
	v4 =	vmul.f32 v4, v6;
	_ =	sdelay $0x1  }
0x1cb: {  	s1 =	sadd.s32 $0x10, s1;
	v3 =	vadd.f32 v4, v3;
	v2 =	vmul.f32 v2, v5;
	v6 =	vadd.f32 $-5.000000000e-01, v8  }
0x1cc: {  	v5 =	vld [tilespmem:s1+$0x0]  }
0x1cd: {  	v2 =	vadd.f32 v2, v3;
	v3 =	vmul.f32 v6, v11  }
0x1ce: {  	v4 =	vpop (erf)  }
0x1cf: {  	v3 =	vadd.f32 $1.000000000e+00, v3;
	v2 =	vmul.f32 v4, v2;
	_ =	sdelay $0x1  }
0x1d0: {  	v4 =	vsub.f32 v2, v3;
	v2 =	vmul.f32 $5.000000000e-01, v5  }
0x1d1: {  	v3 =	vmov s10;
	v5 =	vld [tilespmem:$0x1B800]  }
0x1d2: {  	v3 =	vshll.u32 v3, $0x3;
	v6 =	vmul.f32 v4, v2  }
.Ltmp5:
0x1d3: {  	v3 =	vor.u32 v1, v3;
	(pc) =	sbr.rel @p0 .LBB2_13-.Ltmp5, $3  }
0x1d4: {  	v2 =	vor.u32 $0x2, v3;
	v4 =	vmul.f32 v6, v4;
	_ =	sdelay $0x1  }
0x1d5: {  	v5 =	vadd.f32 v4, v5  }
0x1d6: {  	s10 =	sadd.s32 $0x10, s10;
	v4 =	vor.u32 $0x1, v3  }
0x1d7: {  	_ =	sdelay $0x2  }
0x1d8: {  	[tilespmem:$0x1B800] =	vst v5  }
0x1d9: {  	v5 =	vld.idx.msk [tilespmem:v2+s23+$0x0], $0xffff  }
0x1da: {  	v6 =	vld.idx.msk [tilespmem:v3+s3+$0x0], $0xffff  }
0x1db: {  	v7 =	vld.idx.msk [tilespmem:v3+s23+$0x0], $0xffff  }
0x1dc: {  	v8 =	vld.idx.msk [tilespmem:v4+s3+$0x0], $0xffff  }
0x1dd: {  	v9 =	vld.idx.msk [tilespmem:v4+s23+$0x0], $0xffff  }
0x1de: {  	v3 =	vld.idx.msk [tilespmem:v3+s25+$0x0], $0xffff  }
0x1df: {  	v47 =	vld.idx.msk [tilespmem:v4+s25+$0x0], $0xffff  }
0x1e0: {  	v10 =	vld.idx.msk [tilespmem:v2+s25+$0x0], $0xffff  }
0x1e1: {  	v2 =	vld.idx.msk [tilespmem:v2+s3+$0x0], $0xffff;
	_ =	sdelay $0x1  }
0x1e2: {  	v7 =	vsub.f32 v7, v3;
	v3 =	vsub.f32 v6, v3  }
0x1e3: {  	v48 =	vsub.f32 v9, v47;
	v4 =	vsub.f32 v8, v47  }
0x1e4: {  	v5 =	vsub.f32 v5, v10;
	v49 =	vmul.f32 v7, v7;
	v50 =	vmul.f32 v3, v3  }
0x1e5: {  	v2 =	vsub.f32 v2, v10;
	v51 =	vmul.f32 v48, v48;
	v11 =	vmul.f32 v4, v4  }
0x1e6: {  	v12 =	vmul.f32 v5, v5  }
0x1e7: {  	v52 =	vmul.f32 v2, v2;
	v8 =	vadd.f32 v51, v49;
	v9 =	vadd.f32 v11, v50;
	_ =	sdelay $0x1  }
0x1e8: {  	v8 =	vadd.f32 v12, v8;
	v9 =	vadd.f32 v52, v9;
	_ =	sdelay $0x1  }
0x1e9: {  	v8 =	vadd.f32 $9.999999960e-13, v8;
	v9 =	vadd.f32 $9.999999960e-13, v9;
	_ =	sdelay $0x1  }
0x1ea: {  	v8 =	vmul.f32 v9, v8;
	_ =	sdelay $0x1  }
0x1eb: {  	v9 =	vshra.s32 v8, $0x1;
	v53 =	vmul.f32 $5.000000000e-01, v8  }
0x1ec: {  	v9 =	vsub.s32 $0x5F3759DF, v9  }
0x1ed: {  	v54 =	vmul.f32 v9, v53;
	_ =	sdelay $0x1  }
0x1ee: {  	v11 =	vmul.f32 v9, v54;
	_ =	sdelay $0x1  }
0x1ef: {  	v11 =	vsub.f32 $1.500000000e+00, v11;
	_ =	sdelay $0x1  }
0x1f0: {  	v9 =	vmul.f32 v9, v11;
	_ =	sdelay $0x1  }
0x1f1: {  	v11 =	vmul.f32 v9, v53;
	_ =	sdelay $0x1  }
0x1f2: {  	v11 =	vmul.f32 v11, v9;
	_ =	sdelay $0x1  }
0x1f3: {  	s9 =	sadd.s32 $0x10, s9;
	v11 =	vsub.f32 $1.500000000e+00, v11  }
0x1f4: {  	v55 =	vld [tilespmem:s9+$0x0]  }
0x1f5: {  	v9 =	vmul.f32 v11, v9;
	_ =	sdelay $0x1  }
0x1f6: {  	v10 =	vmul.f32 v9, v53;
	_ =	sdelay $0x1  }
0x1f7: {  	v56 =	vmul.f32 v55, v55;
	v10 =	vmul.f32 v10, v9;
	_ =	sdelay $0x1  }
0x1f8: {  	v12 =	vmul.f32 $-2.755732000e-07, v56;
	v10 =	vsub.f32 $1.500000000e+00, v10;
	_ =	sdelay $0x1  }
0x1f9: {  	v12 =	vadd.f32 $2.480158760e-05, v12;
	v9 =	vmul.f32 v10, v9;
	_ =	sdelay $0x1  }
0x1fa: {  	v57 =	vmul.f32 v12, v56;
	v8 =	vmul.f32 v9, v8;
	_ =	sdelay $0x1  }
0x1fb: {  	v58 =	vadd.f32 $-1.388888920e-03, v57;
	v8 =	vadd.f32 $9.999999710e-10, v8;
	_ =	sdelay $0x1  }
0x1fc: {  	v9 =	vmul.f32 v58, v56;
	(erf) = vrcp.f32 v8;
	_ =	sdelay $0x1  }
0x1fd: {  	v59 =	vadd.f32 $4.166666790e-02, v9  }
0x1fe: {  	v3 =	vmul.f32 v3, v7  }
0x1ff: {  	v4 =	vmul.f32 v4, v48;
	v8 =	vmul.f32 v59, v56;
	_ =	sdelay $0x1  }
0x200: {  	s1 =	sadd.s32 $0x10, s1;
	v2 =	vmul.f32 v2, v5;
	v3 =	vadd.f32 v4, v3;
	v60 =	vadd.f32 $-5.000000000e-01, v8  }
0x201: {  	v61 =	vld [tilespmem:s1+$0x0]  }
0x202: {  	v2 =	vadd.f32 v2, v3;
	v3 =	vmul.f32 v60, v56  }
0x203: {  	v62 =	vpop (erf)  }
0x204: {  	v3 =	vadd.f32 $1.000000000e+00, v3;
	v2 =	vmul.f32 v62, v2;
	_ =	sdelay $0x1  }
0x205: {  	v2 =	vsub.f32 v2, v3;
	v3 =	vmul.f32 $5.000000000e-01, v61  }
0x206: {  	v63 =	vld [tilespmem:$0x1B800]  }
0x207: {  	s7 =	sadd.s32 $0x1, s7;
	v3 =	vmul.f32 v2, v3  }
0x208: {  	p0 =	sne.s32 s7, s24  }
.Ltmp6:
0x209: {  	v2 =	vmul.f32 v3, v2;
	(pc) =	sbr.rel @p0 .LBB2_8-.Ltmp6, $3  }
0x20a: {  	_ = 	snop  }
0x20b: {  	v2 =	vadd.f32 v2, v63;
	_ =	sdelay $0x1  }
0x20c: {  	s1 =	simm.s32 $0x0;
	[tilespmem:$0x1B800] =	vst v2  }
0x20d: {  	s4 =	simm.s32 $0x0  }
.LBB2_16:
0x20e: {  	s7 =	sshll.u32 s4, $0x5  }
0x20f: {  	s7 =	sor.u32 s17, s7  }
0x210: {  	s7 =	smul.u32 $0xA00, s7;
	_ =	sdelay $0x1  }
0x211: {  	s9 =	rddreg [dreg:$0xb];
	s7 =	sshrl.u32 s7, $0x3  }
0x212: {  	s14 =	rddreg [dreg:$0xc];
	s9 =	sadd.s32 s9, s7  }
0x213: {  	[tilespmem:s1], [sflag:$0x1] =	stream.linear.gather [hbm4b:s9+s1], $0xA00, $0x38;
	[tilespmem:$0x1B810] =	vst v63  }
0x214: {  	s15 =	rddreg [dreg:$0xd];
	s9 =	sadd.s32 s14, s7  }
0x215: {  	[tilespmem:s28], [sflag:$0x1] =	stream.linear.gather [hbm4b:s9+s1], $0xA00, $0x38;
	[tilespmem:$0x1B810] =	vst v63  }
0x216: {  	s16 =	rddreg [dreg:$0xe];
	s9 =	sadd.s32 s15, s7  }
0x217: {  	[tilespmem:s2], [sflag:$0x1] =	stream.linear.gather [hbm4b:s9+s1], $0xA00, $0x38;
	[tilespmem:$0x1B810] =	vst v63  }
0x218: {  	s10 =	simm.s32 $0x1E00;
	s18 =	rddreg [dreg:$0x0];
	s9 =	sadd.s32 s16, s7  }
0x219: {  	[tilespmem:s10], [sflag:$0x1] =	stream.linear.gather [hbm4b:s9+s1], $0xA00, $0x38;
	[tilespmem:$0x1B810] =	vst v63  }
0x21a: {  	s19 =	simm.s32 $0x17C00;
	s9 =	sadd.s32 s18, s7;
	s10 =	rddreg [dreg:$0xf]  }
0x21b: {  	[tilespmem:s19], [sflag:$0x2] =	stream.linear.gather [hbm4b:s9+s1], $0xA00, $0x38;
	[tilespmem:$0x1B810] =	vst v63  }
0x21c: {  	s12 =	simm.s32 $0x18600;
	s9 =	sadd.s32 s7, s10  }
0x21d: {  	[tilespmem:s12], [sflag:$0x2] =	stream.linear.gather [hbm4b:s9+s1], $0xA00, $0x38;
	[tilespmem:$0x1B810] =	vst v63  }
0x21e: {  	s13 =	sadd.s32 s7, s20;
	s14 =	simm.s32 $0x19000  }
0x21f: {  	[tilespmem:s14], [sflag:$0x2] =	stream.linear.gather [hbm4b:s13+s1], $0xA00, $0x38;
	[tilespmem:$0x1B810] =	vst v63  }
0x220: {  	s15 =	sadd.s32 s7, s21;
	s16 =	simm.s32 $0x19A00  }
0x221: {  	[tilespmem:s16], [sflag:$0x2] =	stream.linear.gather [hbm4b:s15+s1], $0xA00, $0x38;
	[tilespmem:$0x1B810] =	vst v63  }
0x222: {  	s18 =	sadd.s32 s7, s22;
	s19 =	simm.s32 $0x1A400  }
0x223: {  	[tilespmem:s19], [sflag:$0x2] =	stream.linear.gather [hbm4b:s18+s1], $0xA00, $0x38;
	[tilespmem:$0x1B810] =	vst v63  }
0x224: {  	s7 =	sadd.s32 s7, s26;
	s12 =	simm.s32 $0x1AE00  }
0x225: {  	[tilespmem:s12], [sflag:$0x2] =	stream.linear.gather [hbm4b:s7+s1], $0xA00, $0x38;
	[tilespmem:$0x1B810] =	vst v63  }
0x226: {  	_ =	swait.ge [sflag:s31], $0xA00  }
0x227: {  	[sflag:s31] =	ssyncset.done $0x0  }
0x228: {  	[sflag:s31] =	ssyncadd.s32 $0xFFFFF600  }
0x229: {  	_ =	swait.ge [sflag:s31], $0xA00  }
0x22a: {  	[sflag:s31] =	ssyncset.done $0x0  }
0x22b: {  	[sflag:s31] =	ssyncadd.s32 $0xFFFFF600  }
0x22c: {  	_ =	swait.ge [sflag:s31], $0xA00  }
0x22d: {  	[sflag:s31] =	ssyncset.done $0x0  }
0x22e: {  	s10 =	simm.s32 $0x2C00;
	[sflag:s31] =	ssyncadd.s32 $0xFFFFF600  }
0x22f: {  	s9 =	simm.s32 $0x7C00;
	s13 =	simm.s32 $0x2800;
	_ =	swait.ge [sflag:s31], $0xA00  }
0x230: {  	s14 =	simm.s32 $0x0;
	s15 =	simm.s32 $0x7800;
	[sflag:s31] =	ssyncset.done $0x0  }
0x231: {  	s16 =	simm.s32 $0xA00;
	s18 =	simm.s32 $0xC800;
	[sflag:s31] =	ssyncadd.s32 $0xFFFFF600  }
0x232: {  	[tilespmem:s13], [sflag:$0x3] =	stream.indirect.gather [hbm4b:s8+s0], $0x4, s14, s0, $0xb8;
	[tilespmem:$0x1B810] =	vst v63  }
0x233: {  	s19 =	simm.s32 $0x1400;
	s12 =	simm.s32 $0x11800;
	s7 =	simm.s32 $0x200  }
0x234: {  	[tilespmem:s15], [sflag:$0x3] =	stream.indirect.gather [hbm4b:s8+s0], $0x4, s16, s0, $0xb8;
	[tilespmem:$0x1B810] =	vst v63  }
0x235: {  	s13 =	simm.s32 $0x11C00;
	s14 =	simm.s32 $0xCC00;
	s15 =	simm.s32 $0x1E00  }
0x236: {  	[tilespmem:s18], [sflag:$0x3] =	stream.indirect.gather [hbm4b:s8+s0], $0x4, s19, s0, $0xb8;
	[tilespmem:$0x1B810] =	vst v63  }
.LBB2_17:
0x237: {  	[tilespmem:s12], [sflag:$0x3] =	stream.indirect.gather [hbm4b:s8+s0], $0x4, s15, s0, $0xb8;
	[tilespmem:$0x1B810] =	vst v63  }
0x238: {  	s15 =	sshra.s32 s7, $0x2;
	p0 =	sne.s32 s7, $0x2600;
	s7 =	sadd.s32 $0x200, s7  }
0x239: {  	[tilespmem:s10], [sflag:$0x3] =	stream.indirect.gather [hbm4b:s8+s0], $0x4, s15, s0, $0xb8;
	[tilespmem:$0x1B810] =	vst v63  }
.Ltmp7:
0x23a: {  	s12 =	smov.u32 s13;
	s16 =	sadd.s32 $0xA00, s15;
	(pc) =	sbr.rel @p0 .LBB2_17-.Ltmp7, $4  }
0x23b: {  	[tilespmem:s9], [sflag:$0x3] =	stream.indirect.gather [hbm4b:s8+s0], $0x4, s16, s0, $0xb8;
	[tilespmem:$0x1B810] =	vst v63  }
0x23c: {  	s10 =	sadd.s32 $0x400, s10;
	s16 =	sadd.s32 $0x1400, s15;
	s9 =	sadd.s32 $0x400, s9  }
0x23d: {  	[tilespmem:s14], [sflag:$0x3] =	stream.indirect.gather [hbm4b:s8+s0], $0x4, s16, s0, $0xb8;
	[tilespmem:$0x1B810] =	vst v63  }
0x23e: {  	s13 =	sadd.s32 $0x400, s13;
	s15 =	sadd.s32 $0x1E00, s15;
	s14 =	sadd.s32 $0x400, s14  }
0x23f: {  	[tilespmem:s12], [sflag:$0x3] =	stream.indirect.gather [hbm4b:s8+s0], $0x4, s15, s0, $0xb8;
	[tilespmem:$0x1B810] =	vst v63  }
0x240: {  	_ =	swait.ge [sflag:s11], $0xA00  }
0x241: {  	[sflag:s11] =	ssyncset.done $0x0  }
0x242: {  	[sflag:s11] =	ssyncadd.s32 $0xFFFFF600  }
0x243: {  	_ =	swait.ge [sflag:s11], $0xA00  }
0x244: {  	[sflag:s11] =	ssyncset.done $0x0  }
0x245: {  	[sflag:s11] =	ssyncadd.s32 $0xFFFFF600  }
0x246: {  	_ =	swait.ge [sflag:s11], $0xA00  }
0x247: {  	[sflag:s11] =	ssyncset.done $0x0  }
0x248: {  	[sflag:s11] =	ssyncadd.s32 $0xFFFFF600  }
0x249: {  	_ =	swait.ge [sflag:s11], $0xA00  }
0x24a: {  	[sflag:s11] =	ssyncset.done $0x0  }
0x24b: {  	[sflag:s11] =	ssyncadd.s32 $0xFFFFF600  }
0x24c: {  	_ =	swait.ge [sflag:s11], $0xA00  }
0x24d: {  	[sflag:s11] =	ssyncset.done $0x0  }
0x24e: {  	[sflag:s11] =	ssyncadd.s32 $0xFFFFF600  }
0x24f: {  	_ =	swait.ge [sflag:s11], $0xA00  }
0x250: {  	[sflag:s11] =	ssyncset.done $0x0  }
0x251: {  	[sflag:s11] =	ssyncadd.s32 $0xFFFFF600  }
0x252: {  	_ =	swait.ge [sflag:s6], $0x200  }
0x253: {  	[sflag:s6] =	ssyncset.done $0x0  }
0x254: {  	[sflag:s6] =	ssyncadd.s32 $0xFFFFFE00  }
0x255: {  	_ =	swait.ge [sflag:s6], $0x200  }
0x256: {  	[sflag:s6] =	ssyncset.done $0x0  }
0x257: {  	[sflag:s6] =	ssyncadd.s32 $0xFFFFFE00  }
0x258: {  	_ =	swait.ge [sflag:s6], $0x200  }
0x259: {  	[sflag:s6] =	ssyncset.done $0x0  }
0x25a: {  	[sflag:s6] =	ssyncadd.s32 $0xFFFFFE00  }
0x25b: {  	_ =	swait.ge [sflag:s6], $0x200  }
0x25c: {  	s7 =	simm.s32 $0x13;
	[sflag:s6] =	ssyncset.done $0x0  }
.LBB2_19:
0x25d: {  	p0 =	sne.s32 s7, $0x1;
	s7 =	sadd.s32 $0xFFFFFFFF, s7;
	[sflag:s6] =	ssyncadd.s32 $0xFFFFFE00  }
0x25e: {  	_ =	swait.ge [sflag:s6], $0x200  }
0x25f: {  	[sflag:s6] =	ssyncset.done $0x0  }
0x260: {  	[sflag:s6] =	ssyncadd.s32 $0xFFFFFE00  }
0x261: {  	_ =	swait.ge [sflag:s6], $0x200  }
0x262: {  	[sflag:s6] =	ssyncset.done $0x0  }
0x263: {  	[sflag:s6] =	ssyncadd.s32 $0xFFFFFE00  }
.Ltmp8:
0x264: {  	_ =	swait.ge [sflag:s6], $0x200;
	(pc) =	sbr.rel @p0 .LBB2_19-.Ltmp8, $4  }
0x265: {  	[sflag:s6] =	ssyncset.done $0x0  }
0x266: {  	[sflag:s6] =	ssyncadd.s32 $0xFFFFFE00  }
0x267: {  	_ =	swait.ge [sflag:s6], $0x200  }
0x268: {  	[sflag:s6] =	ssyncset.done $0x0  }
0x269: {  	s7 =	simm.s32 $0x0  }
0x26a: {  	v2 =	vmov s7  }
0x26b: {  	v2 =	vshll.u32 v2, $0x3  }
0x26c: {  	v2 =	vor.u32 v1, v2;
	_ =	sdelay $0x1  }
0x26d: {  	v3 =	vor.u32 $0x1, v2;
	_ =	sdelay $0x1  }
0x26e: {  	[sflag:s6] =	ssyncadd.s32 $0xFFFFFE00;
	v4 =	vor.u32 $0x2, v2  }
0x26f: {  	v5 =	vld.idx.msk [tilespmem:v2+s25+$0x0], $0xffff  }
0x270: {  	v6 =	vld.idx.msk [tilespmem:v2+s3+$0x0], $0xffff  }
0x271: {  	v7 =	vld.idx.msk [tilespmem:v3+s25+$0x0], $0xffff  }
0x272: {  	v8 =	vld.idx.msk [tilespmem:v3+s3+$0x0], $0xffff  }
0x273: {  	v9 =	vld.idx.msk [tilespmem:v4+s3+$0x0], $0xffff  }
0x274: {  	v10 =	vld.idx.msk [tilespmem:v4+s25+$0x0], $0xffff;
	_ =	sdelay $0x2  }
0x275: {  	v11 =	vsub.f32 v6, v5;
	v12 =	vsub.f32 v8, v7;
	_ =	sdelay $0x1  }
0x276: {  	v13 =	vsub.f32 v9, v10;
	v14 =	vmul.f32 v11, v11;
	v15 =	vmul.f32 v12, v12;
	_ =	sdelay $0x1  }
0x277: {  	v50 =	vmul.f32 v13, v13;
	v14 =	vadd.f32 v15, v14;
	_ =	sdelay $0x1  }
0x278: {  	v14 =	vadd.f32 v50, v14;
	_ =	sdelay $0x1  }
0x279: {  	v14 =	vadd.f32 $9.999999960e-13, v14;
	_ =	sdelay $0x1  }
0x27a: {  	v51 =	vshra.s32 v14, $0x1;
	v14 =	vmul.f32 $5.000000000e-01, v14  }
0x27b: {  	v15 =	vsub.s32 $0x5F3759DF, v51  }
0x27c: {  	v16 =	vmul.f32 v15, v14;
	_ =	sdelay $0x1  }
0x27d: {  	v16 =	vmul.f32 v15, v16;
	_ =	sdelay $0x1  }
0x27e: {  	v16 =	vsub.f32 $1.500000000e+00, v16;
	_ =	sdelay $0x1  }
0x27f: {  	v15 =	vmul.f32 v15, v16;
	_ =	sdelay $0x1  }
0x280: {  	v16 =	vmul.f32 v15, v14  }
0x281: {  	v17 =	vld.idx.msk [tilespmem:v3+s23+$0x0], $0xffff  }
0x282: {  	v18 =	vld.idx.msk [tilespmem:v4+s5+$0x0], $0xffff;
	v16 =	vmul.f32 v16, v15  }
0x283: {  	v4 =	vld.idx.msk [tilespmem:v4+s23+$0x0], $0xffff  }
0x284: {  	v19 =	vld.idx.msk [tilespmem:v2+s5+$0x0], $0xffff;
	v16 =	vsub.f32 $1.500000000e+00, v16  }
0x285: {  	v2 =	vld.idx.msk [tilespmem:v2+s23+$0x0], $0xffff  }
0x286: {  	v3 =	vld.idx.msk [tilespmem:v3+s5+$0x0], $0xffff;
	v7 =	vsub.f32 v7, v17;
	v15 =	vmul.f32 v16, v15  }
0x287: {  	v9 =	vsub.f32 v18, v9  }
0x288: {  	v4 =	vsub.f32 v10, v4;
	v10 =	vmul.f32 v13, v7;
	v14 =	vmul.f32 v15, v14  }
0x289: {  	v6 =	vsub.f32 v19, v6;
	v7 =	vmul.f32 v11, v7;
	v52 =	vmul.f32 v9, v11  }
0x28a: {  	v2 =	vsub.f32 v5, v2;
	v53 =	vmul.f32 v12, v4;
	v14 =	vmul.f32 v14, v15  }
0x28b: {  	v3 =	vsub.f32 v3, v8;
	v4 =	vmul.f32 v11, v4;
	v5 =	vmul.f32 v6, v13  }
0x28c: {  	v9 =	vmul.f32 v9, v12;
	v6 =	vmul.f32 v6, v12;
	v14 =	vsub.f32 $1.500000000e+00, v14  }
0x28d: {  	v8 =	vmul.f32 v12, v2;
	v2 =	vmul.f32 v13, v2  }
0x28e: {  	v54 =	vmul.f32 v3, v13;
	v14 =	vmul.f32 v14, v15  }
0x28f: {  	v3 =	vmul.f32 v3, v11;
	v2 =	vsub.f32 v4, v2;
	v5 =	vsub.f32 v5, v52  }
0x290: {  	v7 =	vsub.f32 v8, v7;
	v8 =	vmul.f32 v14, v12;
	v55 =	vmul.f32 v14, v11  }
0x291: {  	v10 =	vsub.f32 v10, v53;
	v57 =	vmul.f32 v5, v2;
	v4 =	vmul.f32 v14, v13  }
0x292: {  	v9 =	vsub.f32 v9, v54;
	v11 =	vmul.f32 v8, v7;
	v56 =	vmul.f32 v55, v7  }
0x293: {  	v14 =	vmul.f32 v4, v2;
	v4 =	vmul.f32 v4, v10  }
0x294: {  	v3 =	vsub.f32 v3, v6;
	v6 =	vmul.f32 v8, v10;
	v8 =	vmul.f32 v9, v10  }
0x295: {  	v2 =	vmul.f32 v55, v2;
	v10 =	vsub.f32 v14, v11;
	v4 =	vsub.f32 v56, v4  }
0x296: {  	v7 =	vmul.f32 v3, v7;
	v8 =	vadd.f32 v57, v8  }
0x297: {  	v2 =	vsub.f32 v6, v2;
	v6 =	vmul.f32 v10, v9;
	v4 =	vmul.f32 v4, v5;
	_ =	sdelay $0x1  }
0x298: {  	v5 =	vadd.f32 v8, v7;
	v2 =	vmul.f32 v2, v3;
	v3 =	vadd.f32 v4, v6;
	_ =	sdelay $0x1  }
0x299: {  	v4 =	vadd.f32 $9.999999710e-10, v5;
	v2 =	vadd.f32 v3, v2;
	_ =	sdelay $0x1  }
0x29a: {  	v3 =	vmul.f32 v4, v4;
	v5 =	vmul.f32 v2, v2;
	_ =	sdelay $0x1  }
0x29b: {  	v3 =	vadd.f32 v5, v3;
	_ =	sdelay $0x1  }
0x29c: {  	v3 =	vmax.f32 v3, $1.000000000e-30  }
0x29d: {  	v5 =	vshra.s32 v3, $0x1;
	v3 =	vmul.f32 $5.000000000e-01, v3  }
0x29e: {  	v5 =	vsub.s32 $0x5F3759DF, v5  }
0x29f: {  	v6 =	vmul.f32 v5, v3;
	_ =	sdelay $0x1  }
0x2a0: {  	v6 =	vmul.f32 v5, v6;
	_ =	sdelay $0x1  }
0x2a1: {  	v6 =	vsub.f32 $1.500000000e+00, v6;
	_ =	sdelay $0x1  }
0x2a2: {  	v5 =	vmul.f32 v5, v6;
	_ =	sdelay $0x1  }
0x2a3: {  	v6 =	vmul.f32 v5, v3;
	_ =	sdelay $0x1  }
0x2a4: {  	v6 =	vmul.f32 v6, v5;
	_ =	sdelay $0x1  }
0x2a5: {  	v6 =	vsub.f32 $1.500000000e+00, v6;
	_ =	sdelay $0x1  }
0x2a6: {  	v5 =	vmul.f32 v6, v5;
	_ =	sdelay $0x1  }
0x2a7: {  	v3 =	vmul.f32 v5, v3;
	_ =	sdelay $0x1  }
0x2a8: {  	s7 =	simm.s32 $0x17C00;
	v3 =	vmul.f32 v3, v5  }
0x2a9: {  	v6 =	vld [tilespmem:s7+$0x0]  }
0x2aa: {  	v3 =	vsub.f32 $1.500000000e+00, v3;
	_ =	sdelay $0x1  }
0x2ab: {  	v3 =	vmul.f32 v3, v5;
	_ =	sdelay $0x1  }
0x2ac: {  	s9 =	simm.s32 $0x18600;
	v5 =	vxor.u32 $0x80000000, v6;
	v4 =	vmul.f32 v3, v4  }
0x2ad: {  	v7 =	vld [tilespmem:s9+$0x0];
	v5 =	vmax.f32 v5, $0.0e+00;
	v2 =	vmul.f32 v3, v2  }
0x2ae: {  	v5 =	vmul.f32 $8.742277650e-08, v5;
	v8 =	vadd.f32 v4, v4;
	v3 =	vmul.f32 v4, v6  }
0x2af: {  	v6 =	vand.u32 $0x7FFFFFFF, v6  }
0x2b0: {  	v5 =	vmul.f32 v2, v5;
	v3 =	vadd.f32 v3, v6;
	v6 =	vmul.f32 v8, v4  }
0x2b1: {  	s10 =	simm.s32 $0x19000  }
0x2b2: {  	v10 =	vld [tilespmem:s10+$0x0];
	v9 =	vxor.u32 $0x80000000, v7;
	v3 =	vsub.f32 v3, v5;
	v5 =	vadd.f32 $-1.000000000e+00, v6  }
0x2b3: {  	v9 =	vmax.f32 v9, $0.0e+00;
	v11 =	vmul.f32 v8, v2;
	v6 =	vand.u32 $0x7FFFFFFF, v7  }
0x2b4: {  	v9 =	vmul.f32 $8.742277650e-08, v9;
	v3 =	vadd.f32 v3, v6;
	v6 =	vmul.f32 v5, v7  }
0x2b5: {  	v7 =	vmul.f32 v11, v8  }
0x2b6: {  	v58 =	vmul.f32 v5, v8;
	v3 =	vadd.f32 v6, v3;
	v6 =	vmul.f32 v11, v9  }
0x2b7: {  	v9 =	vxor.u32 $0x80000000, v10;
	v2 =	vsub.f32 v7, v2  }
0x2b8: {  	s18 =	simm.s32 $0x19A00;
	v4 =	vsub.f32 v58, v4;
	v7 =	vmax.f32 v9, $0.0e+00;
	v3 =	vsub.f32 v3, v6  }
0x2b9: {  	v59 =	vld [tilespmem:s18+$0x0];
	v6 =	vand.u32 $0x7FFFFFFF, v10;
	v7 =	vmul.f32 $8.742277650e-08, v7;
	v9 =	vmul.f32 v2, v8  }
0x2ba: {  	v10 =	vmul.f32 v4, v10;
	v60 =	vmul.f32 v4, v8;
	v3 =	vadd.f32 v3, v6  }
0x2bb: {  	s19 =	simm.s32 $0x1A400;
	v6 =	vsub.f32 v9, v11  }
0x2bc: {  	v9 =	vld [tilespmem:s19+$0x0];
	v7 =	vmul.f32 v2, v7;
	v11 =	vsub.f32 v60, v5;
	v3 =	vadd.f32 v3, v10  }
0x2bd: {  	v5 =	vmul.f32 v6, v8  }
0x2be: {  	v10 =	vxor.u32 $0x80000000, v59;
	v13 =	vmul.f32 v11, v8;
	v3 =	vsub.f32 v3, v7  }
0x2bf: {  	v12 =	vmul.f32 v11, v59;
	v10 =	vmax.f32 v10, $0.0e+00;
	v7 =	vand.u32 $0x7FFFFFFF, v59  }
0x2c0: {  	v10 =	vmul.f32 $8.742277650e-08, v10;
	v4 =	vsub.f32 v13, v4;
	v7 =	vadd.f32 v3, v7  }
0x2c1: {  	v61 =	vxor.u32 $0x80000000, v9;
	v3 =	vsub.f32 v5, v2  }
0x2c2: {  	v2 =	vmul.f32 v4, v8;
	v10 =	vmul.f32 v6, v10;
	v7 =	vadd.f32 v7, v12  }
0x2c3: {  	s12 =	simm.s32 $0x1AE00;
	v62 =	vmax.f32 v61, $0.0e+00;
	v5 =	vmul.f32 v4, v9;
	v63 =	vmul.f32 v3, v8  }
0x2c4: {  	s13 =	simm.s32 $0x10;
	s15 =	simm.s32 $0x20;
	s14 =	simm.s32 $0x19010;
	v4 =	vsub.f32 v2, v11;
	v8 =	vsub.f32 v7, v10;
	v10 =	vand.u32 $0x7FFFFFFF, v9  }
0x2c5: {  	s10 =	simm.s32 $0x1AE10;
	v2 =	vsub.f32 v63, v6;
	v7 =	vmov s13;
	v9 =	vmul.f32 $8.742277650e-08, v62;
	v6 =	vld [tilespmem:s12+$0x0];
	s13 =	simm.s32 $0x19A10;
	s12 =	simm.s32 $0x1A410  }
.LBB2_21:
0x2c6: {  	s7 =	sadd.s32 $0x10, s7;
	s9 =	sadd.s32 $0x10, s9  }
0x2c7: {  	v7 =	vshll.u32 v7, $0x3;
	v8 =	vadd.f32 v8, v10;
	s18 =	smov.u32 s15;
	s19 =	sadd.s32 $0x10, s15;
	s16 =	smov.u32 s10  }
0x2c8: {  	p0 =	sne.s32 s15, $0x9F0;
	v7 =	vor.u32 v1, v7;
	v3 =	vmul.f32 v3, v9  }
0x2c9: {  	v9 =	vor.u32 $0x1, v7;
	v10 =	vor.u32 $0x2, v7;
	v5 =	vadd.f32 v8, v5;
	_ =	sdelay $0x1  }
0x2ca: {  	v3 =	vsub.f32 v5, v3;
	v5 =	vxor.u32 $0x80000000, v6  }
0x2cb: {  	v8 =	vand.u32 $0x7FFFFFFF, v6;
	v5 =	vmax.f32 v5, $0.0e+00  }
0x2cc: {  	v4 =	vmul.f32 v4, v6;
	v3 =	vadd.f32 v3, v8;
	v5 =	vmul.f32 $8.742277650e-08, v5  }
0x2cd: {  	v6 =	vld [tilespmem:$0x1B800]  }
0x2ce: {  	v3 =	vadd.f32 v3, v4;
	v2 =	vmul.f32 v2, v5;
	_ =	sdelay $0x1  }
0x2cf: {  	v2 =	vsub.f32 v3, v2;
	_ =	sdelay $0x1  }
0x2d0: {  	v2 =	vadd.f32 v2, v6;
	_ =	sdelay $0x1  }
0x2d1: {  	[tilespmem:$0x1B800] =	vst v2  }
0x2d2: {  	v2 =	vld.idx.msk [tilespmem:v7+s25+$0x0], $0xffff  }
0x2d3: {  	v3 =	vld.idx.msk [tilespmem:v7+s3+$0x0], $0xffff  }
0x2d4: {  	v4 =	vld.idx.msk [tilespmem:v9+s25+$0x0], $0xffff  }
0x2d5: {  	v5 =	vld.idx.msk [tilespmem:v9+s3+$0x0], $0xffff  }
0x2d6: {  	v6 =	vld.idx.msk [tilespmem:v10+s3+$0x0], $0xffff  }
0x2d7: {  	v8 =	vld.idx.msk [tilespmem:v10+s25+$0x0], $0xffff;
	_ =	sdelay $0x3  }
0x2d8: {  	v11 =	vsub.f32 v3, v2;
	v12 =	vsub.f32 v5, v4;
	_ =	sdelay $0x1  }
0x2d9: {  	v14 =	vmul.f32 v11, v11;
	v13 =	vsub.f32 v6, v8;
	v15 =	vmul.f32 v12, v12;
	_ =	sdelay $0x1  }
0x2da: {  	v14 =	vadd.f32 v15, v14;
	v15 =	vmul.f32 v13, v13;
	_ =	sdelay $0x1  }
0x2db: {  	v14 =	vadd.f32 v15, v14;
	_ =	sdelay $0x1  }
0x2dc: {  	v14 =	vadd.f32 $9.999999960e-13, v14;
	_ =	sdelay $0x1  }
0x2dd: {  	v15 =	vshra.s32 v14, $0x1;
	v14 =	vmul.f32 $5.000000000e-01, v14  }
0x2de: {  	v15 =	vsub.s32 $0x5F3759DF, v15  }
0x2df: {  	v16 =	vmul.f32 v15, v14;
	_ =	sdelay $0x1  }
0x2e0: {  	v16 =	vmul.f32 v15, v16;
	_ =	sdelay $0x1  }
0x2e1: {  	v16 =	vsub.f32 $1.500000000e+00, v16;
	_ =	sdelay $0x1  }
0x2e2: {  	v15 =	vmul.f32 v15, v16  }
0x2e3: {  	v16 =	vld.idx.msk [tilespmem:v9+s23+$0x0], $0xffff  }
0x2e4: {  	v18 =	vmul.f32 v15, v14;
	v17 =	vld.idx.msk [tilespmem:v10+s5+$0x0], $0xffff  }
0x2e5: {  	v10 =	vld.idx.msk [tilespmem:v10+s23+$0x0], $0xffff  }
0x2e6: {  	v18 =	vmul.f32 v18, v15;
	v19 =	vld.idx.msk [tilespmem:v7+s5+$0x0], $0xffff;
	_ =	sdelay $0x1  }
0x2e7: {  	v18 =	vsub.f32 $1.500000000e+00, v18;
	v7 =	vld.idx.msk [tilespmem:v7+s23+$0x0], $0xffff  }
0x2e8: {  	v4 =	vsub.f32 v4, v16  }
0x2e9: {  	v6 =	vsub.f32 v17, v6;
	v15 =	vmul.f32 v18, v15;
	v9 =	vld.idx.msk [tilespmem:v9+s5+$0x0], $0xffff  }
0x2ea: {  	v8 =	vsub.f32 v8, v10;
	v10 =	vmul.f32 v13, v4;
	v4 =	vmul.f32 v11, v4  }
0x2eb: {  	v3 =	vsub.f32 v19, v3;
	v16 =	vmul.f32 v6, v11;
	v14 =	vmul.f32 v15, v14  }
0x2ec: {  	v17 =	vmul.f32 v12, v8;
	v8 =	vmul.f32 v11, v8  }
0x2ed: {  	v2 =	vsub.f32 v2, v7;
	v7 =	vmul.f32 v3, v13;
	v14 =	vmul.f32 v14, v15  }
0x2ee: {  	v6 =	vmul.f32 v6, v12;
	v3 =	vmul.f32 v3, v12  }
0x2ef: {  	v5 =	vsub.f32 v9, v5;
	v9 =	vmul.f32 v12, v2;
	v14 =	vsub.f32 $1.500000000e+00, v14  }
0x2f0: {  	v2 =	vmul.f32 v13, v2  }
0x2f1: {  	v18 =	vmul.f32 v5, v13;
	v14 =	vmul.f32 v14, v15  }
0x2f2: {  	v10 =	vsub.f32 v10, v17;
	v5 =	vmul.f32 v5, v11  }
0x2f3: {  	v4 =	vsub.f32 v9, v4;
	v9 =	vmul.f32 v14, v11;
	v11 =	vmul.f32 v14, v12  }
0x2f4: {  	v7 =	vsub.f32 v7, v16;
	v2 =	vsub.f32 v8, v2;
	v8 =	vmul.f32 v14, v13  }
0x2f5: {  	v6 =	vsub.f32 v6, v18;
	v12 =	vmul.f32 v11, v4;
	v13 =	vmul.f32 v9, v4  }
0x2f6: {  	v15 =	vmul.f32 v7, v2;
	v14 =	vmul.f32 v8, v2  }
0x2f7: {  	v3 =	vsub.f32 v5, v3;
	v5 =	vmul.f32 v11, v10;
	v11 =	vmul.f32 v6, v10  }
0x2f8: {  	v8 =	vmul.f32 v8, v10;
	v2 =	vmul.f32 v9, v2;
	v12 =	vsub.f32 v14, v12  }
0x2f9: {  	v4 =	vmul.f32 v3, v4;
	v9 =	vadd.f32 v15, v11  }
0x2fa: {  	v8 =	vsub.f32 v13, v8;
	v2 =	vsub.f32 v5, v2;
	v5 =	vmul.f32 v12, v6  }
0x2fb: {  	v4 =	vadd.f32 v9, v4  }
0x2fc: {  	v6 =	vmul.f32 v8, v7;
	v2 =	vmul.f32 v2, v3;
	_ =	sdelay $0x1  }
0x2fd: {  	v3 =	vadd.f32 $9.999999710e-10, v4;
	v4 =	vadd.f32 v6, v5;
	_ =	sdelay $0x1  }
0x2fe: {  	v2 =	vadd.f32 v4, v2;
	v4 =	vmul.f32 v3, v3;
	_ =	sdelay $0x1  }
0x2ff: {  	v5 =	vmul.f32 v2, v2;
	_ =	sdelay $0x1  }
0x300: {  	v4 =	vadd.f32 v5, v4;
	_ =	sdelay $0x1  }
0x301: {  	v4 =	vmax.f32 v4, $1.000000000e-30  }
0x302: {  	v5 =	vshra.s32 v4, $0x1;
	v4 =	vmul.f32 $5.000000000e-01, v4  }
0x303: {  	v5 =	vsub.s32 $0x5F3759DF, v5  }
0x304: {  	v6 =	vmul.f32 v5, v4;
	_ =	sdelay $0x1  }
0x305: {  	v6 =	vmul.f32 v5, v6;
	_ =	sdelay $0x1  }
0x306: {  	v6 =	vsub.f32 $1.500000000e+00, v6;
	_ =	sdelay $0x1  }
0x307: {  	v5 =	vmul.f32 v5, v6;
	_ =	sdelay $0x1  }
0x308: {  	v6 =	vmul.f32 v5, v4;
	_ =	sdelay $0x1  }
0x309: {  	v6 =	vmul.f32 v6, v5  }
0x30a: {  	v7 =	vld [tilespmem:s7+$0x0]  }
0x30b: {  	v6 =	vsub.f32 $1.500000000e+00, v6;
	_ =	sdelay $0x1  }
0x30c: {  	v5 =	vmul.f32 v6, v5;
	_ =	sdelay $0x1  }
0x30d: {  	v4 =	vmul.f32 v5, v4;
	v6 =	vxor.u32 $0x80000000, v7  }
0x30e: {  	v6 =	vmax.f32 v6, $0.0e+00;
	v8 =	vld [tilespmem:s9+$0x0]  }
0x30f: {  	v4 =	vmul.f32 v4, v5  }
0x310: {  	v9 =	vand.u32 $0x7FFFFFFF, v7  }
0x311: {  	v4 =	vsub.f32 $1.500000000e+00, v4;
	_ =	sdelay $0x1  }
0x312: {  	v4 =	vmul.f32 v4, v5;
	v5 =	vxor.u32 $0x80000000, v8  }
0x313: {  	v10 =	vand.u32 $0x7FFFFFFF, v8;
	v5 =	vmax.f32 v5, $0.0e+00  }
0x314: {  	v3 =	vmul.f32 v4, v3;
	v2 =	vmul.f32 v4, v2;
	_ =	sdelay $0x1  }
0x315: {  	v6 =	vmul.f32 $8.742277650e-08, v6;
	v4 =	vadd.f32 v3, v3;
	v7 =	vmul.f32 v3, v7;
	v11 =	vld [tilespmem:s14+$0x0];
	_ =	sdelay $0x1  }
0x316: {  	v6 =	vmul.f32 v2, v6;
	v7 =	vadd.f32 v7, v9;
	v9 =	vmul.f32 v4, v3  }
0x317: {  	v12 =	vmul.f32 v4, v2  }
0x318: {  	v6 =	vsub.f32 v7, v6;
	v7 =	vadd.f32 $-1.000000000e+00, v9  }
0x319: {  	v5 =	vmul.f32 $8.742277650e-08, v5;
	v9 =	vmul.f32 v12, v4;
	v13 =	vxor.u32 $0x80000000, v11  }
0x31a: {  	v6 =	vadd.f32 v6, v10;
	v8 =	vmul.f32 v7, v8;
	v10 =	vand.u32 $0x7FFFFFFF, v11  }
0x31b: {  	v14 =	vmul.f32 v7, v4;
	v2 =	vsub.f32 v9, v2;
	v9 =	vmax.f32 v13, $0.0e+00  }
0x31c: {  	v5 =	vmul.f32 v12, v5;
	v6 =	vadd.f32 v8, v6;
	v8 =	vmul.f32 $8.742277650e-08, v9;
	v9 =	vld [tilespmem:s12+$0x0]  }
0x31d: {  	v3 =	vsub.f32 v14, v3;
	v13 =	vmul.f32 v2, v4;
	v14 =	vld [tilespmem:s13+$0x0]  }
0x31e: {  	v5 =	vsub.f32 v6, v5;
	v6 =	vmul.f32 v2, v8  }
0x31f: {  	v12 =	vsub.f32 v13, v12;
	v8 =	vmul.f32 v3, v11;
	v11 =	vmul.f32 v3, v4  }
0x320: {  	v5 =	vadd.f32 v5, v10  }
0x321: {  	v10 =	vmul.f32 v12, v4;
	v7 =	vsub.f32 v11, v7;
	v11 =	vxor.u32 $0x80000000, v9  }
0x322: {  	v5 =	vadd.f32 v5, v8;
	v8 =	vand.u32 $0x7FFFFFFF, v14;
	v13 =	vxor.u32 $0x80000000, v14  }
0x323: {  	v15 =	vmul.f32 v7, v4;
	v14 =	vmul.f32 v7, v14;
	v13 =	vmax.f32 v13, $0.0e+00  }
0x324: {  	v5 =	vsub.f32 v5, v6;
	v11 =	vmax.f32 v11, $0.0e+00;
	v6 =	vmul.f32 $8.742277650e-08, v13  }
0x325: {  	v13 =	vsub.f32 v15, v3;
	v3 =	vsub.f32 v10, v2  }
0x326: {  	v2 =	vadd.f32 v5, v8  }
.Ltmp9:
0x327: {  	v5 =	vmul.f32 v13, v9;
	v8 =	vmul.f32 v13, v4;
	(pc) =	sbr.rel @p0 .LBB2_21-.Ltmp9, $4  }
0x328: {  	v2 =	vadd.f32 v2, v14;
	v6 =	vmul.f32 v12, v6;
	v10 =	vmul.f32 v3, v4  }
0x329: {  	v4 =	vsub.f32 v8, v7  }
0x32a: {  	s10 =	sadd.s32 $0x10, s10;
	s15 =	smov.u32 s19;
	v8 =	vsub.f32 v2, v6;
	v2 =	vsub.f32 v10, v12  }
0x32b: {  	s14 =	sadd.s32 $0x10, s14;
	s12 =	sadd.s32 $0x10, s12;
	s13 =	sadd.s32 $0x10, s13;
	v7 =	vmov s18;
	v10 =	vand.u32 $0x7FFFFFFF, v9;
	v9 =	vmul.f32 $8.742277650e-08, v11;
	v6 =	vld [tilespmem:s16+$0x0]  }
0x32c: {  	v8 =	vadd.f32 v8, v10;
	_ =	sdelay $0x1  }
0x32d: {  	v3 =	vmul.f32 v3, v9;
	v5 =	vadd.f32 v8, v5;
	_ =	sdelay $0x1  }
0x32e: {  	v3 =	vsub.f32 v5, v3;
	v44 =	vxor.u32 $0x80000000, v6  }
0x32f: {  	v45 =	vand.u32 $0x7FFFFFFF, v6;
	v5 =	vmax.f32 v44, $0.0e+00  }
0x330: {  	v4 =	vmul.f32 v4, v6;
	v3 =	vadd.f32 v3, v45;
	v5 =	vmul.f32 $8.742277650e-08, v5  }
0x331: {  	v46 =	vld [tilespmem:$0x1B800]  }
0x332: {  	v3 =	vadd.f32 v3, v4;
	v2 =	vmul.f32 v2, v5  }
0x333: {  	v47 =	vshll.u32 v7, $0x3  }
0x334: {  	v4 =	vor.u32 v1, v47;
	v2 =	vsub.f32 v3, v2;
	_ =	sdelay $0x1  }
0x335: {  	v3 =	vor.u32 $0x1, v4;
	v2 =	vadd.f32 v2, v46;
	_ =	sdelay $0x1  }
0x336: {  	v48 =	vor.u32 $0x2, v4;
	[tilespmem:$0x1B800] =	vst v2  }
0x337: {  	v2 =	vld.idx.msk [tilespmem:v4+s25+$0x0], $0xffff  }
0x338: {  	v49 =	vld.idx.msk [tilespmem:v4+s3+$0x0], $0xffff  }
0x339: {  	v50 =	vld.idx.msk [tilespmem:v3+s25+$0x0], $0xffff  }
0x33a: {  	v51 =	vld.idx.msk [tilespmem:v3+s3+$0x0], $0xffff  }
0x33b: {  	v52 =	vld.idx.msk [tilespmem:v48+s3+$0x0], $0xffff  }
0x33c: {  	v53 =	vld.idx.msk [tilespmem:v48+s25+$0x0], $0xffff;
	_ =	sdelay $0x2  }
0x33d: {  	v11 =	vsub.f32 v49, v2;
	v12 =	vsub.f32 v51, v50;
	_ =	sdelay $0x1  }
0x33e: {  	v13 =	vsub.f32 v52, v53;
	v14 =	vmul.f32 v11, v11;
	v15 =	vmul.f32 v12, v12;
	_ =	sdelay $0x1  }
0x33f: {  	v54 =	vmul.f32 v13, v13;
	v14 =	vadd.f32 v15, v14;
	_ =	sdelay $0x1  }
0x340: {  	v14 =	vadd.f32 v54, v14;
	_ =	sdelay $0x1  }
0x341: {  	v14 =	vadd.f32 $9.999999960e-13, v14;
	_ =	sdelay $0x1  }
0x342: {  	v55 =	vshra.s32 v14, $0x1;
	v14 =	vmul.f32 $5.000000000e-01, v14  }
0x343: {  	v15 =	vsub.s32 $0x5F3759DF, v55  }
0x344: {  	v16 =	vmul.f32 v15, v14;
	_ =	sdelay $0x1  }
0x345: {  	v16 =	vmul.f32 v15, v16;
	_ =	sdelay $0x1  }
0x346: {  	v16 =	vsub.f32 $1.500000000e+00, v16;
	_ =	sdelay $0x1  }
0x347: {  	v15 =	vmul.f32 v15, v16;
	_ =	sdelay $0x1  }
0x348: {  	v16 =	vmul.f32 v15, v14  }
0x349: {  	v17 =	vld.idx.msk [tilespmem:v3+s23+$0x0], $0xffff  }
0x34a: {  	v18 =	vld.idx.msk [tilespmem:v48+s5+$0x0], $0xffff;
	v16 =	vmul.f32 v16, v15  }
0x34b: {  	v5 =	vld.idx.msk [tilespmem:v48+s23+$0x0], $0xffff  }
0x34c: {  	v19 =	vld.idx.msk [tilespmem:v4+s5+$0x0], $0xffff;
	v16 =	vsub.f32 $1.500000000e+00, v16  }
0x34d: {  	v4 =	vld.idx.msk [tilespmem:v4+s23+$0x0], $0xffff  }
0x34e: {  	v3 =	vld.idx.msk [tilespmem:v3+s5+$0x0], $0xffff;
	v7 =	vsub.f32 v50, v17;
	v15 =	vmul.f32 v16, v15  }
0x34f: {  	v9 =	vsub.f32 v18, v52  }
0x350: {  	v5 =	vsub.f32 v53, v5;
	v56 =	vmul.f32 v13, v7;
	v14 =	vmul.f32 v15, v14  }
0x351: {  	v6 =	vsub.f32 v19, v49;
	v7 =	vmul.f32 v11, v7;
	v57 =	vmul.f32 v9, v11  }
0x352: {  	v2 =	vsub.f32 v2, v4;
	v58 =	vmul.f32 v12, v5;
	v14 =	vmul.f32 v14, v15  }
0x353: {  	v3 =	vsub.f32 v3, v51;
	v5 =	vmul.f32 v11, v5;
	v59 =	vmul.f32 v6, v13  }
0x354: {  	v9 =	vmul.f32 v9, v12;
	v6 =	vmul.f32 v6, v12;
	v14 =	vsub.f32 $1.500000000e+00, v14  }
0x355: {  	v60 =	vmul.f32 v12, v2;
	v2 =	vmul.f32 v13, v2  }
0x356: {  	v61 =	vmul.f32 v3, v13;
	v14 =	vmul.f32 v14, v15  }
0x357: {  	v3 =	vmul.f32 v3, v11;
	v2 =	vsub.f32 v5, v2;
	v4 =	vsub.f32 v59, v57  }
0x358: {  	v7 =	vsub.f32 v60, v7;
	v62 =	vmul.f32 v14, v12;
	v63 =	vmul.f32 v14, v11  }
0x359: {  	v10 =	vsub.f32 v56, v58;
	v21 =	vmul.f32 v4, v2;
	v18 =	vmul.f32 v14, v13  }
0x35a: {  	v9 =	vsub.f32 v9, v61;
	v19 =	vmul.f32 v62, v7;
	v20 =	vmul.f32 v63, v7  }
0x35b: {  	v14 =	vmul.f32 v18, v2;
	v5 =	vmul.f32 v18, v10  }
0x35c: {  	v3 =	vsub.f32 v3, v6;
	v23 =	vmul.f32 v9, v10;
	v22 =	vmul.f32 v62, v10  }
0x35d: {  	v2 =	vmul.f32 v63, v2;
	v24 =	vsub.f32 v14, v19;
	v5 =	vsub.f32 v20, v5  }
0x35e: {  	v8 =	vadd.f32 v21, v23;
	v7 =	vmul.f32 v3, v7  }
0x35f: {  	v2 =	vsub.f32 v22, v2;
	v25 =	vmul.f32 v24, v9;
	v4 =	vmul.f32 v5, v4;
	_ =	sdelay $0x1  }
0x360: {  	v26 =	vadd.f32 v8, v7;
	v2 =	vmul.f32 v2, v3;
	v3 =	vadd.f32 v4, v25;
	_ =	sdelay $0x1  }
0x361: {  	v27 =	vadd.f32 $9.999999710e-10, v26;
	v2 =	vadd.f32 v3, v2;
	_ =	sdelay $0x1  }
0x362: {  	v3 =	vmul.f32 v27, v27;
	v28 =	vmul.f32 v2, v2;
	_ =	sdelay $0x1  }
0x363: {  	v3 =	vadd.f32 v28, v3;
	_ =	sdelay $0x1  }
0x364: {  	v3 =	vmax.f32 v3, $1.000000000e-30  }
0x365: {  	v29 =	vshra.s32 v3, $0x1;
	v3 =	vmul.f32 $5.000000000e-01, v3  }
0x366: {  	v5 =	vsub.s32 $0x5F3759DF, v29  }
0x367: {  	v30 =	vmul.f32 v5, v3;
	_ =	sdelay $0x1  }
0x368: {  	v6 =	vmul.f32 v5, v30;
	_ =	sdelay $0x1  }
0x369: {  	v6 =	vsub.f32 $1.500000000e+00, v6;
	_ =	sdelay $0x1  }
0x36a: {  	v5 =	vmul.f32 v5, v6;
	_ =	sdelay $0x1  }
0x36b: {  	v6 =	vmul.f32 v5, v3;
	_ =	sdelay $0x1  }
0x36c: {  	v6 =	vmul.f32 v6, v5;
	_ =	sdelay $0x1  }
0x36d: {  	v6 =	vsub.f32 $1.500000000e+00, v6;
	_ =	sdelay $0x1  }
0x36e: {  	v5 =	vmul.f32 v6, v5;
	_ =	sdelay $0x1  }
0x36f: {  	v3 =	vmul.f32 v5, v3  }
0x370: {  	s7 =	sadd.s32 $0x10, s7  }
0x371: {  	v31 =	vld [tilespmem:s7+$0x0];
	v3 =	vmul.f32 v3, v5;
	_ =	sdelay $0x1  }
0x372: {  	v3 =	vsub.f32 $1.500000000e+00, v3;
	_ =	sdelay $0x1  }
0x373: {  	v3 =	vmul.f32 v3, v5  }
0x374: {  	s19 =	sadd.s32 $0x10, s9;
	v32 =	vxor.u32 $0x80000000, v31  }
0x375: {  	v33 =	vld [tilespmem:s19+$0x0];
	v5 =	vmax.f32 v32, $0.0e+00;
	v4 =	vmul.f32 v3, v27  }
0x376: {  	v5 =	vmul.f32 $8.742277650e-08, v5  }
0x377: {  	v2 =	vmul.f32 v3, v2;
	v3 =	vadd.f32 v4, v4;
	v34 =	vmul.f32 v4, v31  }
0x378: {  	v6 =	vand.u32 $0x7FFFFFFF, v31  }
0x379: {  	v39 =	vld [tilespmem:s14+$0x0];
	v5 =	vmul.f32 v2, v5;
	v6 =	vadd.f32 v34, v6;
	v35 =	vmul.f32 v3, v4  }
0x37a: {  	v36 =	vxor.u32 $0x80000000, v33  }
0x37b: {  	v9 =	vmax.f32 v36, $0.0e+00;
	v5 =	vsub.f32 v6, v5;
	v37 =	vadd.f32 $-1.000000000e+00, v35  }
0x37c: {  	v38 =	vand.u32 $0x7FFFFFFF, v33;
	v9 =	vmul.f32 $8.742277650e-08, v9  }
0x37d: {  	v40 =	vmul.f32 v3, v2;
	v5 =	vadd.f32 v5, v38;
	v7 =	vmul.f32 v37, v33  }
0x37e: {  	v44 =	vxor.u32 $0x80000000, v39  }
0x37f: {  	v42 =	vmul.f32 v40, v9;
	v41 =	vmul.f32 v37, v3;
	v5 =	vadd.f32 v7, v5  }
0x380: {  	v46 =	vmax.f32 v44, $0.0e+00  }
0x381: {  	v47 =	vld [tilespmem:s13+$0x0];
	v43 =	vmul.f32 v40, v3;
	v4 =	vsub.f32 v41, v4;
	v5 =	vsub.f32 v5, v42  }
0x382: {  	v45 =	vand.u32 $0x7FFFFFFF, v39;
	v8 =	vmul.f32 $8.742277650e-08, v46  }
0x383: {  	v2 =	vsub.f32 v43, v2;
	v10 =	vmul.f32 v4, v39;
	v5 =	vadd.f32 v5, v45;
	_ =	sdelay $0x1  }
0x384: {  	v48 =	vmul.f32 v2, v8;
	v49 =	vmul.f32 v4, v3;
	v5 =	vadd.f32 v5, v10  }
0x385: {  	v51 =	vxor.u32 $0x80000000, v47;
	v50 =	vmul.f32 v2, v3  }
0x386: {  	v8 =	vmax.f32 v51, $0.0e+00;
	v6 =	vsub.f32 v49, v37;
	v5 =	vsub.f32 v5, v48  }
0x387: {  	v52 =	vld [tilespmem:s12+$0x0];
	v53 =	vand.u32 $0x7FFFFFFF, v47;
	v8 =	vmul.f32 $8.742277650e-08, v8  }
0x388: {  	v10 =	vsub.f32 v50, v40;
	v9 =	vmul.f32 v6, v47;
	v5 =	vadd.f32 v5, v53;
	_ =	sdelay $0x1  }
0x389: {  	v54 =	vmul.f32 v6, v3;
	v8 =	vmul.f32 v10, v8;
	v5 =	vadd.f32 v5, v9  }
0x38a: {  	v55 =	vmul.f32 v10, v3  }
0x38b: {  	v56 =	vxor.u32 $0x80000000, v52;
	v4 =	vsub.f32 v54, v4;
	v5 =	vsub.f32 v5, v8  }
0x38c: {  	v59 =	vld [tilespmem:s10+$0x0];
	v58 =	vand.u32 $0x7FFFFFFF, v52;
	v57 =	vmax.f32 v56, $0.0e+00;
	v2 =	vsub.f32 v55, v2  }
0x38d: {  	v7 =	vmul.f32 v4, v52;
	v8 =	vmul.f32 $8.742277650e-08, v57;
	v5 =	vadd.f32 v5, v58;
	_ =	sdelay $0x1  }
0x38e: {  	v4 =	vmul.f32 v4, v3;
	v8 =	vmul.f32 v2, v8;
	v5 =	vadd.f32 v5, v7  }
0x38f: {  	v2 =	vmul.f32 v2, v3  }
0x390: {  	v61 =	vxor.u32 $0x80000000, v59;
	v3 =	vsub.f32 v4, v6;
	v60 =	vsub.f32 v5, v8  }
0x391: {  	v62 =	vand.u32 $0x7FFFFFFF, v59;
	v2 =	vsub.f32 v2, v10;
	v5 =	vmax.f32 v61, $0.0e+00  }
0x392: {  	v3 =	vmul.f32 v3, v59;
	v5 =	vmul.f32 $8.742277650e-08, v5;
	v4 =	vadd.f32 v60, v62  }
0x393: {  	v63 =	vld [tilespmem:$0x1B800]  }
0x394: {  	s4 =	sadd.s32 $0x1, s4;
	v2 =	vmul.f32 v2, v5;
	v3 =	vadd.f32 v4, v3  }
0x395: {  	p0 =	sne.s32 s4, s24  }
.Ltmp10:
0x396: {  	v2 =	vsub.f32 v3, v2;
	(pc) =	sbr.rel @p0 .LBB2_16-.Ltmp10, $3  }
0x397: {  	_ = 	snop  }
0x398: {  	v2 =	vadd.f32 v2, v63;
	_ =	sdelay $0x1  }
0x399: {  	[tilespmem:$0x1B800] =	vst v2  }
0x39a: {  	s1 =	simm.s32 $0x0  }
0x39b: {  	s4 =	rddreg [dreg:$0x10];
	s7 =	simm.s32 $0x1B800;
	s16 =	simm.s32 $0x4  }
0x39c: {  	[hbm4b:s4+s1] =	stream.linear.scatter [tilespmem:s7], [sflag:$0x4], $0x10, $0x38;
	[tilespmem:$0x1B810] =	vst v63  }
0x39d: {  	_ =	swait.ge [sflag:s16], $0x10  }
0x39e: {  	s18 =	rddreg [dreg:$0x12]  }
0x39f: {  	s19 =	rddreg [dreg:$0x11];
	s7 =	sadd.s32 $0x1, s18  }
0x3a0: {  	[sflag:s16] =	ssyncset.done $0x0;
	p0 =	sne.s32 s7, s19  }
.Ltmp11:
0x3a1: {  	s14 =	rddreg [dreg:$0x6];
	[sflag:s16] =	ssyncadd.s32 $0xFFFFFFF0;
	(pc) =	sbr.rel @p0 .LBB2_1-.Ltmp11, $4  }
0x3a2: {  	s12 =	rddreg [dreg:$0x1]  }
0x3a3: {  	s13 =	rddreg [dreg:$0x2]  }
0x3a4: {  	s15 =	rddreg [dreg:$0x3]  }
0x3a5: {  	s16 =	rddreg [dreg:$0x4]  }
0x3a6: {  	_ =	sfence.sel $0x180000  }
0x3a7: {  	[bflag:$0x0] =	sbarrier.arrive $0xFFFF  }
0x3a8: {  	_ =	strace $0x90000047  }
0x3a9: {  	s0 =	stileid.u32;
	[bflag:$0x2] =	sbarrier.arrive $0xFFFF  }
0x3aa: {  	p0 =	sne.s32 s0, $0x0;
	s0 =	rddreg [dreg:$0x5]  }
0x3ab: {  	s0 =	sadd.s32 @!p0 $0x100000, s0  }
0x3ac: {  	[sflag:s0] =	ssyncadd.tile.s32 @!p0 $0x1;
	_ =	shalt  }
.Lfunc_end2:
_tile_overlayer_lowered:
.L_overlay_start_2:
0x3ad: {  	(tag) =	ssettag $0x2  }
0x3ae: {  	s0 =	rddreg [dreg:$0x0];
	s2 =	stileid.u32  }
0x3af: {  	s1 =	rddreg [dreg:$0x1];
	p0 =	sne.s32 s2, $0x0  }
0x3b0: {  	s3 =	rddreg [dreg:$0x2];
	[bflag:$0x3] =	sbarrier.arrive $0xFFFF;
	s2 =	simm.s32 @!p0 $0x1C04  }
0x3b1: {  	[timem:s3], [sflag:s2] =	dma.local @!p0 [hbm:s0], s1  }
0x3b2: {  	s0 =	simm.s32 @!p0 $0x4  }
0x3b3: {  	_ =	swait.ge @!p0 [sflag:s0], s1  }
0x3b4: {  	s1 =	ssub.s32 @!p0 $0x0, s1;
	[sflag:s0] =	ssyncset.done @!p0 $0x0  }
0x3b5: {  	[sflag:s0] =	ssyncadd.s32 @!p0 s1  }
0x3b6: {  	[bflag:$0x3] =	sbarrier.arrive $0xFFFF  }
0x3b7: {  	_ =	shalt  }

</sc_bundles>
